<compile_context>
chip_gen: v7x
topology: tpu7x:2x2x1
jax: 0.10.2.dev20260603
libtpu: 0.0.44.dev20260713+nightly
codegen_flags: <defaults>
</compile_context>

<pallas_src>
import functools
import jax
import jax.numpy as jnp
from jax import lax
from jax.experimental import pallas as pl
from jax.experimental.pallas import tpu as pltpu
from jax.experimental.pallas import tpu_sc as plsc

N = 10000
E = 160000
F_IN = 256
HID = 256
HEADS = 8
NCLS = 40

NPAD = 10240
CH = 4096
EPAD = 163840
D1 = HEADS * HID
COLB = 512
PKS = 14

_MESH = plsc.VectorSubcoreMesh(core_axis_name="c", subcore_axis_name="s")
_SC_PARAMS = pltpu.CompilerParams(needs_layout_passes=False)


def _unpack_edges(v):
    svec = v & jnp.int32((1 << PKS) - 1)
    dvec = lax.shift_right_logical(v, jnp.int32(PKS))
    return svec, dvec


def _mm1_body(xT_ref, w_ref, a_ref, hT_ref, aT_ref, hTp_ref):
    h = jnp.dot(w_ref[...], xT_ref[...], preferred_element_type=jnp.float32)
    hT_ref[...] = h
    aT_ref[...] = jnp.dot(a_ref[...], h, preferred_element_type=jnp.float32)
    hb = lax.bitcast_convert_type(h.astype(jnp.bfloat16), jnp.uint16)
    hb = hb.astype(jnp.uint32).reshape(D1 // 2, 2, COLB)
    word = hb[:, 0, :] | (hb[:, 1, :] << 16)
    hTp_ref[...] = lax.bitcast_convert_type(word, jnp.int32)


def _layer1_matmul(xT, W1T, A1T):
    return pl.pallas_call(
        _mm1_body,
        grid=(NPAD // COLB,),
        in_specs=[
            pl.BlockSpec((F_IN, COLB), lambda j: (0, j)),
            pl.BlockSpec((D1, F_IN), lambda j: (0, 0)),
            pl.BlockSpec((16, D1), lambda j: (0, 0)),
        ],
        out_specs=[
            pl.BlockSpec((D1, COLB), lambda j: (0, j)),
            pl.BlockSpec((16, COLB), lambda j: (0, j)),
            pl.BlockSpec((D1 // 2, COLB), lambda j: (0, j)),
        ],
        out_shape=[
            jax.ShapeDtypeStruct((D1, NPAD), jnp.float32),
            jax.ShapeDtypeStruct((16, NPAD), jnp.float32),
            jax.ShapeDtypeStruct((D1 // 2, NPAD), jnp.int32),
        ],
    )(xT, W1T, A1T)


def _k1_body(aT_hbm, pk_hbm, exT_hbm, denomP_hbm,
             as_tab, ad_tab, dn_tab, pkbuf, exbuf):
    wid = lax.axis_index("s") * 2 + lax.axis_index("c")
    head = wid // 4
    sl = wid % 4
    pltpu.sync_copy(aT_hbm.at[head], as_tab)
    pltpu.sync_copy(aT_hbm.at[8 + head], ad_tab)

    @plsc.parallel_loop(0, NPAD // 16, unroll=8)
    def _zero(j):
        dn_tab[pl.ds(j * 16, 16)] = jnp.zeros((16,), jnp.float32)

    esl = EPAD // 4
    e_base = sl * esl

    def _chunk(ch, _):
        off = e_base + ch * CH
        pltpu.sync_copy(pk_hbm.at[pl.ds(off, CH)], pkbuf)

        @plsc.parallel_loop(0, CH // 16, unroll=8)
        def _iter(i):
            svec, dvec = _unpack_edges(pkbuf[pl.ds(i * 16, 16)])
            z = (plsc.load_gather(as_tab, [svec])
                 + plsc.load_gather(ad_tab, [dvec]))
            ex = jnp.exp(jnp.maximum(z, 0.2 * z))
            exbuf[pl.ds(i * 16, 16)] = ex
            plsc.addupdate_scatter(dn_tab, [dvec], ex)

        pltpu.sync_copy(exbuf, exT_hbm.at[head, pl.ds(off, CH)])
        return 0

    lax.fori_loop(0, esl // CH, _chunk, 0)
    pltpu.sync_copy(dn_tab, denomP_hbm.at[wid])


_k1 = functools.partial(
    pl.kernel,
    out_type=[
        jax.ShapeDtypeStruct((HEADS, EPAD), jnp.float32),
        jax.ShapeDtypeStruct((32, NPAD), jnp.float32),
    ],
    mesh=_MESH,
    compiler_params=_SC_PARAMS,
    scratch_types=[
        pltpu.VMEM((NPAD,), jnp.float32),
        pltpu.VMEM((NPAD,), jnp.float32),
        pltpu.VMEM((NPAD,), jnp.float32),
        pltpu.VMEM((CH,), jnp.int32),
        pltpu.VMEM((CH,), jnp.float32),
    ],
)(_k1_body)


def _k2_body(hTp_hbm, exT_hbm, pk_hbm, out1T_hbm,
             p0t, p1t, a0, a1, a2, a3, pkbuf, ebuf, sem):
    wid = lax.axis_index("s") * 2 + lax.axis_index("c")
    head = wid // 4
    col0 = head * HID + (wid % 4) * 64
    ptabs = (p0t, p1t)
    atabs = (a0, a1, a2, a3)
    nch = EPAD // CH

    def _start(ch):
        off = ch * CH
        so = lax.rem(ch, 2) * CH
        pltpu.async_copy(pk_hbm.at[pl.ds(off, CH)], pkbuf.at[pl.ds(so, CH)], sem)
        pltpu.async_copy(exT_hbm.at[head, pl.ds(off, CH)], ebuf.at[pl.ds(so, CH)], sem)

    def _wait(ch):
        off = ch * CH
        so = lax.rem(ch, 2) * CH
        pltpu.make_async_copy(pk_hbm.at[pl.ds(off, CH)], pkbuf.at[pl.ds(so, CH)], sem).wait()
        pltpu.make_async_copy(exT_hbm.at[head, pl.ds(off, CH)], ebuf.at[pl.ds(so, CH)], sem).wait()

    def _batch(b, _):
        row0 = col0 + b * 4
        for p in range(2):
            pltpu.sync_copy(hTp_hbm.at[col0 // 2 + b * 2 + p], ptabs[p])

        @plsc.parallel_loop(0, NPAD // 16, unroll=8)
        def _zero(j):
            z = jnp.zeros((16,), jnp.float32)
            for c in range(4):
                atabs[c][pl.ds(j * 16, 16)] = z

        _start(0)

        def _chunk(ch, _):
            _wait(ch)

            @pl.when(ch + 1 < nch)
            def _():
                _start(ch + 1)

            so = lax.rem(ch, 2) * CH

            @plsc.parallel_loop(0, CH // 16, unroll=16)
            def _iter(i):
                base = so + i * 16
                svec, dvec = _unpack_edges(pkbuf[pl.ds(base, 16)])
                evec = ebuf[pl.ds(base, 16)]
                for p in range(2):
                    w = plsc.load_gather(ptabs[p], [svec])
                    lo = plsc.bitcast(lax.shift_left(w, 16), jnp.float32)
                    hi = plsc.bitcast(w & jnp.int32(-65536), jnp.float32)
                    plsc.addupdate_scatter(atabs[2 * p], [dvec], lo * evec)
                    plsc.addupdate_scatter(atabs[2 * p + 1], [dvec], hi * evec)

            return 0

        lax.fori_loop(0, nch, _chunk, 0)
        for c in range(4):
            pltpu.sync_copy(atabs[c], out1T_hbm.at[row0 + c])
        return 0

    lax.fori_loop(0, 16, _batch, 0)


_k2 = functools.partial(
    pl.kernel,
    out_type=jax.ShapeDtypeStruct((D1, NPAD), jnp.float32),
    mesh=_MESH,
    compiler_params=_SC_PARAMS,
    scratch_types=(
        [pltpu.VMEM((NPAD,), jnp.int32)] * 2
        + [pltpu.VMEM((NPAD,), jnp.float32)] * 4
        + [pltpu.VMEM((2 * CH,), jnp.int32),
           pltpu.VMEM((2 * CH,), jnp.float32),
           pltpu.SemaphoreType.DMA]
    ),
)(_k2_body)


def _norm_body(o_ref, d_ref, as_ref, ad_ref, h_ref, b_ref, act_ref):
    za = as_ref[0] + ad_ref[0]
    ex_self = jnp.exp(jnp.maximum(za, 0.2 * za))
    dsum = jnp.sum(d_ref[0], axis=0, keepdims=True) + ex_self
    z = (o_ref[...] + ex_self * h_ref[...]) / (dsum + 1e-16) + b_ref[...]
    act_ref[...] = jnp.where(z > 0, z, jnp.exp(jnp.minimum(z, 0.0)) - 1.0)


def _normalize(out1T, denomP, aT, hT, b1):
    aT3 = aT.reshape(16, 1, NPAD)
    return pl.pallas_call(
        _norm_body,
        grid=(HEADS, NPAD // COLB),
        in_specs=[
            pl.BlockSpec((HID, COLB), lambda k, j: (k, j)),
            pl.BlockSpec((1, 4, COLB), lambda k, j: (k, 0, j)),
            pl.BlockSpec((1, 1, COLB), lambda k, j: (k, 0, j)),
            pl.BlockSpec((1, 1, COLB), lambda k, j: (8 + k, 0, j)),
            pl.BlockSpec((HID, COLB), lambda k, j: (k, j)),
            pl.BlockSpec((HID, 1), lambda k, j: (k, 0)),
        ],
        out_specs=pl.BlockSpec((HID, COLB), lambda k, j: (k, j)),
        out_shape=jax.ShapeDtypeStruct((D1, NPAD), jnp.float32),
    )(out1T, denomP.reshape(HEADS, 4, NPAD), aT3, aT3, hT, b1.reshape(D1, 1))


def _mm2_body(act_ref, w_ref, a_ref, h2_ref, ab_ref):
    h2 = jnp.dot(w_ref[...], act_ref[...], preferred_element_type=jnp.float32)
    h2_ref[...] = h2
    ab_ref[...] = jnp.dot(a_ref[...], h2, preferred_element_type=jnp.float32)


def _layer2_matmul(actT, W2Tp, att2p):
    return pl.pallas_call(
        _mm2_body,
        grid=(NPAD // COLB,),
        in_specs=[
            pl.BlockSpec((D1, COLB), lambda j: (0, j)),
            pl.BlockSpec((48, D1), lambda j: (0, 0)),
            pl.BlockSpec((2, 48), lambda j: (0, 0)),
        ],
        out_specs=[
            pl.BlockSpec((48, COLB), lambda j: (0, j)),
            pl.BlockSpec((2, COLB), lambda j: (0, j)),
        ],
        out_shape=[
            jax.ShapeDtypeStruct((48, NPAD), jnp.float32),
            jax.ShapeDtypeStruct((2, NPAD), jnp.float32),
        ],
    )(actT, W2Tp, att2p)


def _k3_body(h2T_hbm, ab2T_hbm, pk_hbm, out2T_hbm, den2_hbm,
             as_tab, ad_tab, t0, t1, a0, a1, dn, pkbuf):
    wid = lax.axis_index("s") * 2 + lax.axis_index("c")

    @pl.when(wid <= 24)
    def _():
        pltpu.sync_copy(ab2T_hbm.at[0], as_tab)
        pltpu.sync_copy(ab2T_hbm.at[1], ad_tab)
        c0 = wid * 2

        @pl.when(wid < 24)
        def _():
            pltpu.sync_copy(h2T_hbm.at[c0], t0)
            pltpu.sync_copy(h2T_hbm.at[c0 + 1], t1)

        @plsc.parallel_loop(0, NPAD // 16, unroll=8)
        def _zero(j):
            z = jnp.zeros((16,), jnp.float32)
            a0[pl.ds(j * 16, 16)] = z
            a1[pl.ds(j * 16, 16)] = z
            dn[pl.ds(j * 16, 16)] = z

        def _chunk(ch, _):
            off = ch * CH
            pltpu.sync_copy(pk_hbm.at[pl.ds(off, CH)], pkbuf)

            @plsc.parallel_loop(0, CH // 16, unroll=8)
            def _iter(i):
                svec, dvec = _unpack_edges(pkbuf[pl.ds(i * 16, 16)])
                z = (plsc.load_gather(as_tab, [svec])
                     + plsc.load_gather(ad_tab, [dvec]))
                ex = jnp.exp(jnp.maximum(z, 0.2 * z))

                @pl.when(wid < 24)
                def _():
                    for tt, aa in ((t0, a0), (t1, a1)):
                        v = plsc.load_gather(tt, [svec])
                        plsc.addupdate_scatter(aa, [dvec], v * ex)

                @pl.when(wid == 24)
                def _():
                    plsc.addupdate_scatter(dn, [dvec], ex)

            return 0

        lax.fori_loop(0, EPAD // CH, _chunk, 0)

        @pl.when(wid < 24)
        def _():
            pltpu.sync_copy(a0, out2T_hbm.at[c0])
            pltpu.sync_copy(a1, out2T_hbm.at[c0 + 1])

        @pl.when(wid == 24)
        def _():
            pltpu.sync_copy(dn, den2_hbm.at[0])


_k3 = functools.partial(
    pl.kernel,
    out_type=[
        jax.ShapeDtypeStruct((48, NPAD), jnp.float32),
        jax.ShapeDtypeStruct((1, NPAD), jnp.float32),
    ],
    mesh=_MESH,
    compiler_params=_SC_PARAMS,
    scratch_types=(
        [pltpu.VMEM((NPAD,), jnp.float32)] * 7
        + [pltpu.VMEM((CH,), jnp.int32)]
    ),
)(_k3_body)


def _final_body(o_ref, d_ref, as_ref, ad_ref, h_ref, b_ref, out_ref):
    za = as_ref[0] + ad_ref[0]
    ex_self = jnp.exp(jnp.maximum(za, 0.2 * za))
    num = o_ref[...] + ex_self * h_ref[...]
    den = d_ref[...] + ex_self + 1e-16
    z = num / den + b_ref[...]
    rowid = lax.broadcasted_iota(jnp.int32, (48, COLB), 0)
    valid = rowid < NCLS
    zm = jnp.where(valid, z, -1e30)
    m = jnp.max(zm, axis=0, keepdims=True)
    s = jnp.sum(jnp.where(valid, jnp.exp(z - m), 0.0), axis=0, keepdims=True)
    out_ref[...] = z - m - jnp.log(s)


def _final_logsoftmax(out2T, den2T, ab2T, h2T, b2p):
    ab23 = ab2T.reshape(2, 1, NPAD)
    return pl.pallas_call(
        _final_body,
        grid=(NPAD // COLB,),
        in_specs=[
            pl.BlockSpec((48, COLB), lambda j: (0, j)),
            pl.BlockSpec((1, COLB), lambda j: (0, j)),
            pl.BlockSpec((1, 1, COLB), lambda j: (0, 0, j)),
            pl.BlockSpec((1, 1, COLB), lambda j: (1, 0, j)),
            pl.BlockSpec((48, COLB), lambda j: (0, j)),
            pl.BlockSpec((48, 1), lambda j: (0, 0)),
        ],
        out_specs=pl.BlockSpec((48, COLB), lambda j: (0, j)),
        out_shape=jax.ShapeDtypeStruct((48, NPAD), jnp.float32),
    )(out2T, den2T, ab23, ab23, h2T, b2p)


def _build_a1(att_src1, att_dst1):
    eye = jnp.eye(HEADS, dtype=jnp.float32)
    a_s = (att_src1[:, :, None] * eye[:, None, :]).reshape(D1, HEADS)
    a_d = (att_dst1[:, :, None] * eye[:, None, :]).reshape(D1, HEADS)
    return jnp.concatenate([a_s, a_d], axis=1)


def kernel(x, edge_index, W1, att_src1, att_dst1, b1, W2, att_src2, att_dst2, b2):
    padv = jnp.full((EPAD - E,), N * ((1 << PKS) + 1), dtype=jnp.int32)
    pk = jnp.concatenate(
        [edge_index[1].astype(jnp.int32) * (1 << PKS)
         + edge_index[0].astype(jnp.int32), padv])

    xT = jnp.pad(x.T, ((0, 0), (0, NPAD - N)))
    W1T = W1.T
    A1T = _build_a1(att_src1, att_dst1).T

    hT, aT, hTp = _layer1_matmul(xT, W1T, A1T)
    exT, denomP = _k1(aT, pk)
    out1T = _k2(hTp, exT, pk)
    actT = _normalize(out1T, denomP, aT, hT, b1)

    W2Tp = jnp.pad(W2.T, ((0, 48 - NCLS), (0, 0)))
    att2p = jnp.pad(jnp.concatenate([att_src2, att_dst2], axis=0),
                    ((0, 0), (0, 48 - NCLS)))
    h2T, ab2T = _layer2_matmul(actT, W2Tp, att2p)
    out2T, den2T = _k3(h2T, ab2T, pk)

    b2p = jnp.pad(b2, (0, 48 - NCLS)).reshape(48, 1)
    outT = _final_logsoftmax(out2T, den2T, ab2T, h2T, b2p)
    return outT[:NCLS, :N].T

# --- scband reference (transcript-rebuilt; emitter-appended) ---
"""Pipeline reference for scband-gat-57440892616780 (READ-ONLY COPY).

The authoritative reference and input builder live on the scoring server;
editing this copy changes nothing except your own understanding.
"""

import jax, jax.numpy as jnp
import numpy as np

N = 10000
E = 160000
F_IN = 256
HID = 256
HEADS = 8
NCLS = 40


def gat_layer(x, src, dst, W, att_src, att_dst, bias, heads, out_ch, concat):
    n = x.shape[0]
    h = (x @ W).reshape(n, heads, out_ch)
    a_src = (h * att_src).sum(-1)
    a_dst = (h * att_dst).sum(-1)
    alpha = jax.nn.leaky_relu(a_src[src] + a_dst[dst], negative_slope=0.2)
    amax = jax.ops.segment_max(alpha, dst, num_segments=n)
    amax = jnp.where(jnp.isfinite(amax), amax, 0.0)
    ex = jnp.exp(alpha - amax[dst])
    denom = jax.ops.segment_sum(ex, dst, num_segments=n)
    coef = ex / (denom[dst] + 1e-16)
    msg = h[src] * coef[:, :, None]
    out = jax.ops.segment_sum(msg, dst, num_segments=n)
    if concat:
        out = out.reshape(n, heads * out_ch)
    else:
        out = out.mean(axis=1)
    return out + bias


def setup_inputs(seed: int = 0):
    key = jax.random.key(seed)
    ks = jax.random.split(key, 10)
    x = jax.random.normal(ks[0], (N, F_IN), dtype=jnp.float32)
    edge_index = jax.random.randint(ks[1], (2, E), 0, N, dtype=jnp.int32)
    W1 = jax.random.normal(ks[2], (F_IN, HEADS * HID), dtype=jnp.float32) / np.sqrt(F_IN)
    att_src1 = jax.random.normal(ks[3], (HEADS, HID), dtype=jnp.float32) * 0.1
    att_dst1 = jax.random.normal(ks[4], (HEADS, HID), dtype=jnp.float32) * 0.1
    b1 = jnp.zeros((HEADS * HID,), dtype=jnp.float32)
    W2 = jax.random.normal(ks[5], (HEADS * HID, NCLS), dtype=jnp.float32) / np.sqrt(HEADS * HID)
    att_src2 = jax.random.normal(ks[6], (1, NCLS), dtype=jnp.float32) * 0.1
    att_dst2 = jax.random.normal(ks[7], (1, NCLS), dtype=jnp.float32) * 0.1
    b2 = jnp.zeros((NCLS,), dtype=jnp.float32)
    return {"x": x, "edge_index": edge_index, "W1": W1, "att_src1": att_src1, "att_dst1": att_dst1, "b1": b1, "W2": W2, "att_src2": att_src2, "att_dst2": att_dst2, "b2": b2}


def reference(x, edge_index, W1, att_src1, att_dst1, b1, W2, att_src2, att_dst2, b2):
    n = x.shape[0]
    loop = jnp.arange(n, dtype=edge_index.dtype)
    src = jnp.concatenate([edge_index[0], loop])
    dst = jnp.concatenate([edge_index[1], loop])
    h = gat_layer(x, src, dst, W1, att_src1, att_dst1, b1, HEADS, HID, True)
    h = jax.nn.elu(h)
    out = gat_layer(h, src, dst, W2, att_src2, att_dst2, b2, 1, NCLS, False)
    return jax.nn.log_softmax(out, axis=1)

if __name__ == "__main__":
    import jax
    _d = setup_inputs()
    print(jax.jit(kernel)(*tuple(_d.values())))

</pallas_src>

<mosaic_0001>
#map = affine_map<(d0, d1) -> (0, 0)>
#map1 = affine_map<(d0, d1) -> (0)>
module attributes {stable_mosaic.version = 14 : i64} {
  func.func @_k1_body(%arg0: i32, %arg1: i32, %arg2: memref<16x10240xf32, #tpu.memory_space<hbm>>, %arg3: memref<163840xi32, #tpu.memory_space<hbm>>, %arg4: memref<8x163840xf32, #tpu.memory_space<hbm>>, %arg5: memref<32x10240xf32, #tpu.memory_space<hbm>>, %arg6: memref<10240xf32, #tpu.memory_space<vmem>>, %arg7: memref<10240xf32, #tpu.memory_space<vmem>>, %arg8: memref<10240xf32, #tpu.memory_space<vmem>>, %arg9: memref<4096xi32, #tpu.memory_space<vmem>>, %arg10: memref<4096xf32, #tpu.memory_space<vmem>>) attributes {dimension_semantics = [#tpu.dimension_semantics<core_parallel>, #tpu.dimension_semantics<subcore_parallel>], iteration_bounds = array<i64: 2, 16>, scalar_prefetch = 0 : i64, scratch_operands = 5 : i64, tpu.core_type = #tpu.core_type<sc_vector_subcore>, window_params = [{transform_indices = #map}, {transform_indices = #map1}, {transform_indices = #map}, {transform_indices = #map}]} {
    %mul3A = arith.constant 2 : i32
    %mul3A_0 = arith.muli %arg1, %mul3A : i32
    %add3A = arith.addi %mul3A_0, %arg0 : i32
    %jit3A = arith.constant 4 : i32
    %div3A = arith.divsi %add3A, %jit3A : i32
    %sign3A = arith.constant 0 : i32
    %sign3A_1 = arith.cmpi sgt, %add3A, %sign3A : i32
    %sign3A_2 = arith.extui %sign3A_1 : i1 to i32
    %sign3A_3 = arith.constant 0 : i32
    %sign3A_4 = arith.cmpi slt, %add3A, %sign3A_3 : i32
    %sign3A_5 = arith.extui %sign3A_4 : i1 to i32
    %sign3A_6 = arith.subi %sign3A_2, %sign3A_5 : i32
    %sign3A_7 = arith.constant 0 : i32
    %sign3A_8 = arith.cmpi sgt, %jit3A, %sign3A_7 : i32
    %sign3A_9 = arith.extui %sign3A_8 : i1 to i32
    %sign3A_10 = arith.constant 0 : i32
    %sign3A_11 = arith.cmpi slt, %jit3A, %sign3A_10 : i32
    %sign3A_12 = arith.extui %sign3A_11 : i1 to i32
    %sign3A_13 = arith.subi %sign3A_9, %sign3A_12 : i32
    %ne3A = arith.cmpi ne, %sign3A_6, %sign3A_13 : i32
    %rem3A = arith.remsi %add3A, %jit3A : i32
    %ne3A_14 = arith.constant 0 : i32
    %ne3A_15 = arith.cmpi ne, %rem3A, %ne3A_14 : i32
    %and3A = arith.andi %ne3A, %ne3A_15 : i1
    %sub3A = arith.constant 1 : i32
    %sub3A_16 = arith.subi %div3A, %sub3A : i32
    %select_n3A = arith.select %and3A, %sub3A_16, %div3A : i32
    %jit3A_17 = arith.constant 4 : i32
    %eq3A = arith.constant 0 : i32
    %eq3A_18 = arith.cmpi eq, %jit3A_17, %eq3A : i32
    %jit3A_19 = arith.constant 1 : i32
    %select_n3A_20 = arith.select %eq3A_18, %jit3A_19, %jit3A_17 : i32
    %rem3A_21 = arith.remsi %add3A, %select_n3A_20 : i32
    %ne3A_22 = arith.constant 0 : i32
    %ne3A_23 = arith.cmpi ne, %rem3A_21, %ne3A_22 : i32
    %lt3A = arith.constant 0 : i32
    %lt3A_24 = arith.cmpi slt, %rem3A_21, %lt3A : i32
    %lt3A_25 = arith.constant 0 : i32
    %lt3A_26 = arith.cmpi slt, %select_n3A_20, %lt3A_25 : i32
    %ne3A_27 = arith.xori %lt3A_24, %lt3A_26 : i1
    %and3A_28 = arith.andi %ne3A_27, %ne3A_23 : i1
    %add3A_29 = arith.addi %rem3A_21, %select_n3A_20 : i32
    %select_n3A_30 = arith.select %and3A_28, %add3A_29, %rem3A_21 : i32
    "tpu.region"() ({
      %run_scoped3A = tpu.sem_alloc : memref<!tpu.dma_semaphore, #tpu.memory_space<semaphore_mem>>
      %dma_start3A = arith.constant 0 : i32
      %dma_start3A_43 = tpu.memref_slice %arg2[%select_n3A, %dma_start3A] : memref<16x10240xf32, #tpu.memory_space<hbm>> -> memref<1x10240xf32, #tpu.memory_space<hbm>>
      %dma_start3A_44 = tpu.memref_squeeze %dma_start3A_43 : memref<1x10240xf32, #tpu.memory_space<hbm>> -> memref<10240xf32, #tpu.memory_space<hbm>>
      %dma_start3A_45 = arith.constant 0 : i32
      %dma_start3A_46 = tpu.memref_slice %arg2[%select_n3A, %dma_start3A_45] : memref<16x10240xf32, #tpu.memory_space<hbm>> -> memref<1x10240xf32, #tpu.memory_space<hbm>>
      %dma_start3A_47 = tpu.memref_squeeze %dma_start3A_46 : memref<1x10240xf32, #tpu.memory_space<hbm>> -> memref<10240xf32, #tpu.memory_space<hbm>>
      tpu.enqueue_dma source(%dma_start3A_47 : memref<10240xf32, #tpu.memory_space<hbm>>) target(%arg6 : memref<10240xf32, #tpu.memory_space<vmem>>) target_semaphore(%run_scoped3A : memref<!tpu.dma_semaphore, #tpu.memory_space<semaphore_mem>>)
      %dma_wait3A = arith.constant 0 : i32
      %dma_wait3A_48 = tpu.memref_slice %arg2[%select_n3A, %dma_wait3A] : memref<16x10240xf32, #tpu.memory_space<hbm>> -> memref<1x10240xf32, #tpu.memory_space<hbm>>
      %dma_wait3A_49 = tpu.memref_squeeze %dma_wait3A_48 : memref<1x10240xf32, #tpu.memory_space<hbm>> -> memref<10240xf32, #tpu.memory_space<hbm>>
      %dma_wait3A_50 = arith.constant 0 : i32
      %dma_wait3A_51 = tpu.memref_slice %arg2[%select_n3A, %dma_wait3A_50] : memref<16x10240xf32, #tpu.memory_space<hbm>> -> memref<1x10240xf32, #tpu.memory_space<hbm>>
      %dma_wait3A_52 = tpu.memref_squeeze %dma_wait3A_51 : memref<1x10240xf32, #tpu.memory_space<hbm>> -> memref<10240xf32, #tpu.memory_space<hbm>>
      tpu.wait_dma2 semaphore(%run_scoped3A : memref<!tpu.dma_semaphore, #tpu.memory_space<semaphore_mem>>) src(%dma_wait3A_52 : memref<10240xf32, #tpu.memory_space<hbm>>) dst(%arg6 : memref<10240xf32, #tpu.memory_space<vmem>>)
      tpu.yield
    }) : () -> ()
    %add3A_31 = arith.constant 8 : i32
    %add3A_32 = arith.addi %add3A_31, %select_n3A : i32
    "tpu.region"() ({
      %run_scoped3A = tpu.sem_alloc : memref<!tpu.dma_semaphore, #tpu.memory_space<semaphore_mem>>
      %dma_start3A = arith.constant 0 : i32
      %dma_start3A_43 = tpu.memref_slice %arg2[%add3A_32, %dma_start3A] : memref<16x10240xf32, #tpu.memory_space<hbm>> -> memref<1x10240xf32, #tpu.memory_space<hbm>>
      %dma_start3A_44 = tpu.memref_squeeze %dma_start3A_43 : memref<1x10240xf32, #tpu.memory_space<hbm>> -> memref<10240xf32, #tpu.memory_space<hbm>>
      %dma_start3A_45 = arith.constant 0 : i32
      %dma_start3A_46 = tpu.memref_slice %arg2[%add3A_32, %dma_start3A_45] : memref<16x10240xf32, #tpu.memory_space<hbm>> -> memref<1x10240xf32, #tpu.memory_space<hbm>>
      %dma_start3A_47 = tpu.memref_squeeze %dma_start3A_46 : memref<1x10240xf32, #tpu.memory_space<hbm>> -> memref<10240xf32, #tpu.memory_space<hbm>>
      tpu.enqueue_dma source(%dma_start3A_47 : memref<10240xf32, #tpu.memory_space<hbm>>) target(%arg7 : memref<10240xf32, #tpu.memory_space<vmem>>) target_semaphore(%run_scoped3A : memref<!tpu.dma_semaphore, #tpu.memory_space<semaphore_mem>>)
      %dma_wait3A = arith.constant 0 : i32
      %dma_wait3A_48 = tpu.memref_slice %arg2[%add3A_32, %dma_wait3A] : memref<16x10240xf32, #tpu.memory_space<hbm>> -> memref<1x10240xf32, #tpu.memory_space<hbm>>
      %dma_wait3A_49 = tpu.memref_squeeze %dma_wait3A_48 : memref<1x10240xf32, #tpu.memory_space<hbm>> -> memref<10240xf32, #tpu.memory_space<hbm>>
      %dma_wait3A_50 = arith.constant 0 : i32
      %dma_wait3A_51 = tpu.memref_slice %arg2[%add3A_32, %dma_wait3A_50] : memref<16x10240xf32, #tpu.memory_space<hbm>> -> memref<1x10240xf32, #tpu.memory_space<hbm>>
      %dma_wait3A_52 = tpu.memref_squeeze %dma_wait3A_51 : memref<1x10240xf32, #tpu.memory_space<hbm>> -> memref<10240xf32, #tpu.memory_space<hbm>>
      tpu.wait_dma2 semaphore(%run_scoped3A : memref<!tpu.dma_semaphore, #tpu.memory_space<semaphore_mem>>) src(%dma_wait3A_52 : memref<10240xf32, #tpu.memory_space<hbm>>) dst(%arg7 : memref<10240xf32, #tpu.memory_space<vmem>>)
      tpu.yield
    }) : () -> ()
    %parallel_loop3A = arith.constant 0 : i32
    %parallel_loop3A_33 = arith.constant 640 : i32
    %parallel_loop3A_34 = arith.constant 1 : i32
    scf.for %parallel_loop3A_43 = %parallel_loop3A to %parallel_loop3A_33 step %parallel_loop3A_34  : i32 {
      %parallel_loop3A_44 = arith.constant 0.000000e+00 : f32
      %parallel_loop3A_45 = vector.broadcast %parallel_loop3A_44 : f32 to vector<16xf32>
      %parallel_loop3A_46 = arith.constant 16 : i32
      %parallel_loop3A_47 = arith.muli %parallel_loop3A_43, %parallel_loop3A_46 : i32
      %parallel_loop3A_48 = arith.index_cast %parallel_loop3A_47 : i32 to index
      %parallel_loop3A_49 = tpu.vector_load %arg8[%parallel_loop3A_48] {strides = array<i32>} : memref<10240xf32, #tpu.memory_space<vmem>>, vector<16xf32>,
      tpu.vector_store %arg8[%parallel_loop3A_48], %parallel_loop3A_45 {strides = array<i32>} : memref<10240xf32, #tpu.memory_space<vmem>>, vector<16xf32>,
    } {sc.loop_unroll_factor = 8 : i64, sc.parallel_access}
    %mul3A_35 = arith.constant 40960 : i32
    %mul3A_36 = arith.muli %select_n3A_30, %mul3A_35 : i32
    %scan3A = arith.constant 0 : i32
    %scan3A_37 = arith.constant 0 : i32
    %scan3A_38 = arith.constant 10 : i32
    %scan3A_39 = arith.addi %scan3A_37, %scan3A_38 : i32
    %scan3A_40 = arith.constant 1 : i32
    %scan3A_41 = scf.for %scan3A_43 = %scan3A_37 to %scan3A_39 step %scan3A_40 iter_args(%scan3A_44 = %scan3A) -> (i32)  : i32 {
      %mul3A_45 = arith.constant 4096 : i32
      %mul3A_46 = arith.muli %scan3A_43, %mul3A_45 : i32
      %add3A_47 = arith.addi %mul3A_36, %mul3A_46 : i32
      "tpu.region"() ({
        %run_scoped3A = tpu.sem_alloc : memref<!tpu.dma_semaphore, #tpu.memory_space<semaphore_mem>>
        %dma_start3A = tpu.memref_slice %arg3[%add3A_47] : memref<163840xi32, #tpu.memory_space<hbm>> -> memref<4096xi32, #tpu.memory_space<hbm>>
        %dma_start3A_52 = tpu.memref_slice %arg3[%add3A_47] : memref<163840xi32, #tpu.memory_space<hbm>> -> memref<4096xi32, #tpu.memory_space<hbm>>
        tpu.enqueue_dma source(%dma_start3A_52 : memref<4096xi32, #tpu.memory_space<hbm>>) target(%arg9 : memref<4096xi32, #tpu.memory_space<vmem>>) target_semaphore(%run_scoped3A : memref<!tpu.dma_semaphore, #tpu.memory_space<semaphore_mem>>)
        %dma_wait3A = tpu.memref_slice %arg3[%add3A_47] : memref<163840xi32, #tpu.memory_space<hbm>> -> memref<4096xi32, #tpu.memory_space<hbm>>
        %dma_wait3A_53 = tpu.memref_slice %arg3[%add3A_47] : memref<163840xi32, #tpu.memory_space<hbm>> -> memref<4096xi32, #tpu.memory_space<hbm>>
        tpu.wait_dma2 semaphore(%run_scoped3A : memref<!tpu.dma_semaphore, #tpu.memory_space<semaphore_mem>>) src(%dma_wait3A_53 : memref<4096xi32, #tpu.memory_space<hbm>>) dst(%arg9 : memref<4096xi32, #tpu.memory_space<vmem>>)
        tpu.yield
      }) : () -> ()
      %parallel_loop3A_48 = arith.constant 0 : i32
      %parallel_loop3A_49 = arith.constant 256 : i32
      %parallel_loop3A_50 = arith.constant 1 : i32
      scf.for %parallel_loop3A_52 = %parallel_loop3A_48 to %parallel_loop3A_49 step %parallel_loop3A_50  : i32 {
        %parallel_loop3A_53 = arith.constant 16 : i32
        %parallel_loop3A_54 = arith.muli %parallel_loop3A_52, %parallel_loop3A_53 : i32
        %parallel_loop3A_55 = arith.index_cast %parallel_loop3A_54 : i32 to index
        %parallel_loop3A_56 = tpu.vector_load %arg9[%parallel_loop3A_55] {strides = array<i32>} : memref<4096xi32, #tpu.memory_space<vmem>>, vector<16xi32>,
        %parallel_loop3A_57 = arith.constant 16383 : i32
        %parallel_loop3A_58 = vector.broadcast %parallel_loop3A_57 : i32 to vector<16xi32>
        %parallel_loop3A_59 = arith.andi %parallel_loop3A_56, %parallel_loop3A_58 : vector<16xi32>
        %parallel_loop3A_60 = arith.constant 14 : i32
        %parallel_loop3A_61 = vector.broadcast %parallel_loop3A_60 : i32 to vector<16xi32>
        %parallel_loop3A_62 = arith.shrui %parallel_loop3A_56, %parallel_loop3A_61 : vector<16xi32>
        %parallel_loop3A_63 = tpu.vector_load_idx %arg6[%parallel_loop3A_59] : memref<10240xf32, #tpu.memory_space<vmem>>[vector<16xi32>], vector<16xf32>,
        %parallel_loop3A_64 = tpu.vector_load_idx %arg7[%parallel_loop3A_62] : memref<10240xf32, #tpu.memory_space<vmem>>[vector<16xi32>], vector<16xf32>,
        %parallel_loop3A_65 = arith.addf %parallel_loop3A_63, %parallel_loop3A_64 : vector<16xf32>
        %parallel_loop3A_66 = arith.constant 2.000000e-01 : f32
        %parallel_loop3A_67 = vector.broadcast %parallel_loop3A_66 : f32 to vector<16xf32>
        %parallel_loop3A_68 = arith.mulf %parallel_loop3A_67, %parallel_loop3A_65 : vector<16xf32>
        %parallel_loop3A_69 = arith.maximumf %parallel_loop3A_65, %parallel_loop3A_68 : vector<16xf32>
        %parallel_loop3A_70 = math.exp %parallel_loop3A_69 : vector<16xf32>
        %parallel_loop3A_71 = arith.constant 16 : i32
        %parallel_loop3A_72 = arith.muli %parallel_loop3A_52, %parallel_loop3A_71 : i32
        %parallel_loop3A_73 = arith.index_cast %parallel_loop3A_72 : i32 to index
        %parallel_loop3A_74 = tpu.vector_load %arg10[%parallel_loop3A_73] {strides = array<i32>} : memref<4096xf32, #tpu.memory_space<vmem>>, vector<16xf32>,
        tpu.vector_store %arg10[%parallel_loop3A_73], %parallel_loop3A_70 {strides = array<i32>} : memref<4096xf32, #tpu.memory_space<vmem>>, vector<16xf32>,
        tpu.vector_store_idx %arg8[%parallel_loop3A_62], %parallel_loop3A_70 {add = true} : memref<10240xf32, #tpu.memory_space<vmem>>[vector<16xi32>], vector<16xf32>,
      } {sc.loop_unroll_factor = 8 : i64, sc.parallel_access}
      "tpu.region"() ({
        %run_scoped3A = tpu.sem_alloc : memref<!tpu.dma_semaphore, #tpu.memory_space<semaphore_mem>>
        %dma_start3A = tpu.memref_slice %arg4[%select_n3A, %add3A_47] : memref<8x163840xf32, #tpu.memory_space<hbm>> -> memref<1x4096xf32, #tpu.memory_space<hbm>>
        %dma_start3A_52 = tpu.memref_squeeze %dma_start3A : memref<1x4096xf32, #tpu.memory_space<hbm>> -> memref<4096xf32, #tpu.memory_space<hbm>>
        %dma_start3A_53 = tpu.memref_slice %arg4[%select_n3A, %add3A_47] : memref<8x163840xf32, #tpu.memory_space<hbm>> -> memref<1x4096xf32, #tpu.memory_space<hbm>>
        %dma_start3A_54 = tpu.memref_squeeze %dma_start3A_53 : memref<1x4096xf32, #tpu.memory_space<hbm>> -> memref<4096xf32, #tpu.memory_space<hbm>>
        tpu.enqueue_dma source(%arg10 : memref<4096xf32, #tpu.memory_space<vmem>>) target(%dma_start3A_54 : memref<4096xf32, #tpu.memory_space<hbm>>) target_semaphore(%run_scoped3A : memref<!tpu.dma_semaphore, #tpu.memory_space<semaphore_mem>>)
        %dma_wait3A = tpu.memref_slice %arg4[%select_n3A, %add3A_47] : memref<8x163840xf32, #tpu.memory_space<hbm>> -> memref<1x4096xf32, #tpu.memory_space<hbm>>
        %dma_wait3A_55 = tpu.memref_squeeze %dma_wait3A : memref<1x4096xf32, #tpu.memory_space<hbm>> -> memref<4096xf32, #tpu.memory_space<hbm>>
        %dma_wait3A_56 = tpu.memref_slice %arg4[%select_n3A, %add3A_47] : memref<8x163840xf32, #tpu.memory_space<hbm>> -> memref<1x4096xf32, #tpu.memory_space<hbm>>
        %dma_wait3A_57 = tpu.memref_squeeze %dma_wait3A_56 : memref<1x4096xf32, #tpu.memory_space<hbm>> -> memref<4096xf32, #tpu.memory_space<hbm>>
        tpu.wait_dma2 semaphore(%run_scoped3A : memref<!tpu.dma_semaphore, #tpu.memory_space<semaphore_mem>>) src(%arg10 : memref<4096xf32, #tpu.memory_space<vmem>>) dst(%dma_wait3A_57 : memref<4096xf32, #tpu.memory_space<hbm>>)
        tpu.yield
      }) : () -> ()
      %scan3A_51 = arith.constant 0 : i32
      scf.yield %scan3A_51 : i32
    }
    %scan3A_42 = arith.constant 10 : i32
    "tpu.region"() ({
      %run_scoped3A = tpu.sem_alloc : memref<!tpu.dma_semaphore, #tpu.memory_space<semaphore_mem>>
      %dma_start3A = arith.constant 0 : i32
      %dma_start3A_43 = tpu.memref_slice %arg5[%add3A, %dma_start3A] : memref<32x10240xf32, #tpu.memory_space<hbm>> -> memref<1x10240xf32, #tpu.memory_space<hbm>>
      %dma_start3A_44 = tpu.memref_squeeze %dma_start3A_43 : memref<1x10240xf32, #tpu.memory_space<hbm>> -> memref<10240xf32, #tpu.memory_space<hbm>>
      %dma_start3A_45 = arith.constant 0 : i32
      %dma_start3A_46 = tpu.memref_slice %arg5[%add3A, %dma_start3A_45] : memref<32x10240xf32, #tpu.memory_space<hbm>> -> memref<1x10240xf32, #tpu.memory_space<hbm>>
      %dma_start3A_47 = tpu.memref_squeeze %dma_start3A_46 : memref<1x10240xf32, #tpu.memory_space<hbm>> -> memref<10240xf32, #tpu.memory_space<hbm>>
      tpu.enqueue_dma source(%arg8 : memref<10240xf32, #tpu.memory_space<vmem>>) target(%dma_start3A_47 : memref<10240xf32, #tpu.memory_space<hbm>>) target_semaphore(%run_scoped3A : memref<!tpu.dma_semaphore, #tpu.memory_space<semaphore_mem>>)
      %dma_wait3A = arith.constant 0 : i32
      %dma_wait3A_48 = tpu.memref_slice %arg5[%add3A, %dma_wait3A] : memref<32x10240xf32, #tpu.memory_space<hbm>> -> memref<1x10240xf32, #tpu.memory_space<hbm>>
      %dma_wait3A_49 = tpu.memref_squeeze %dma_wait3A_48 : memref<1x10240xf32, #tpu.memory_space<hbm>> -> memref<10240xf32, #tpu.memory_space<hbm>>
      %dma_wait3A_50 = arith.constant 0 : i32
      %dma_wait3A_51 = tpu.memref_slice %arg5[%add3A, %dma_wait3A_50] : memref<32x10240xf32, #tpu.memory_space<hbm>> -> memref<1x10240xf32, #tpu.memory_space<hbm>>
      %dma_wait3A_52 = tpu.memref_squeeze %dma_wait3A_51 : memref<1x10240xf32, #tpu.memory_space<hbm>> -> memref<10240xf32, #tpu.memory_space<hbm>>
      tpu.wait_dma2 semaphore(%run_scoped3A : memref<!tpu.dma_semaphore, #tpu.memory_space<semaphore_mem>>) src(%arg8 : memref<10240xf32, #tpu.memory_space<vmem>>) dst(%dma_wait3A_52 : memref<10240xf32, #tpu.memory_space<hbm>>)
      tpu.yield
    }) : () -> ()
    return
  }
}

#map = affine_map<(d0, d1) -> (0, 0)>
#map1 = affine_map<(d0, d1) -> (0)>
module attributes {stable_mosaic.version = 14 : i64} {
  func.func @_k2_body(%arg0: i32, %arg1: i32, %arg2: memref<1024x10240xi32, #tpu.memory_space<hbm>>, %arg3: memref<8x163840xf32, #tpu.memory_space<hbm>>, %arg4: memref<163840xi32, #tpu.memory_space<hbm>>, %arg5: memref<2048x10240xf32, #tpu.memory_space<hbm>>, %arg6: memref<10240xi32, #tpu.memory_space<vmem>>, %arg7: memref<10240xi32, #tpu.memory_space<vmem>>, %arg8: memref<10240xf32, #tpu.memory_space<vmem>>, %arg9: memref<10240xf32, #tpu.memory_space<vmem>>, %arg10: memref<10240xf32, #tpu.memory_space<vmem>>, %arg11: memref<10240xf32, #tpu.memory_space<vmem>>, %arg12: memref<8192xi32, #tpu.memory_space<vmem>>, %arg13: memref<8192xf32, #tpu.memory_space<vmem>>, %arg14: memref<!tpu.dma_semaphore, #tpu.memory_space<semaphore_mem>>) attributes {dimension_semantics = [#tpu.dimension_semantics<core_parallel>, #tpu.dimension_semantics<subcore_parallel>], iteration_bounds = array<i64: 2, 16>, scalar_prefetch = 0 : i64, scratch_operands = 9 : i64, tpu.core_type = #tpu.core_type<sc_vector_subcore>, window_params = [{transform_indices = #map}, {transform_indices = #map}, {transform_indices = #map1}, {transform_indices = #map}]} {
    %mul3A = arith.constant 2 : i32
    %mul3A_0 = arith.muli %arg1, %mul3A : i32
    %add3A = arith.addi %mul3A_0, %arg0 : i32
    %jit3A = arith.constant 4 : i32
    %div3A = arith.divsi %add3A, %jit3A : i32
    %sign3A = arith.constant 0 : i32
    %sign3A_1 = arith.cmpi sgt, %add3A, %sign3A : i32
    %sign3A_2 = arith.extui %sign3A_1 : i1 to i32
    %sign3A_3 = arith.constant 0 : i32
    %sign3A_4 = arith.cmpi slt, %add3A, %sign3A_3 : i32
    %sign3A_5 = arith.extui %sign3A_4 : i1 to i32
    %sign3A_6 = arith.subi %sign3A_2, %sign3A_5 : i32
    %sign3A_7 = arith.constant 0 : i32
    %sign3A_8 = arith.cmpi sgt, %jit3A, %sign3A_7 : i32
    %sign3A_9 = arith.extui %sign3A_8 : i1 to i32
    %sign3A_10 = arith.constant 0 : i32
    %sign3A_11 = arith.cmpi slt, %jit3A, %sign3A_10 : i32
    %sign3A_12 = arith.extui %sign3A_11 : i1 to i32
    %sign3A_13 = arith.subi %sign3A_9, %sign3A_12 : i32
    %ne3A = arith.cmpi ne, %sign3A_6, %sign3A_13 : i32
    %rem3A = arith.remsi %add3A, %jit3A : i32
    %ne3A_14 = arith.constant 0 : i32
    %ne3A_15 = arith.cmpi ne, %rem3A, %ne3A_14 : i32
    %and3A = arith.andi %ne3A, %ne3A_15 : i1
    %sub3A = arith.constant 1 : i32
    %sub3A_16 = arith.subi %div3A, %sub3A : i32
    %select_n3A = arith.select %and3A, %sub3A_16, %div3A : i32
    %mul3A_17 = arith.constant 256 : i32
    %mul3A_18 = arith.muli %select_n3A, %mul3A_17 : i32
    %jit3A_19 = arith.constant 4 : i32
    %eq3A = arith.constant 0 : i32
    %eq3A_20 = arith.cmpi eq, %jit3A_19, %eq3A : i32
    %jit3A_21 = arith.constant 1 : i32
    %select_n3A_22 = arith.select %eq3A_20, %jit3A_21, %jit3A_19 : i32
    %rem3A_23 = arith.remsi %add3A, %select_n3A_22 : i32
    %ne3A_24 = arith.constant 0 : i32
    %ne3A_25 = arith.cmpi ne, %rem3A_23, %ne3A_24 : i32
    %lt3A = arith.constant 0 : i32
    %lt3A_26 = arith.cmpi slt, %rem3A_23, %lt3A : i32
    %lt3A_27 = arith.constant 0 : i32
    %lt3A_28 = arith.cmpi slt, %select_n3A_22, %lt3A_27 : i32
    %ne3A_29 = arith.xori %lt3A_26, %lt3A_28 : i1
    %and3A_30 = arith.andi %ne3A_29, %ne3A_25 : i1
    %add3A_31 = arith.addi %rem3A_23, %select_n3A_22 : i32
    %select_n3A_32 = arith.select %and3A_30, %add3A_31, %rem3A_23 : i32
    %mul3A_33 = arith.constant 64 : i32
    %mul3A_34 = arith.muli %select_n3A_32, %mul3A_33 : i32
    %add3A_35 = arith.addi %mul3A_18, %mul3A_34 : i32
    %scan3A = arith.constant 0 : i32
    %scan3A_36 = arith.constant 0 : i32
    %scan3A_37 = arith.constant 16 : i32
    %scan3A_38 = arith.addi %scan3A_36, %scan3A_37 : i32
    %scan3A_39 = arith.constant 1 : i32
    %scan3A_40 = scf.for %scan3A_42 = %scan3A_36 to %scan3A_38 step %scan3A_39 iter_args(%scan3A_43 = %scan3A) -> (i32)  : i32 {
      %mul3A_44 = arith.constant 4 : i32
      %mul3A_45 = arith.muli %scan3A_42, %mul3A_44 : i32
      %add3A_46 = arith.addi %add3A_35, %mul3A_45 : i32
      %jit3A_47 = arith.constant 2 : i32
      %div3A_48 = arith.divsi %add3A_35, %jit3A_47 : i32
      %sign3A_49 = arith.constant 0 : i32
      %sign3A_50 = arith.cmpi sgt, %add3A_35, %sign3A_49 : i32
      %sign3A_51 = arith.extui %sign3A_50 : i1 to i32
      %sign3A_52 = arith.constant 0 : i32
      %sign3A_53 = arith.cmpi slt, %add3A_35, %sign3A_52 : i32
      %sign3A_54 = arith.extui %sign3A_53 : i1 to i32
      %sign3A_55 = arith.subi %sign3A_51, %sign3A_54 : i32
      %sign3A_56 = arith.constant 0 : i32
      %sign3A_57 = arith.cmpi sgt, %jit3A_47, %sign3A_56 : i32
      %sign3A_58 = arith.extui %sign3A_57 : i1 to i32
      %sign3A_59 = arith.constant 0 : i32
      %sign3A_60 = arith.cmpi slt, %jit3A_47, %sign3A_59 : i32
      %sign3A_61 = arith.extui %sign3A_60 : i1 to i32
      %sign3A_62 = arith.subi %sign3A_58, %sign3A_61 : i32
      %ne3A_63 = arith.cmpi ne, %sign3A_55, %sign3A_62 : i32
      %rem3A_64 = arith.remsi %add3A_35, %jit3A_47 : i32
      %ne3A_65 = arith.constant 0 : i32
      %ne3A_66 = arith.cmpi ne, %rem3A_64, %ne3A_65 : i32
      %and3A_67 = arith.andi %ne3A_63, %ne3A_66 : i1
      %sub3A_68 = arith.constant 1 : i32
      %sub3A_69 = arith.subi %div3A_48, %sub3A_68 : i32
      %select_n3A_70 = arith.select %and3A_67, %sub3A_69, %div3A_48 : i32
      %mul3A_71 = arith.constant 2 : i32
      %mul3A_72 = arith.muli %scan3A_42, %mul3A_71 : i32
      %add3A_73 = arith.addi %select_n3A_70, %mul3A_72 : i32
      %add3A_74 = arith.constant 0 : i32
      %add3A_75 = arith.addi %add3A_73, %add3A_74 : i32
      "tpu.region"() ({
        %run_scoped3A = tpu.sem_alloc : memref<!tpu.dma_semaphore, #tpu.memory_space<semaphore_mem>>
        %dma_start3A_141 = arith.constant 0 : i32
        %dma_start3A_142 = tpu.memref_slice %arg2[%add3A_75, %dma_start3A_141] : memref<1024x10240xi32, #tpu.memory_space<hbm>> -> memref<1x10240xi32, #tpu.memory_space<hbm>>
        %dma_start3A_143 = tpu.memref_squeeze %dma_start3A_142 : memref<1x10240xi32, #tpu.memory_space<hbm>> -> memref<10240xi32, #tpu.memory_space<hbm>>
        %dma_start3A_144 = arith.constant 0 : i32
        %dma_start3A_145 = tpu.memref_slice %arg2[%add3A_75, %dma_start3A_144] : memref<1024x10240xi32, #tpu.memory_space<hbm>> -> memref<1x10240xi32, #tpu.memory_space<hbm>>
        %dma_start3A_146 = tpu.memref_squeeze %dma_start3A_145 : memref<1x10240xi32, #tpu.memory_space<hbm>> -> memref<10240xi32, #tpu.memory_space<hbm>>
        tpu.enqueue_dma source(%dma_start3A_146 : memref<10240xi32, #tpu.memory_space<hbm>>) target(%arg6 : memref<10240xi32, #tpu.memory_space<vmem>>) target_semaphore(%run_scoped3A : memref<!tpu.dma_semaphore, #tpu.memory_space<semaphore_mem>>)
        %dma_wait3A = arith.constant 0 : i32
        %dma_wait3A_147 = tpu.memref_slice %arg2[%add3A_75, %dma_wait3A] : memref<1024x10240xi32, #tpu.memory_space<hbm>> -> memref<1x10240xi32, #tpu.memory_space<hbm>>
        %dma_wait3A_148 = tpu.memref_squeeze %dma_wait3A_147 : memref<1x10240xi32, #tpu.memory_space<hbm>> -> memref<10240xi32, #tpu.memory_space<hbm>>
        %dma_wait3A_149 = arith.constant 0 : i32
        %dma_wait3A_150 = tpu.memref_slice %arg2[%add3A_75, %dma_wait3A_149] : memref<1024x10240xi32, #tpu.memory_space<hbm>> -> memref<1x10240xi32, #tpu.memory_space<hbm>>
        %dma_wait3A_151 = tpu.memref_squeeze %dma_wait3A_150 : memref<1x10240xi32, #tpu.memory_space<hbm>> -> memref<10240xi32, #tpu.memory_space<hbm>>
        tpu.wait_dma2 semaphore(%run_scoped3A : memref<!tpu.dma_semaphore, #tpu.memory_space<semaphore_mem>>) src(%dma_wait3A_151 : memref<10240xi32, #tpu.memory_space<hbm>>) dst(%arg6 : memref<10240xi32, #tpu.memory_space<vmem>>)
        tpu.yield
      }) : () -> ()
      %jit3A_76 = arith.constant 2 : i32
      %div3A_77 = arith.divsi %add3A_35, %jit3A_76 : i32
      %sign3A_78 = arith.constant 0 : i32
      %sign3A_79 = arith.cmpi sgt, %add3A_35, %sign3A_78 : i32
      %sign3A_80 = arith.extui %sign3A_79 : i1 to i32
      %sign3A_81 = arith.constant 0 : i32
      %sign3A_82 = arith.cmpi slt, %add3A_35, %sign3A_81 : i32
      %sign3A_83 = arith.extui %sign3A_82 : i1 to i32
      %sign3A_84 = arith.subi %sign3A_80, %sign3A_83 : i32
      %sign3A_85 = arith.constant 0 : i32
      %sign3A_86 = arith.cmpi sgt, %jit3A_76, %sign3A_85 : i32
      %sign3A_87 = arith.extui %sign3A_86 : i1 to i32
      %sign3A_88 = arith.constant 0 : i32
      %sign3A_89 = arith.cmpi slt, %jit3A_76, %sign3A_88 : i32
      %sign3A_90 = arith.extui %sign3A_89 : i1 to i32
      %sign3A_91 = arith.subi %sign3A_87, %sign3A_90 : i32
      %ne3A_92 = arith.cmpi ne, %sign3A_84, %sign3A_91 : i32
      %rem3A_93 = arith.remsi %add3A_35, %jit3A_76 : i32
      %ne3A_94 = arith.constant 0 : i32
      %ne3A_95 = arith.cmpi ne, %rem3A_93, %ne3A_94 : i32
      %and3A_96 = arith.andi %ne3A_92, %ne3A_95 : i1
      %sub3A_97 = arith.constant 1 : i32
      %sub3A_98 = arith.subi %div3A_77, %sub3A_97 : i32
      %select_n3A_99 = arith.select %and3A_96, %sub3A_98, %div3A_77 : i32
      %mul3A_100 = arith.constant 2 : i32
      %mul3A_101 = arith.muli %scan3A_42, %mul3A_100 : i32
      %add3A_102 = arith.addi %select_n3A_99, %mul3A_101 : i32
      %add3A_103 = arith.constant 1 : i32
      %add3A_104 = arith.addi %add3A_102, %add3A_103 : i32
      "tpu.region"() ({
        %run_scoped3A = tpu.sem_alloc : memref<!tpu.dma_semaphore, #tpu.memory_space<semaphore_mem>>
        %dma_start3A_141 = arith.constant 0 : i32
        %dma_start3A_142 = tpu.memref_slice %arg2[%add3A_104, %dma_start3A_141] : memref<1024x10240xi32, #tpu.memory_space<hbm>> -> memref<1x10240xi32, #tpu.memory_space<hbm>>
        %dma_start3A_143 = tpu.memref_squeeze %dma_start3A_142 : memref<1x10240xi32, #tpu.memory_space<hbm>> -> memref<10240xi32, #tpu.memory_space<hbm>>
        %dma_start3A_144 = arith.constant 0 : i32
        %dma_start3A_145 = tpu.memref_slice %arg2[%add3A_104, %dma_start3A_144] : memref<1024x10240xi32, #tpu.memory_space<hbm>> -> memref<1x10240xi32, #tpu.memory_space<hbm>>
        %dma_start3A_146 = tpu.memref_squeeze %dma_start3A_145 : memref<1x10240xi32, #tpu.memory_space<hbm>> -> memref<10240xi32, #tpu.memory_space<hbm>>
        tpu.enqueue_dma source(%dma_start3A_146 : memref<10240xi32, #tpu.memory_space<hbm>>) target(%arg7 : memref<10240xi32, #tpu.memory_space<vmem>>) target_semaphore(%run_scoped3A : memref<!tpu.dma_semaphore, #tpu.memory_space<semaphore_mem>>)
        %dma_wait3A = arith.constant 0 : i32
        %dma_wait3A_147 = tpu.memref_slice %arg2[%add3A_104, %dma_wait3A] : memref<1024x10240xi32, #tpu.memory_space<hbm>> -> memref<1x10240xi32, #tpu.memory_space<hbm>>
        %dma_wait3A_148 = tpu.memref_squeeze %dma_wait3A_147 : memref<1x10240xi32, #tpu.memory_space<hbm>> -> memref<10240xi32, #tpu.memory_space<hbm>>
        %dma_wait3A_149 = arith.constant 0 : i32
        %dma_wait3A_150 = tpu.memref_slice %arg2[%add3A_104, %dma_wait3A_149] : memref<1024x10240xi32, #tpu.memory_space<hbm>> -> memref<1x10240xi32, #tpu.memory_space<hbm>>
        %dma_wait3A_151 = tpu.memref_squeeze %dma_wait3A_150 : memref<1x10240xi32, #tpu.memory_space<hbm>> -> memref<10240xi32, #tpu.memory_space<hbm>>
        tpu.wait_dma2 semaphore(%run_scoped3A : memref<!tpu.dma_semaphore, #tpu.memory_space<semaphore_mem>>) src(%dma_wait3A_151 : memref<10240xi32, #tpu.memory_space<hbm>>) dst(%arg7 : memref<10240xi32, #tpu.memory_space<vmem>>)
        tpu.yield
      }) : () -> ()
      %parallel_loop3A = arith.constant 0 : i32
      %parallel_loop3A_105 = arith.constant 640 : i32
      %parallel_loop3A_106 = arith.constant 1 : i32
      scf.for %parallel_loop3A_141 = %parallel_loop3A to %parallel_loop3A_105 step %parallel_loop3A_106  : i32 {
        %parallel_loop3A_142 = arith.constant 0.000000e+00 : f32
        %parallel_loop3A_143 = vector.broadcast %parallel_loop3A_142 : f32 to vector<16xf32>
        %parallel_loop3A_144 = arith.constant 16 : i32
        %parallel_loop3A_145 = arith.muli %parallel_loop3A_141, %parallel_loop3A_144 : i32
        %parallel_loop3A_146 = arith.index_cast %parallel_loop3A_145 : i32 to index
        %parallel_loop3A_147 = tpu.vector_load %arg8[%parallel_loop3A_146] {strides = array<i32>} : memref<10240xf32, #tpu.memory_space<vmem>>, vector<16xf32>,
        tpu.vector_store %arg8[%parallel_loop3A_146], %parallel_loop3A_143 {strides = array<i32>} : memref<10240xf32, #tpu.memory_space<vmem>>, vector<16xf32>,
        %parallel_loop3A_148 = arith.constant 16 : i32
        %parallel_loop3A_149 = arith.muli %parallel_loop3A_141, %parallel_loop3A_148 : i32
        %parallel_loop3A_150 = arith.index_cast %parallel_loop3A_149 : i32 to index
        %parallel_loop3A_151 = tpu.vector_load %arg9[%parallel_loop3A_150] {strides = array<i32>} : memref<10240xf32, #tpu.memory_space<vmem>>, vector<16xf32>,
        tpu.vector_store %arg9[%parallel_loop3A_150], %parallel_loop3A_143 {strides = array<i32>} : memref<10240xf32, #tpu.memory_space<vmem>>, vector<16xf32>,
        %parallel_loop3A_152 = arith.constant 16 : i32
        %parallel_loop3A_153 = arith.muli %parallel_loop3A_141, %parallel_loop3A_152 : i32
        %parallel_loop3A_154 = arith.index_cast %parallel_loop3A_153 : i32 to index
        %parallel_loop3A_155 = tpu.vector_load %arg10[%parallel_loop3A_154] {strides = array<i32>} : memref<10240xf32, #tpu.memory_space<vmem>>, vector<16xf32>,
        tpu.vector_store %arg10[%parallel_loop3A_154], %parallel_loop3A_143 {strides = array<i32>} : memref<10240xf32, #tpu.memory_space<vmem>>, vector<16xf32>,
        %parallel_loop3A_156 = arith.constant 16 : i32
        %parallel_loop3A_157 = arith.muli %parallel_loop3A_141, %parallel_loop3A_156 : i32
        %parallel_loop3A_158 = arith.index_cast %parallel_loop3A_157 : i32 to index
        %parallel_loop3A_159 = tpu.vector_load %arg11[%parallel_loop3A_158] {strides = array<i32>} : memref<10240xf32, #tpu.memory_space<vmem>>, vector<16xf32>,
        tpu.vector_store %arg11[%parallel_loop3A_158], %parallel_loop3A_143 {strides = array<i32>} : memref<10240xf32, #tpu.memory_space<vmem>>, vector<16xf32>,
      } {sc.loop_unroll_factor = 8 : i64, sc.parallel_access}
      %rem3A_107 = arith.constant 0 : i32
      %rem3A_108 = arith.constant 2 : i32
      %rem3A_109 = arith.remsi %rem3A_107, %rem3A_108 : i32
      %mul3A_110 = arith.constant 4096 : i32
      %mul3A_111 = arith.muli %rem3A_109, %mul3A_110 : i32
      %dma_start3A = tpu.memref_slice %arg12[%mul3A_111] : memref<8192xi32, #tpu.memory_space<vmem>> -> memref<4096xi32, #tpu.memory_space<vmem>>
      %dma_start3A_112 = arith.constant 0 : i32
      %dma_start3A_113 = tpu.memref_slice %arg4[%dma_start3A_112] : memref<163840xi32, #tpu.memory_space<hbm>> -> memref<4096xi32, #tpu.memory_space<hbm>>
      %dma_start3A_114 = tpu.memref_slice %arg12[%mul3A_111] : memref<8192xi32, #tpu.memory_space<vmem>> -> memref<4096xi32, #tpu.memory_space<vmem>>
      %dma_start3A_115 = arith.constant 0 : i32
      %dma_start3A_116 = tpu.memref_slice %arg4[%dma_start3A_115] : memref<163840xi32, #tpu.memory_space<hbm>> -> memref<4096xi32, #tpu.memory_space<hbm>>
      tpu.enqueue_dma source(%dma_start3A_116 : memref<4096xi32, #tpu.memory_space<hbm>>) target(%dma_start3A_114 : memref<4096xi32, #tpu.memory_space<vmem>>) target_semaphore(%arg14 : memref<!tpu.dma_semaphore, #tpu.memory_space<semaphore_mem>>)
      %dma_start3A_117 = tpu.memref_slice %arg13[%mul3A_111] : memref<8192xf32, #tpu.memory_space<vmem>> -> memref<4096xf32, #tpu.memory_space<vmem>>
      %dma_start3A_118 = arith.constant 0 : i32
      %dma_start3A_119 = tpu.memref_slice %arg3[%select_n3A, %dma_start3A_118] : memref<8x163840xf32, #tpu.memory_space<hbm>> -> memref<1x4096xf32, #tpu.memory_space<hbm>>
      %dma_start3A_120 = tpu.memref_squeeze %dma_start3A_119 : memref<1x4096xf32, #tpu.memory_space<hbm>> -> memref<4096xf32, #tpu.memory_space<hbm>>
      %dma_start3A_121 = tpu.memref_slice %arg13[%mul3A_111] : memref<8192xf32, #tpu.memory_space<vmem>> -> memref<4096xf32, #tpu.memory_space<vmem>>
      %dma_start3A_122 = arith.constant 0 : i32
      %dma_start3A_123 = tpu.memref_slice %arg3[%select_n3A, %dma_start3A_122] : memref<8x163840xf32, #tpu.memory_space<hbm>> -> memref<1x4096xf32, #tpu.memory_space<hbm>>
      %dma_start3A_124 = tpu.memref_squeeze %dma_start3A_123 : memref<1x4096xf32, #tpu.memory_space<hbm>> -> memref<4096xf32, #tpu.memory_space<hbm>>
      tpu.enqueue_dma source(%dma_start3A_124 : memref<4096xf32, #tpu.memory_space<hbm>>) target(%dma_start3A_121 : memref<4096xf32, #tpu.memory_space<vmem>>) target_semaphore(%arg14 : memref<!tpu.dma_semaphore, #tpu.memory_space<semaphore_mem>>)
      %scan3A_125 = arith.constant 0 : i32
      %scan3A_126 = arith.constant 0 : i32
      %scan3A_127 = arith.constant 40 : i32
      %scan3A_128 = arith.addi %scan3A_126, %scan3A_127 : i32
      %scan3A_129 = arith.constant 1 : i32
      %scan3A_130 = scf.for %scan3A_141 = %scan3A_126 to %scan3A_128 step %scan3A_129 iter_args(%scan3A_142 = %scan3A_125) -> (i32)  : i32 {
        %mul3A_143 = arith.constant 4096 : i32
        %mul3A_144 = arith.muli %scan3A_141, %mul3A_143 : i32
        %rem3A_145 = arith.constant 2 : i32
        %rem3A_146 = arith.remsi %scan3A_141, %rem3A_145 : i32
        %mul3A_147 = arith.constant 4096 : i32
        %mul3A_148 = arith.muli %rem3A_146, %mul3A_147 : i32
        %dma_wait3A = tpu.memref_slice %arg12[%mul3A_148] : memref<8192xi32, #tpu.memory_space<vmem>> -> memref<4096xi32, #tpu.memory_space<vmem>>
        %dma_wait3A_149 = tpu.memref_slice %arg4[%mul3A_144] : memref<163840xi32, #tpu.memory_space<hbm>> -> memref<4096xi32, #tpu.memory_space<hbm>>
        %dma_wait3A_150 = tpu.memref_slice %arg12[%mul3A_148] : memref<8192xi32, #tpu.memory_space<vmem>> -> memref<4096xi32, #tpu.memory_space<vmem>>
        %dma_wait3A_151 = tpu.memref_slice %arg4[%mul3A_144] : memref<163840xi32, #tpu.memory_space<hbm>> -> memref<4096xi32, #tpu.memory_space<hbm>>
        tpu.wait_dma2 semaphore(%arg14 : memref<!tpu.dma_semaphore, #tpu.memory_space<semaphore_mem>>) src(%dma_wait3A_151 : memref<4096xi32, #tpu.memory_space<hbm>>) dst(%dma_wait3A_150 : memref<4096xi32, #tpu.memory_space<vmem>>)
        %dma_wait3A_152 = tpu.memref_slice %arg13[%mul3A_148] : memref<8192xf32, #tpu.memory_space<vmem>> -> memref<4096xf32, #tpu.memory_space<vmem>>
        %dma_wait3A_153 = tpu.memref_slice %arg3[%select_n3A, %mul3A_144] : memref<8x163840xf32, #tpu.memory_space<hbm>> -> memref<1x4096xf32, #tpu.memory_space<hbm>>
        %dma_wait3A_154 = tpu.memref_squeeze %dma_wait3A_153 : memref<1x4096xf32, #tpu.memory_space<hbm>> -> memref<4096xf32, #tpu.memory_space<hbm>>
        %dma_wait3A_155 = tpu.memref_slice %arg13[%mul3A_148] : memref<8192xf32, #tpu.memory_space<vmem>> -> memref<4096xf32, #tpu.memory_space<vmem>>
        %dma_wait3A_156 = tpu.memref_slice %arg3[%select_n3A, %mul3A_144] : memref<8x163840xf32, #tpu.memory_space<hbm>> -> memref<1x4096xf32, #tpu.memory_space<hbm>>
        %dma_wait3A_157 = tpu.memref_squeeze %dma_wait3A_156 : memref<1x4096xf32, #tpu.memory_space<hbm>> -> memref<4096xf32, #tpu.memory_space<hbm>>
        tpu.wait_dma2 semaphore(%arg14 : memref<!tpu.dma_semaphore, #tpu.memory_space<semaphore_mem>>) src(%dma_wait3A_157 : memref<4096xf32, #tpu.memory_space<hbm>>) dst(%dma_wait3A_155 : memref<4096xf32, #tpu.memory_space<vmem>>)
        %add3A_158 = arith.constant 1 : i32
        %add3A_159 = arith.addi %scan3A_141, %add3A_158 : i32
        %lt3A_160 = arith.constant 40 : i32
        %lt3A_161 = arith.cmpi slt, %add3A_159, %lt3A_160 : i32
        %convert_element_type3A = arith.extui %lt3A_161 : i1 to i32
        %cond3A = arith.constant 0 : i32
        %cond3A_162 = arith.cmpi ne, %convert_element_type3A, %cond3A : i32
        scf.if %cond3A_162 {
          %add3A_171 = arith.constant 1 : i32
          %add3A_172 = arith.addi %scan3A_141, %add3A_171 : i32
          %mul3A_173 = arith.constant 4096 : i32
          %mul3A_174 = arith.muli %add3A_172, %mul3A_173 : i32
          %rem3A_175 = arith.constant 2 : i32
          %rem3A_176 = arith.remsi %add3A_172, %rem3A_175 : i32
          %mul3A_177 = arith.constant 4096 : i32
          %mul3A_178 = arith.muli %rem3A_176, %mul3A_177 : i32
          %dma_start3A_179 = tpu.memref_slice %arg12[%mul3A_178] : memref<8192xi32, #tpu.memory_space<vmem>> -> memref<4096xi32, #tpu.memory_space<vmem>>
          %dma_start3A_180 = tpu.memref_slice %arg4[%mul3A_174] : memref<163840xi32, #tpu.memory_space<hbm>> -> memref<4096xi32, #tpu.memory_space<hbm>>
          %dma_start3A_181 = tpu.memref_slice %arg12[%mul3A_178] : memref<8192xi32, #tpu.memory_space<vmem>> -> memref<4096xi32, #tpu.memory_space<vmem>>
          %dma_start3A_182 = tpu.memref_slice %arg4[%mul3A_174] : memref<163840xi32, #tpu.memory_space<hbm>> -> memref<4096xi32, #tpu.memory_space<hbm>>
          tpu.enqueue_dma source(%dma_start3A_182 : memref<4096xi32, #tpu.memory_space<hbm>>) target(%dma_start3A_181 : memref<4096xi32, #tpu.memory_space<vmem>>) target_semaphore(%arg14 : memref<!tpu.dma_semaphore, #tpu.memory_space<semaphore_mem>>)
          %dma_start3A_183 = tpu.memref_slice %arg13[%mul3A_178] : memref<8192xf32, #tpu.memory_space<vmem>> -> memref<4096xf32, #tpu.memory_space<vmem>>
          %dma_start3A_184 = tpu.memref_slice %arg3[%select_n3A, %mul3A_174] : memref<8x163840xf32, #tpu.memory_space<hbm>> -> memref<1x4096xf32, #tpu.memory_space<hbm>>
          %dma_start3A_185 = tpu.memref_squeeze %dma_start3A_184 : memref<1x4096xf32, #tpu.memory_space<hbm>> -> memref<4096xf32, #tpu.memory_space<hbm>>
          %dma_start3A_186 = tpu.memref_slice %arg13[%mul3A_178] : memref<8192xf32, #tpu.memory_space<vmem>> -> memref<4096xf32, #tpu.memory_space<vmem>>
          %dma_start3A_187 = tpu.memref_slice %arg3[%select_n3A, %mul3A_174] : memref<8x163840xf32, #tpu.memory_space<hbm>> -> memref<1x4096xf32, #tpu.memory_space<hbm>>
          %dma_start3A_188 = tpu.memref_squeeze %dma_start3A_187 : memref<1x4096xf32, #tpu.memory_space<hbm>> -> memref<4096xf32, #tpu.memory_space<hbm>>
          tpu.enqueue_dma source(%dma_start3A_188 : memref<4096xf32, #tpu.memory_space<hbm>>) target(%dma_start3A_186 : memref<4096xf32, #tpu.memory_space<vmem>>) target_semaphore(%arg14 : memref<!tpu.dma_semaphore, #tpu.memory_space<semaphore_mem>>)
        } else {
        }
        %rem3A_163 = arith.constant 2 : i32
        %rem3A_164 = arith.remsi %scan3A_141, %rem3A_163 : i32
        %mul3A_165 = arith.constant 4096 : i32
        %mul3A_166 = arith.muli %rem3A_164, %mul3A_165 : i32
        %parallel_loop3A_167 = arith.constant 0 : i32
        %parallel_loop3A_168 = arith.constant 256 : i32
        %parallel_loop3A_169 = arith.constant 1 : i32
        scf.for %parallel_loop3A_171 = %parallel_loop3A_167 to %parallel_loop3A_168 step %parallel_loop3A_169  : i32 {
          %parallel_loop3A_172 = arith.constant 16 : i32
          %parallel_loop3A_173 = arith.muli %parallel_loop3A_171, %parallel_loop3A_172 : i32
          %parallel_loop3A_174 = arith.addi %mul3A_166, %parallel_loop3A_173 : i32
          %parallel_loop3A_175 = arith.index_cast %parallel_loop3A_174 : i32 to index
          %parallel_loop3A_176 = tpu.vector_load %arg12[%parallel_loop3A_175] {strides = array<i32>} : memref<8192xi32, #tpu.memory_space<vmem>>, vector<16xi32>,
          %parallel_loop3A_177 = arith.constant 16383 : i32
          %parallel_loop3A_178 = vector.broadcast %parallel_loop3A_177 : i32 to vector<16xi32>
          %parallel_loop3A_179 = arith.andi %parallel_loop3A_176, %parallel_loop3A_178 : vector<16xi32>
          %parallel_loop3A_180 = arith.constant 14 : i32
          %parallel_loop3A_181 = vector.broadcast %parallel_loop3A_180 : i32 to vector<16xi32>
          %parallel_loop3A_182 = arith.shrui %parallel_loop3A_176, %parallel_loop3A_181 : vector<16xi32>
          %parallel_loop3A_183 = arith.index_cast %parallel_loop3A_174 : i32 to index
          %parallel_loop3A_184 = tpu.vector_load %arg13[%parallel_loop3A_183] {strides = array<i32>} : memref<8192xf32, #tpu.memory_space<vmem>>, vector<16xf32>,
          %parallel_loop3A_185 = tpu.vector_load_idx %arg6[%parallel_loop3A_179] : memref<10240xi32, #tpu.memory_space<vmem>>[vector<16xi32>], vector<16xi32>,
          %parallel_loop3A_186 = arith.constant 16 : i32
          %parallel_loop3A_187 = vector.broadcast %parallel_loop3A_186 : i32 to vector<16xi32>
          %parallel_loop3A_188 = arith.shli %parallel_loop3A_185, %parallel_loop3A_187 : vector<16xi32>
          %parallel_loop3A_189 = vector.bitcast %parallel_loop3A_188 : vector<16xi32> to vector<16xf32>
          %parallel_loop3A_190 = arith.constant -65536 : i32
          %parallel_loop3A_191 = vector.broadcast %parallel_loop3A_190 : i32 to vector<16xi32>
          %parallel_loop3A_192 = arith.andi %parallel_loop3A_185, %parallel_loop3A_191 : vector<16xi32>
          %parallel_loop3A_193 = vector.bitcast %parallel_loop3A_192 : vector<16xi32> to vector<16xf32>
          %parallel_loop3A_194 = arith.mulf %parallel_loop3A_189, %parallel_loop3A_184 : vector<16xf32>
          tpu.vector_store_idx %arg8[%parallel_loop3A_182], %parallel_loop3A_194 {add = true} : memref<10240xf32, #tpu.memory_space<vmem>>[vector<16xi32>], vector<16xf32>,
          %parallel_loop3A_195 = arith.mulf %parallel_loop3A_193, %parallel_loop3A_184 : vector<16xf32>
          tpu.vector_store_idx %arg9[%parallel_loop3A_182], %parallel_loop3A_195 {add = true} : memref<10240xf32, #tpu.memory_space<vmem>>[vector<16xi32>], vector<16xf32>,
          %parallel_loop3A_196 = tpu.vector_load_idx %arg7[%parallel_loop3A_179] : memref<10240xi32, #tpu.memory_space<vmem>>[vector<16xi32>], vector<16xi32>,
          %parallel_loop3A_197 = arith.constant 16 : i32
          %parallel_loop3A_198 = vector.broadcast %parallel_loop3A_197 : i32 to vector<16xi32>
          %parallel_loop3A_199 = arith.shli %parallel_loop3A_196, %parallel_loop3A_198 : vector<16xi32>
          %parallel_loop3A_200 = vector.bitcast %parallel_loop3A_199 : vector<16xi32> to vector<16xf32>
          %parallel_loop3A_201 = arith.constant -65536 : i32
          %parallel_loop3A_202 = vector.broadcast %parallel_loop3A_201 : i32 to vector<16xi32>
          %parallel_loop3A_203 = arith.andi %parallel_loop3A_196, %parallel_loop3A_202 : vector<16xi32>
          %parallel_loop3A_204 = vector.bitcast %parallel_loop3A_203 : vector<16xi32> to vector<16xf32>
          %parallel_loop3A_205 = arith.mulf %parallel_loop3A_200, %parallel_loop3A_184 : vector<16xf32>
          tpu.vector_store_idx %arg10[%parallel_loop3A_182], %parallel_loop3A_205 {add = true} : memref<10240xf32, #tpu.memory_space<vmem>>[vector<16xi32>], vector<16xf32>,
          %parallel_loop3A_206 = arith.mulf %parallel_loop3A_204, %parallel_loop3A_184 : vector<16xf32>
          tpu.vector_store_idx %arg11[%parallel_loop3A_182], %parallel_loop3A_206 {add = true} : memref<10240xf32, #tpu.memory_space<vmem>>[vector<16xi32>], vector<16xf32>,
        } {sc.loop_unroll_factor = 16 : i64, sc.parallel_access}
        %scan3A_170 = arith.constant 0 : i32
        scf.yield %scan3A_170 : i32
      }
      %scan3A_131 = arith.constant 40 : i32
      %add3A_132 = arith.constant 0 : i32
      %add3A_133 = arith.addi %add3A_46, %add3A_132 : i32
      "tpu.region"() ({
        %run_scoped3A = tpu.sem_alloc : memref<!tpu.dma_semaphore, #tpu.memory_space<semaphore_mem>>
        %dma_start3A_141 = arith.constant 0 : i32
        %dma_start3A_142 = tpu.memref_slice %arg5[%add3A_133, %dma_start3A_141] : memref<2048x10240xf32, #tpu.memory_space<hbm>> -> memref<1x10240xf32, #tpu.memory_space<hbm>>
        %dma_start3A_143 = tpu.memref_squeeze %dma_start3A_142 : memref<1x10240xf32, #tpu.memory_space<hbm>> -> memref<10240xf32, #tpu.memory_space<hbm>>
        %dma_start3A_144 = arith.constant 0 : i32
        %dma_start3A_145 = tpu.memref_slice %arg5[%add3A_133, %dma_start3A_144] : memref<2048x10240xf32, #tpu.memory_space<hbm>> -> memref<1x10240xf32, #tpu.memory_space<hbm>>
        %dma_start3A_146 = tpu.memref_squeeze %dma_start3A_145 : memref<1x10240xf32, #tpu.memory_space<hbm>> -> memref<10240xf32, #tpu.memory_space<hbm>>
        tpu.enqueue_dma source(%arg8 : memref<10240xf32, #tpu.memory_space<vmem>>) target(%dma_start3A_146 : memref<10240xf32, #tpu.memory_space<hbm>>) target_semaphore(%run_scoped3A : memref<!tpu.dma_semaphore, #tpu.memory_space<semaphore_mem>>)
        %dma_wait3A = arith.constant 0 : i32
        %dma_wait3A_147 = tpu.memref_slice %arg5[%add3A_133, %dma_wait3A] : memref<2048x10240xf32, #tpu.memory_space<hbm>> -> memref<1x10240xf32, #tpu.memory_space<hbm>>
        %dma_wait3A_148 = tpu.memref_squeeze %dma_wait3A_147 : memref<1x10240xf32, #tpu.memory_space<hbm>> -> memref<10240xf32, #tpu.memory_space<hbm>>
        %dma_wait3A_149 = arith.constant 0 : i32
        %dma_wait3A_150 = tpu.memref_slice %arg5[%add3A_133, %dma_wait3A_149] : memref<2048x10240xf32, #tpu.memory_space<hbm>> -> memref<1x10240xf32, #tpu.memory_space<hbm>>
        %dma_wait3A_151 = tpu.memref_squeeze %dma_wait3A_150 : memref<1x10240xf32, #tpu.memory_space<hbm>> -> memref<10240xf32, #tpu.memory_space<hbm>>
        tpu.wait_dma2 semaphore(%run_scoped3A : memref<!tpu.dma_semaphore, #tpu.memory_space<semaphore_mem>>) src(%arg8 : memref<10240xf32, #tpu.memory_space<vmem>>) dst(%dma_wait3A_151 : memref<10240xf32, #tpu.memory_space<hbm>>)
        tpu.yield
      }) : () -> ()
      %add3A_134 = arith.constant 1 : i32
      %add3A_135 = arith.addi %add3A_46, %add3A_134 : i32
      "tpu.region"() ({
        %run_scoped3A = tpu.sem_alloc : memref<!tpu.dma_semaphore, #tpu.memory_space<semaphore_mem>>
        %dma_start3A_141 = arith.constant 0 : i32
        %dma_start3A_142 = tpu.memref_slice %arg5[%add3A_135, %dma_start3A_141] : memref<2048x10240xf32, #tpu.memory_space<hbm>> -> memref<1x10240xf32, #tpu.memory_space<hbm>>
        %dma_start3A_143 = tpu.memref_squeeze %dma_start3A_142 : memref<1x10240xf32, #tpu.memory_space<hbm>> -> memref<10240xf32, #tpu.memory_space<hbm>>
        %dma_start3A_144 = arith.constant 0 : i32
        %dma_start3A_145 = tpu.memref_slice %arg5[%add3A_135, %dma_start3A_144] : memref<2048x10240xf32, #tpu.memory_space<hbm>> -> memref<1x10240xf32, #tpu.memory_space<hbm>>
        %dma_start3A_146 = tpu.memref_squeeze %dma_start3A_145 : memref<1x10240xf32, #tpu.memory_space<hbm>> -> memref<10240xf32, #tpu.memory_space<hbm>>
        tpu.enqueue_dma source(%arg9 : memref<10240xf32, #tpu.memory_space<vmem>>) target(%dma_start3A_146 : memref<10240xf32, #tpu.memory_space<hbm>>) target_semaphore(%run_scoped3A : memref<!tpu.dma_semaphore, #tpu.memory_space<semaphore_mem>>)
        %dma_wait3A = arith.constant 0 : i32
        %dma_wait3A_147 = tpu.memref_slice %arg5[%add3A_135, %dma_wait3A] : memref<2048x10240xf32, #tpu.memory_space<hbm>> -> memref<1x10240xf32, #tpu.memory_space<hbm>>
        %dma_wait3A_148 = tpu.memref_squeeze %dma_wait3A_147 : memref<1x10240xf32, #tpu.memory_space<hbm>> -> memref<10240xf32, #tpu.memory_space<hbm>>
        %dma_wait3A_149 = arith.constant 0 : i32
        %dma_wait3A_150 = tpu.memref_slice %arg5[%add3A_135, %dma_wait3A_149] : memref<2048x10240xf32, #tpu.memory_space<hbm>> -> memref<1x10240xf32, #tpu.memory_space<hbm>>
        %dma_wait3A_151 = tpu.memref_squeeze %dma_wait3A_150 : memref<1x10240xf32, #tpu.memory_space<hbm>> -> memref<10240xf32, #tpu.memory_space<hbm>>
        tpu.wait_dma2 semaphore(%run_scoped3A : memref<!tpu.dma_semaphore, #tpu.memory_space<semaphore_mem>>) src(%arg9 : memref<10240xf32, #tpu.memory_space<vmem>>) dst(%dma_wait3A_151 : memref<10240xf32, #tpu.memory_space<hbm>>)
        tpu.yield
      }) : () -> ()
      %add3A_136 = arith.constant 2 : i32
      %add3A_137 = arith.addi %add3A_46, %add3A_136 : i32
      "tpu.region"() ({
        %run_scoped3A = tpu.sem_alloc : memref<!tpu.dma_semaphore, #tpu.memory_space<semaphore_mem>>
        %dma_start3A_141 = arith.constant 0 : i32
        %dma_start3A_142 = tpu.memref_slice %arg5[%add3A_137, %dma_start3A_141] : memref<2048x10240xf32, #tpu.memory_space<hbm>> -> memref<1x10240xf32, #tpu.memory_space<hbm>>
        %dma_start3A_143 = tpu.memref_squeeze %dma_start3A_142 : memref<1x10240xf32, #tpu.memory_space<hbm>> -> memref<10240xf32, #tpu.memory_space<hbm>>
        %dma_start3A_144 = arith.constant 0 : i32
        %dma_start3A_145 = tpu.memref_slice %arg5[%add3A_137, %dma_start3A_144] : memref<2048x10240xf32, #tpu.memory_space<hbm>> -> memref<1x10240xf32, #tpu.memory_space<hbm>>
        %dma_start3A_146 = tpu.memref_squeeze %dma_start3A_145 : memref<1x10240xf32, #tpu.memory_space<hbm>> -> memref<10240xf32, #tpu.memory_space<hbm>>
        tpu.enqueue_dma source(%arg10 : memref<10240xf32, #tpu.memory_space<vmem>>) target(%dma_start3A_146 : memref<10240xf32, #tpu.memory_space<hbm>>) target_semaphore(%run_scoped3A : memref<!tpu.dma_semaphore, #tpu.memory_space<semaphore_mem>>)
        %dma_wait3A = arith.constant 0 : i32
        %dma_wait3A_147 = tpu.memref_slice %arg5[%add3A_137, %dma_wait3A] : memref<2048x10240xf32, #tpu.memory_space<hbm>> -> memref<1x10240xf32, #tpu.memory_space<hbm>>
        %dma_wait3A_148 = tpu.memref_squeeze %dma_wait3A_147 : memref<1x10240xf32, #tpu.memory_space<hbm>> -> memref<10240xf32, #tpu.memory_space<hbm>>
        %dma_wait3A_149 = arith.constant 0 : i32
        %dma_wait3A_150 = tpu.memref_slice %arg5[%add3A_137, %dma_wait3A_149] : memref<2048x10240xf32, #tpu.memory_space<hbm>> -> memref<1x10240xf32, #tpu.memory_space<hbm>>
        %dma_wait3A_151 = tpu.memref_squeeze %dma_wait3A_150 : memref<1x10240xf32, #tpu.memory_space<hbm>> -> memref<10240xf32, #tpu.memory_space<hbm>>
        tpu.wait_dma2 semaphore(%run_scoped3A : memref<!tpu.dma_semaphore, #tpu.memory_space<semaphore_mem>>) src(%arg10 : memref<10240xf32, #tpu.memory_space<vmem>>) dst(%dma_wait3A_151 : memref<10240xf32, #tpu.memory_space<hbm>>)
        tpu.yield
      }) : () -> ()
      %add3A_138 = arith.constant 3 : i32
      %add3A_139 = arith.addi %add3A_46, %add3A_138 : i32
      "tpu.region"() ({
        %run_scoped3A = tpu.sem_alloc : memref<!tpu.dma_semaphore, #tpu.memory_space<semaphore_mem>>
        %dma_start3A_141 = arith.constant 0 : i32
        %dma_start3A_142 = tpu.memref_slice %arg5[%add3A_139, %dma_start3A_141] : memref<2048x10240xf32, #tpu.memory_space<hbm>> -> memref<1x10240xf32, #tpu.memory_space<hbm>>
        %dma_start3A_143 = tpu.memref_squeeze %dma_start3A_142 : memref<1x10240xf32, #tpu.memory_space<hbm>> -> memref<10240xf32, #tpu.memory_space<hbm>>
        %dma_start3A_144 = arith.constant 0 : i32
        %dma_start3A_145 = tpu.memref_slice %arg5[%add3A_139, %dma_start3A_144] : memref<2048x10240xf32, #tpu.memory_space<hbm>> -> memref<1x10240xf32, #tpu.memory_space<hbm>>
        %dma_start3A_146 = tpu.memref_squeeze %dma_start3A_145 : memref<1x10240xf32, #tpu.memory_space<hbm>> -> memref<10240xf32, #tpu.memory_space<hbm>>
        tpu.enqueue_dma source(%arg11 : memref<10240xf32, #tpu.memory_space<vmem>>) target(%dma_start3A_146 : memref<10240xf32, #tpu.memory_space<hbm>>) target_semaphore(%run_scoped3A : memref<!tpu.dma_semaphore, #tpu.memory_space<semaphore_mem>>)
        %dma_wait3A = arith.constant 0 : i32
        %dma_wait3A_147 = tpu.memref_slice %arg5[%add3A_139, %dma_wait3A] : memref<2048x10240xf32, #tpu.memory_space<hbm>> -> memref<1x10240xf32, #tpu.memory_space<hbm>>
        %dma_wait3A_148 = tpu.memref_squeeze %dma_wait3A_147 : memref<1x10240xf32, #tpu.memory_space<hbm>> -> memref<10240xf32, #tpu.memory_space<hbm>>
        %dma_wait3A_149 = arith.constant 0 : i32
        %dma_wait3A_150 = tpu.memref_slice %arg5[%add3A_139, %dma_wait3A_149] : memref<2048x10240xf32, #tpu.memory_space<hbm>> -> memref<1x10240xf32, #tpu.memory_space<hbm>>
        %dma_wait3A_151 = tpu.memref_squeeze %dma_wait3A_150 : memref<1x10240xf32, #tpu.memory_space<hbm>> -> memref<10240xf32, #tpu.memory_space<hbm>>
        tpu.wait_dma2 semaphore(%run_scoped3A : memref<!tpu.dma_semaphore, #tpu.memory_space<semaphore_mem>>) src(%arg11 : memref<10240xf32, #tpu.memory_space<vmem>>) dst(%dma_wait3A_151 : memref<10240xf32, #tpu.memory_space<hbm>>)
        tpu.yield
      }) : () -> ()
      %scan3A_140 = arith.constant 0 : i32
      scf.yield %scan3A_140 : i32
    }
    %scan3A_41 = arith.constant 16 : i32
    return
  }
}

#map = affine_map<(d0, d1) -> (0, 0)>
#map1 = affine_map<(d0, d1) -> (0)>
module attributes {stable_mosaic.version = 14 : i64} {
  func.func @_k3_body(%arg0: i32, %arg1: i32, %arg2: memref<48x10240xf32, #tpu.memory_space<hbm>>, %arg3: memref<2x10240xf32, #tpu.memory_space<hbm>>, %arg4: memref<163840xi32, #tpu.memory_space<hbm>>, %arg5: memref<48x10240xf32, #tpu.memory_space<hbm>>, %arg6: memref<1x10240xf32, #tpu.memory_space<hbm>>, %arg7: memref<10240xf32, #tpu.memory_space<vmem>>, %arg8: memref<10240xf32, #tpu.memory_space<vmem>>, %arg9: memref<10240xf32, #tpu.memory_space<vmem>>, %arg10: memref<10240xf32, #tpu.memory_space<vmem>>, %arg11: memref<10240xf32, #tpu.memory_space<vmem>>, %arg12: memref<10240xf32, #tpu.memory_space<vmem>>, %arg13: memref<10240xf32, #tpu.memory_space<vmem>>, %arg14: memref<4096xi32, #tpu.memory_space<vmem>>) attributes {dimension_semantics = [#tpu.dimension_semantics<core_parallel>, #tpu.dimension_semantics<subcore_parallel>], iteration_bounds = array<i64: 2, 16>, scalar_prefetch = 0 : i64, scratch_operands = 8 : i64, tpu.core_type = #tpu.core_type<sc_vector_subcore>, window_params = [{transform_indices = #map}, {transform_indices = #map}, {transform_indices = #map1}, {transform_indices = #map}, {transform_indices = #map}]} {
    %mul3A = arith.constant 2 : i32
    %mul3A_0 = arith.muli %arg1, %mul3A : i32
    %add3A = arith.addi %mul3A_0, %arg0 : i32
    %le3A = arith.constant 24 : i32
    %le3A_1 = arith.cmpi sle, %add3A, %le3A : i32
    %convert_element_type3A = arith.extui %le3A_1 : i1 to i32
    %cond3A = arith.constant 0 : i32
    %cond3A_2 = arith.cmpi ne, %convert_element_type3A, %cond3A : i32
    scf.if %cond3A_2 {
      %run_scoped3A = arith.constant 0 : i32
      "tpu.region"() ({
        %run_scoped3A_27 = tpu.sem_alloc : memref<!tpu.dma_semaphore, #tpu.memory_space<semaphore_mem>>
        %dma_start3A = arith.constant 0 : i32
        %dma_start3A_28 = tpu.memref_slice %arg3[%run_scoped3A, %dma_start3A] : memref<2x10240xf32, #tpu.memory_space<hbm>> -> memref<1x10240xf32, #tpu.memory_space<hbm>>
        %dma_start3A_29 = tpu.memref_squeeze %dma_start3A_28 : memref<1x10240xf32, #tpu.memory_space<hbm>> -> memref<10240xf32, #tpu.memory_space<hbm>>
        %dma_start3A_30 = arith.constant 0 : i32
        %dma_start3A_31 = tpu.memref_slice %arg3[%run_scoped3A, %dma_start3A_30] : memref<2x10240xf32, #tpu.memory_space<hbm>> -> memref<1x10240xf32, #tpu.memory_space<hbm>>
        %dma_start3A_32 = tpu.memref_squeeze %dma_start3A_31 : memref<1x10240xf32, #tpu.memory_space<hbm>> -> memref<10240xf32, #tpu.memory_space<hbm>>
        tpu.enqueue_dma source(%dma_start3A_32 : memref<10240xf32, #tpu.memory_space<hbm>>) target(%arg7 : memref<10240xf32, #tpu.memory_space<vmem>>) target_semaphore(%run_scoped3A_27 : memref<!tpu.dma_semaphore, #tpu.memory_space<semaphore_mem>>)
        %dma_wait3A = arith.constant 0 : i32
        %dma_wait3A_33 = tpu.memref_slice %arg3[%run_scoped3A, %dma_wait3A] : memref<2x10240xf32, #tpu.memory_space<hbm>> -> memref<1x10240xf32, #tpu.memory_space<hbm>>
        %dma_wait3A_34 = tpu.memref_squeeze %dma_wait3A_33 : memref<1x10240xf32, #tpu.memory_space<hbm>> -> memref<10240xf32, #tpu.memory_space<hbm>>
        %dma_wait3A_35 = arith.constant 0 : i32
        %dma_wait3A_36 = tpu.memref_slice %arg3[%run_scoped3A, %dma_wait3A_35] : memref<2x10240xf32, #tpu.memory_space<hbm>> -> memref<1x10240xf32, #tpu.memory_space<hbm>>
        %dma_wait3A_37 = tpu.memref_squeeze %dma_wait3A_36 : memref<1x10240xf32, #tpu.memory_space<hbm>> -> memref<10240xf32, #tpu.memory_space<hbm>>
        tpu.wait_dma2 semaphore(%run_scoped3A_27 : memref<!tpu.dma_semaphore, #tpu.memory_space<semaphore_mem>>) src(%dma_wait3A_37 : memref<10240xf32, #tpu.memory_space<hbm>>) dst(%arg7 : memref<10240xf32, #tpu.memory_space<vmem>>)
        tpu.yield
      }) : () -> ()
      %run_scoped3A_3 = arith.constant 1 : i32
      "tpu.region"() ({
        %run_scoped3A_27 = tpu.sem_alloc : memref<!tpu.dma_semaphore, #tpu.memory_space<semaphore_mem>>
        %dma_start3A = arith.constant 0 : i32
        %dma_start3A_28 = tpu.memref_slice %arg3[%run_scoped3A_3, %dma_start3A] : memref<2x10240xf32, #tpu.memory_space<hbm>> -> memref<1x10240xf32, #tpu.memory_space<hbm>>
        %dma_start3A_29 = tpu.memref_squeeze %dma_start3A_28 : memref<1x10240xf32, #tpu.memory_space<hbm>> -> memref<10240xf32, #tpu.memory_space<hbm>>
        %dma_start3A_30 = arith.constant 0 : i32
        %dma_start3A_31 = tpu.memref_slice %arg3[%run_scoped3A_3, %dma_start3A_30] : memref<2x10240xf32, #tpu.memory_space<hbm>> -> memref<1x10240xf32, #tpu.memory_space<hbm>>
        %dma_start3A_32 = tpu.memref_squeeze %dma_start3A_31 : memref<1x10240xf32, #tpu.memory_space<hbm>> -> memref<10240xf32, #tpu.memory_space<hbm>>
        tpu.enqueue_dma source(%dma_start3A_32 : memref<10240xf32, #tpu.memory_space<hbm>>) target(%arg8 : memref<10240xf32, #tpu.memory_space<vmem>>) target_semaphore(%run_scoped3A_27 : memref<!tpu.dma_semaphore, #tpu.memory_space<semaphore_mem>>)
        %dma_wait3A = arith.constant 0 : i32
        %dma_wait3A_33 = tpu.memref_slice %arg3[%run_scoped3A_3, %dma_wait3A] : memref<2x10240xf32, #tpu.memory_space<hbm>> -> memref<1x10240xf32, #tpu.memory_space<hbm>>
        %dma_wait3A_34 = tpu.memref_squeeze %dma_wait3A_33 : memref<1x10240xf32, #tpu.memory_space<hbm>> -> memref<10240xf32, #tpu.memory_space<hbm>>
        %dma_wait3A_35 = arith.constant 0 : i32
        %dma_wait3A_36 = tpu.memref_slice %arg3[%run_scoped3A_3, %dma_wait3A_35] : memref<2x10240xf32, #tpu.memory_space<hbm>> -> memref<1x10240xf32, #tpu.memory_space<hbm>>
        %dma_wait3A_37 = tpu.memref_squeeze %dma_wait3A_36 : memref<1x10240xf32, #tpu.memory_space<hbm>> -> memref<10240xf32, #tpu.memory_space<hbm>>
        tpu.wait_dma2 semaphore(%run_scoped3A_27 : memref<!tpu.dma_semaphore, #tpu.memory_space<semaphore_mem>>) src(%dma_wait3A_37 : memref<10240xf32, #tpu.memory_space<hbm>>) dst(%arg8 : memref<10240xf32, #tpu.memory_space<vmem>>)
        tpu.yield
      }) : () -> ()
      %mul3A_4 = arith.constant 2 : i32
      %mul3A_5 = arith.muli %add3A, %mul3A_4 : i32
      %lt3A = arith.constant 24 : i32
      %lt3A_6 = arith.cmpi slt, %add3A, %lt3A : i32
      %convert_element_type3A_7 = arith.extui %lt3A_6 : i1 to i32
      %cond3A_8 = arith.constant 0 : i32
      %cond3A_9 = arith.cmpi ne, %convert_element_type3A_7, %cond3A_8 : i32
      scf.if %cond3A_9 {
        "tpu.region"() ({
          %run_scoped3A_29 = tpu.sem_alloc : memref<!tpu.dma_semaphore, #tpu.memory_space<semaphore_mem>>
          %dma_start3A = arith.constant 0 : i32
          %dma_start3A_30 = tpu.memref_slice %arg2[%mul3A_5, %dma_start3A] : memref<48x10240xf32, #tpu.memory_space<hbm>> -> memref<1x10240xf32, #tpu.memory_space<hbm>>
          %dma_start3A_31 = tpu.memref_squeeze %dma_start3A_30 : memref<1x10240xf32, #tpu.memory_space<hbm>> -> memref<10240xf32, #tpu.memory_space<hbm>>
          %dma_start3A_32 = arith.constant 0 : i32
          %dma_start3A_33 = tpu.memref_slice %arg2[%mul3A_5, %dma_start3A_32] : memref<48x10240xf32, #tpu.memory_space<hbm>> -> memref<1x10240xf32, #tpu.memory_space<hbm>>
          %dma_start3A_34 = tpu.memref_squeeze %dma_start3A_33 : memref<1x10240xf32, #tpu.memory_space<hbm>> -> memref<10240xf32, #tpu.memory_space<hbm>>
          tpu.enqueue_dma source(%dma_start3A_34 : memref<10240xf32, #tpu.memory_space<hbm>>) target(%arg9 : memref<10240xf32, #tpu.memory_space<vmem>>) target_semaphore(%run_scoped3A_29 : memref<!tpu.dma_semaphore, #tpu.memory_space<semaphore_mem>>)
          %dma_wait3A = arith.constant 0 : i32
          %dma_wait3A_35 = tpu.memref_slice %arg2[%mul3A_5, %dma_wait3A] : memref<48x10240xf32, #tpu.memory_space<hbm>> -> memref<1x10240xf32, #tpu.memory_space<hbm>>
          %dma_wait3A_36 = tpu.memref_squeeze %dma_wait3A_35 : memref<1x10240xf32, #tpu.memory_space<hbm>> -> memref<10240xf32, #tpu.memory_space<hbm>>
          %dma_wait3A_37 = arith.constant 0 : i32
          %dma_wait3A_38 = tpu.memref_slice %arg2[%mul3A_5, %dma_wait3A_37] : memref<48x10240xf32, #tpu.memory_space<hbm>> -> memref<1x10240xf32, #tpu.memory_space<hbm>>
          %dma_wait3A_39 = tpu.memref_squeeze %dma_wait3A_38 : memref<1x10240xf32, #tpu.memory_space<hbm>> -> memref<10240xf32, #tpu.memory_space<hbm>>
          tpu.wait_dma2 semaphore(%run_scoped3A_29 : memref<!tpu.dma_semaphore, #tpu.memory_space<semaphore_mem>>) src(%dma_wait3A_39 : memref<10240xf32, #tpu.memory_space<hbm>>) dst(%arg9 : memref<10240xf32, #tpu.memory_space<vmem>>)
          tpu.yield
        }) : () -> ()
        %add3A_27 = arith.constant 1 : i32
        %add3A_28 = arith.addi %mul3A_5, %add3A_27 : i32
        "tpu.region"() ({
          %run_scoped3A_29 = tpu.sem_alloc : memref<!tpu.dma_semaphore, #tpu.memory_space<semaphore_mem>>
          %dma_start3A = arith.constant 0 : i32
          %dma_start3A_30 = tpu.memref_slice %arg2[%add3A_28, %dma_start3A] : memref<48x10240xf32, #tpu.memory_space<hbm>> -> memref<1x10240xf32, #tpu.memory_space<hbm>>
          %dma_start3A_31 = tpu.memref_squeeze %dma_start3A_30 : memref<1x10240xf32, #tpu.memory_space<hbm>> -> memref<10240xf32, #tpu.memory_space<hbm>>
          %dma_start3A_32 = arith.constant 0 : i32
          %dma_start3A_33 = tpu.memref_slice %arg2[%add3A_28, %dma_start3A_32] : memref<48x10240xf32, #tpu.memory_space<hbm>> -> memref<1x10240xf32, #tpu.memory_space<hbm>>
          %dma_start3A_34 = tpu.memref_squeeze %dma_start3A_33 : memref<1x10240xf32, #tpu.memory_space<hbm>> -> memref<10240xf32, #tpu.memory_space<hbm>>
          tpu.enqueue_dma source(%dma_start3A_34 : memref<10240xf32, #tpu.memory_space<hbm>>) target(%arg10 : memref<10240xf32, #tpu.memory_space<vmem>>) target_semaphore(%run_scoped3A_29 : memref<!tpu.dma_semaphore, #tpu.memory_space<semaphore_mem>>)
          %dma_wait3A = arith.constant 0 : i32
          %dma_wait3A_35 = tpu.memref_slice %arg2[%add3A_28, %dma_wait3A] : memref<48x10240xf32, #tpu.memory_space<hbm>> -> memref<1x10240xf32, #tpu.memory_space<hbm>>
          %dma_wait3A_36 = tpu.memref_squeeze %dma_wait3A_35 : memref<1x10240xf32, #tpu.memory_space<hbm>> -> memref<10240xf32, #tpu.memory_space<hbm>>
          %dma_wait3A_37 = arith.constant 0 : i32
          %dma_wait3A_38 = tpu.memref_slice %arg2[%add3A_28, %dma_wait3A_37] : memref<48x10240xf32, #tpu.memory_space<hbm>> -> memref<1x10240xf32, #tpu.memory_space<hbm>>
          %dma_wait3A_39 = tpu.memref_squeeze %dma_wait3A_38 : memref<1x10240xf32, #tpu.memory_space<hbm>> -> memref<10240xf32, #tpu.memory_space<hbm>>
          tpu.wait_dma2 semaphore(%run_scoped3A_29 : memref<!tpu.dma_semaphore, #tpu.memory_space<semaphore_mem>>) src(%dma_wait3A_39 : memref<10240xf32, #tpu.memory_space<hbm>>) dst(%arg10 : memref<10240xf32, #tpu.memory_space<vmem>>)
          tpu.yield
        }) : () -> ()
      } else {
      }
      %parallel_loop3A = arith.constant 0 : i32
      %parallel_loop3A_10 = arith.constant 640 : i32
      %parallel_loop3A_11 = arith.constant 1 : i32
      scf.for %parallel_loop3A_27 = %parallel_loop3A to %parallel_loop3A_10 step %parallel_loop3A_11  : i32 {
        %parallel_loop3A_28 = arith.constant 0.000000e+00 : f32
        %parallel_loop3A_29 = vector.broadcast %parallel_loop3A_28 : f32 to vector<16xf32>
        %parallel_loop3A_30 = arith.constant 16 : i32
        %parallel_loop3A_31 = arith.muli %parallel_loop3A_27, %parallel_loop3A_30 : i32
        %parallel_loop3A_32 = arith.index_cast %parallel_loop3A_31 : i32 to index
        %parallel_loop3A_33 = tpu.vector_load %arg11[%parallel_loop3A_32] {strides = array<i32>} : memref<10240xf32, #tpu.memory_space<vmem>>, vector<16xf32>,
        tpu.vector_store %arg11[%parallel_loop3A_32], %parallel_loop3A_29 {strides = array<i32>} : memref<10240xf32, #tpu.memory_space<vmem>>, vector<16xf32>,
        %parallel_loop3A_34 = arith.constant 16 : i32
        %parallel_loop3A_35 = arith.muli %parallel_loop3A_27, %parallel_loop3A_34 : i32
        %parallel_loop3A_36 = arith.index_cast %parallel_loop3A_35 : i32 to index
        %parallel_loop3A_37 = tpu.vector_load %arg12[%parallel_loop3A_36] {strides = array<i32>} : memref<10240xf32, #tpu.memory_space<vmem>>, vector<16xf32>,
        tpu.vector_store %arg12[%parallel_loop3A_36], %parallel_loop3A_29 {strides = array<i32>} : memref<10240xf32, #tpu.memory_space<vmem>>, vector<16xf32>,
        %parallel_loop3A_38 = arith.constant 16 : i32
        %parallel_loop3A_39 = arith.muli %parallel_loop3A_27, %parallel_loop3A_38 : i32
        %parallel_loop3A_40 = arith.index_cast %parallel_loop3A_39 : i32 to index
        %parallel_loop3A_41 = tpu.vector_load %arg13[%parallel_loop3A_40] {strides = array<i32>} : memref<10240xf32, #tpu.memory_space<vmem>>, vector<16xf32>,
        tpu.vector_store %arg13[%parallel_loop3A_40], %parallel_loop3A_29 {strides = array<i32>} : memref<10240xf32, #tpu.memory_space<vmem>>, vector<16xf32>,
      } {sc.loop_unroll_factor = 8 : i64, sc.parallel_access}
      %scan3A = arith.constant 0 : i32
      %scan3A_12 = arith.constant 0 : i32
      %scan3A_13 = arith.constant 40 : i32
      %scan3A_14 = arith.addi %scan3A_12, %scan3A_13 : i32
      %scan3A_15 = arith.constant 1 : i32
      %scan3A_16 = scf.for %scan3A_27 = %scan3A_12 to %scan3A_14 step %scan3A_15 iter_args(%scan3A_28 = %scan3A) -> (i32)  : i32 {
        %mul3A_29 = arith.constant 4096 : i32
        %mul3A_30 = arith.muli %scan3A_27, %mul3A_29 : i32
        "tpu.region"() ({
          %run_scoped3A_35 = tpu.sem_alloc : memref<!tpu.dma_semaphore, #tpu.memory_space<semaphore_mem>>
          %dma_start3A = tpu.memref_slice %arg4[%mul3A_30] : memref<163840xi32, #tpu.memory_space<hbm>> -> memref<4096xi32, #tpu.memory_space<hbm>>
          %dma_start3A_36 = tpu.memref_slice %arg4[%mul3A_30] : memref<163840xi32, #tpu.memory_space<hbm>> -> memref<4096xi32, #tpu.memory_space<hbm>>
          tpu.enqueue_dma source(%dma_start3A_36 : memref<4096xi32, #tpu.memory_space<hbm>>) target(%arg14 : memref<4096xi32, #tpu.memory_space<vmem>>) target_semaphore(%run_scoped3A_35 : memref<!tpu.dma_semaphore, #tpu.memory_space<semaphore_mem>>)
          %dma_wait3A = tpu.memref_slice %arg4[%mul3A_30] : memref<163840xi32, #tpu.memory_space<hbm>> -> memref<4096xi32, #tpu.memory_space<hbm>>
          %dma_wait3A_37 = tpu.memref_slice %arg4[%mul3A_30] : memref<163840xi32, #tpu.memory_space<hbm>> -> memref<4096xi32, #tpu.memory_space<hbm>>
          tpu.wait_dma2 semaphore(%run_scoped3A_35 : memref<!tpu.dma_semaphore, #tpu.memory_space<semaphore_mem>>) src(%dma_wait3A_37 : memref<4096xi32, #tpu.memory_space<hbm>>) dst(%arg14 : memref<4096xi32, #tpu.memory_space<vmem>>)
          tpu.yield
        }) : () -> ()
        %parallel_loop3A_31 = arith.constant 0 : i32
        %parallel_loop3A_32 = arith.constant 256 : i32
        %parallel_loop3A_33 = arith.constant 1 : i32
        scf.for %parallel_loop3A_35 = %parallel_loop3A_31 to %parallel_loop3A_32 step %parallel_loop3A_33  : i32 {
          %parallel_loop3A_36 = arith.constant 16 : i32
          %parallel_loop3A_37 = arith.muli %parallel_loop3A_35, %parallel_loop3A_36 : i32
          %parallel_loop3A_38 = arith.index_cast %parallel_loop3A_37 : i32 to index
          %parallel_loop3A_39 = tpu.vector_load %arg14[%parallel_loop3A_38] {strides = array<i32>} : memref<4096xi32, #tpu.memory_space<vmem>>, vector<16xi32>,
          %parallel_loop3A_40 = arith.constant 16383 : i32
          %parallel_loop3A_41 = vector.broadcast %parallel_loop3A_40 : i32 to vector<16xi32>
          %parallel_loop3A_42 = arith.andi %parallel_loop3A_39, %parallel_loop3A_41 : vector<16xi32>
          %parallel_loop3A_43 = arith.constant 14 : i32
          %parallel_loop3A_44 = vector.broadcast %parallel_loop3A_43 : i32 to vector<16xi32>
          %parallel_loop3A_45 = arith.shrui %parallel_loop3A_39, %parallel_loop3A_44 : vector<16xi32>
          %parallel_loop3A_46 = tpu.vector_load_idx %arg7[%parallel_loop3A_42] : memref<10240xf32, #tpu.memory_space<vmem>>[vector<16xi32>], vector<16xf32>,
          %parallel_loop3A_47 = tpu.vector_load_idx %arg8[%parallel_loop3A_45] : memref<10240xf32, #tpu.memory_space<vmem>>[vector<16xi32>], vector<16xf32>,
          %parallel_loop3A_48 = arith.addf %parallel_loop3A_46, %parallel_loop3A_47 : vector<16xf32>
          %parallel_loop3A_49 = arith.constant 2.000000e-01 : f32
          %parallel_loop3A_50 = vector.broadcast %parallel_loop3A_49 : f32 to vector<16xf32>
          %parallel_loop3A_51 = arith.mulf %parallel_loop3A_50, %parallel_loop3A_48 : vector<16xf32>
          %parallel_loop3A_52 = arith.maximumf %parallel_loop3A_48, %parallel_loop3A_51 : vector<16xf32>
          %parallel_loop3A_53 = math.exp %parallel_loop3A_52 : vector<16xf32>
          %parallel_loop3A_54 = arith.constant 24 : i32
          %parallel_loop3A_55 = arith.cmpi slt, %add3A, %parallel_loop3A_54 : i32
          %parallel_loop3A_56 = arith.extui %parallel_loop3A_55 : i1 to i32
          %parallel_loop3A_57 = arith.constant 0 : i32
          %parallel_loop3A_58 = arith.cmpi ne, %parallel_loop3A_56, %parallel_loop3A_57 : i32
          scf.if %parallel_loop3A_58 {
            %parallel_loop3A_64 = tpu.vector_load_idx %arg9[%parallel_loop3A_42] : memref<10240xf32, #tpu.memory_space<vmem>>[vector<16xi32>], vector<16xf32>,
            %parallel_loop3A_65 = arith.mulf %parallel_loop3A_64, %parallel_loop3A_53 : vector<16xf32>
            tpu.vector_store_idx %arg11[%parallel_loop3A_45], %parallel_loop3A_65 {add = true} : memref<10240xf32, #tpu.memory_space<vmem>>[vector<16xi32>], vector<16xf32>,
            %parallel_loop3A_66 = tpu.vector_load_idx %arg10[%parallel_loop3A_42] : memref<10240xf32, #tpu.memory_space<vmem>>[vector<16xi32>], vector<16xf32>,
            %parallel_loop3A_67 = arith.mulf %parallel_loop3A_66, %parallel_loop3A_53 : vector<16xf32>
            tpu.vector_store_idx %arg12[%parallel_loop3A_45], %parallel_loop3A_67 {add = true} : memref<10240xf32, #tpu.memory_space<vmem>>[vector<16xi32>], vector<16xf32>,
          } else {
          }
          %parallel_loop3A_59 = arith.constant 24 : i32
          %parallel_loop3A_60 = arith.cmpi eq, %add3A, %parallel_loop3A_59 : i32
          %parallel_loop3A_61 = arith.extui %parallel_loop3A_60 : i1 to i32
          %parallel_loop3A_62 = arith.constant 0 : i32
          %parallel_loop3A_63 = arith.cmpi ne, %parallel_loop3A_61, %parallel_loop3A_62 : i32
          scf.if %parallel_loop3A_63 {
            tpu.vector_store_idx %arg13[%parallel_loop3A_45], %parallel_loop3A_53 {add = true} : memref<10240xf32, #tpu.memory_space<vmem>>[vector<16xi32>], vector<16xf32>,
          } else {
          }
        } {sc.loop_unroll_factor = 8 : i64, sc.parallel_access}
        %scan3A_34 = arith.constant 0 : i32
        scf.yield %scan3A_34 : i32
      }
      %scan3A_17 = arith.constant 40 : i32
      %lt3A_18 = arith.constant 24 : i32
      %lt3A_19 = arith.cmpi slt, %add3A, %lt3A_18 : i32
      %convert_element_type3A_20 = arith.extui %lt3A_19 : i1 to i32
      %cond3A_21 = arith.constant 0 : i32
      %cond3A_22 = arith.cmpi ne, %convert_element_type3A_20, %cond3A_21 : i32
      scf.if %cond3A_22 {
        "tpu.region"() ({
          %run_scoped3A_29 = tpu.sem_alloc : memref<!tpu.dma_semaphore, #tpu.memory_space<semaphore_mem>>
          %dma_start3A = arith.constant 0 : i32
          %dma_start3A_30 = tpu.memref_slice %arg5[%mul3A_5, %dma_start3A] : memref<48x10240xf32, #tpu.memory_space<hbm>> -> memref<1x10240xf32, #tpu.memory_space<hbm>>
          %dma_start3A_31 = tpu.memref_squeeze %dma_start3A_30 : memref<1x10240xf32, #tpu.memory_space<hbm>> -> memref<10240xf32, #tpu.memory_space<hbm>>
          %dma_start3A_32 = arith.constant 0 : i32
          %dma_start3A_33 = tpu.memref_slice %arg5[%mul3A_5, %dma_start3A_32] : memref<48x10240xf32, #tpu.memory_space<hbm>> -> memref<1x10240xf32, #tpu.memory_space<hbm>>
          %dma_start3A_34 = tpu.memref_squeeze %dma_start3A_33 : memref<1x10240xf32, #tpu.memory_space<hbm>> -> memref<10240xf32, #tpu.memory_space<hbm>>
          tpu.enqueue_dma source(%arg11 : memref<10240xf32, #tpu.memory_space<vmem>>) target(%dma_start3A_34 : memref<10240xf32, #tpu.memory_space<hbm>>) target_semaphore(%run_scoped3A_29 : memref<!tpu.dma_semaphore, #tpu.memory_space<semaphore_mem>>)
          %dma_wait3A = arith.constant 0 : i32
          %dma_wait3A_35 = tpu.memref_slice %arg5[%mul3A_5, %dma_wait3A] : memref<48x10240xf32, #tpu.memory_space<hbm>> -> memref<1x10240xf32, #tpu.memory_space<hbm>>
          %dma_wait3A_36 = tpu.memref_squeeze %dma_wait3A_35 : memref<1x10240xf32, #tpu.memory_space<hbm>> -> memref<10240xf32, #tpu.memory_space<hbm>>
          %dma_wait3A_37 = arith.constant 0 : i32
          %dma_wait3A_38 = tpu.memref_slice %arg5[%mul3A_5, %dma_wait3A_37] : memref<48x10240xf32, #tpu.memory_space<hbm>> -> memref<1x10240xf32, #tpu.memory_space<hbm>>
          %dma_wait3A_39 = tpu.memref_squeeze %dma_wait3A_38 : memref<1x10240xf32, #tpu.memory_space<hbm>> -> memref<10240xf32, #tpu.memory_space<hbm>>
          tpu.wait_dma2 semaphore(%run_scoped3A_29 : memref<!tpu.dma_semaphore, #tpu.memory_space<semaphore_mem>>) src(%arg11 : memref<10240xf32, #tpu.memory_space<vmem>>) dst(%dma_wait3A_39 : memref<10240xf32, #tpu.memory_space<hbm>>)
          tpu.yield
        }) : () -> ()
        %add3A_27 = arith.constant 1 : i32
        %add3A_28 = arith.addi %mul3A_5, %add3A_27 : i32
        "tpu.region"() ({
          %run_scoped3A_29 = tpu.sem_alloc : memref<!tpu.dma_semaphore, #tpu.memory_space<semaphore_mem>>
          %dma_start3A = arith.constant 0 : i32
          %dma_start3A_30 = tpu.memref_slice %arg5[%add3A_28, %dma_start3A] : memref<48x10240xf32, #tpu.memory_space<hbm>> -> memref<1x10240xf32, #tpu.memory_space<hbm>>
          %dma_start3A_31 = tpu.memref_squeeze %dma_start3A_30 : memref<1x10240xf32, #tpu.memory_space<hbm>> -> memref<10240xf32, #tpu.memory_space<hbm>>
          %dma_start3A_32 = arith.constant 0 : i32
          %dma_start3A_33 = tpu.memref_slice %arg5[%add3A_28, %dma_start3A_32] : memref<48x10240xf32, #tpu.memory_space<hbm>> -> memref<1x10240xf32, #tpu.memory_space<hbm>>
          %dma_start3A_34 = tpu.memref_squeeze %dma_start3A_33 : memref<1x10240xf32, #tpu.memory_space<hbm>> -> memref<10240xf32, #tpu.memory_space<hbm>>
          tpu.enqueue_dma source(%arg12 : memref<10240xf32, #tpu.memory_space<vmem>>) target(%dma_start3A_34 : memref<10240xf32, #tpu.memory_space<hbm>>) target_semaphore(%run_scoped3A_29 : memref<!tpu.dma_semaphore, #tpu.memory_space<semaphore_mem>>)
          %dma_wait3A = arith.constant 0 : i32
          %dma_wait3A_35 = tpu.memref_slice %arg5[%add3A_28, %dma_wait3A] : memref<48x10240xf32, #tpu.memory_space<hbm>> -> memref<1x10240xf32, #tpu.memory_space<hbm>>
          %dma_wait3A_36 = tpu.memref_squeeze %dma_wait3A_35 : memref<1x10240xf32, #tpu.memory_space<hbm>> -> memref<10240xf32, #tpu.memory_space<hbm>>
          %dma_wait3A_37 = arith.constant 0 : i32
          %dma_wait3A_38 = tpu.memref_slice %arg5[%add3A_28, %dma_wait3A_37] : memref<48x10240xf32, #tpu.memory_space<hbm>> -> memref<1x10240xf32, #tpu.memory_space<hbm>>
          %dma_wait3A_39 = tpu.memref_squeeze %dma_wait3A_38 : memref<1x10240xf32, #tpu.memory_space<hbm>> -> memref<10240xf32, #tpu.memory_space<hbm>>
          tpu.wait_dma2 semaphore(%run_scoped3A_29 : memref<!tpu.dma_semaphore, #tpu.memory_space<semaphore_mem>>) src(%arg12 : memref<10240xf32, #tpu.memory_space<vmem>>) dst(%dma_wait3A_39 : memref<10240xf32, #tpu.memory_space<hbm>>)
          tpu.yield
        }) : () -> ()
      } else {
      }
      %eq3A = arith.constant 24 : i32
      %eq3A_23 = arith.cmpi eq, %add3A, %eq3A : i32
      %convert_element_type3A_24 = arith.extui %eq3A_23 : i1 to i32
      %cond3A_25 = arith.constant 0 : i32
      %cond3A_26 = arith.cmpi ne, %convert_element_type3A_24, %cond3A_25 : i32
      scf.if %cond3A_26 {
        %run_scoped3A_27 = arith.constant 0 : i32
        "tpu.region"() ({
          %run_scoped3A_28 = tpu.sem_alloc : memref<!tpu.dma_semaphore, #tpu.memory_space<semaphore_mem>>
          %dma_start3A = arith.constant 0 : i32
          %dma_start3A_29 = tpu.memref_slice %arg6[%run_scoped3A_27, %dma_start3A] : memref<1x10240xf32, #tpu.memory_space<hbm>> -> memref<1x10240xf32, #tpu.memory_space<hbm>>
          %dma_start3A_30 = tpu.memref_squeeze %dma_start3A_29 : memref<1x10240xf32, #tpu.memory_space<hbm>> -> memref<10240xf32, #tpu.memory_space<hbm>>
          %dma_start3A_31 = arith.constant 0 : i32
          %dma_start3A_32 = tpu.memref_slice %arg6[%run_scoped3A_27, %dma_start3A_31] : memref<1x10240xf32, #tpu.memory_space<hbm>> -> memref<1x10240xf32, #tpu.memory_space<hbm>>
          %dma_start3A_33 = tpu.memref_squeeze %dma_start3A_32 : memref<1x10240xf32, #tpu.memory_space<hbm>> -> memref<10240xf32, #tpu.memory_space<hbm>>
          tpu.enqueue_dma source(%arg13 : memref<10240xf32, #tpu.memory_space<vmem>>) target(%dma_start3A_33 : memref<10240xf32, #tpu.memory_space<hbm>>) target_semaphore(%run_scoped3A_28 : memref<!tpu.dma_semaphore, #tpu.memory_space<semaphore_mem>>)
          %dma_wait3A = arith.constant 0 : i32
          %dma_wait3A_34 = tpu.memref_slice %arg6[%run_scoped3A_27, %dma_wait3A] : memref<1x10240xf32, #tpu.memory_space<hbm>> -> memref<1x10240xf32, #tpu.memory_space<hbm>>
          %dma_wait3A_35 = tpu.memref_squeeze %dma_wait3A_34 : memref<1x10240xf32, #tpu.memory_space<hbm>> -> memref<10240xf32, #tpu.memory_space<hbm>>
          %dma_wait3A_36 = arith.constant 0 : i32
          %dma_wait3A_37 = tpu.memref_slice %arg6[%run_scoped3A_27, %dma_wait3A_36] : memref<1x10240xf32, #tpu.memory_space<hbm>> -> memref<1x10240xf32, #tpu.memory_space<hbm>>
          %dma_wait3A_38 = tpu.memref_squeeze %dma_wait3A_37 : memref<1x10240xf32, #tpu.memory_space<hbm>> -> memref<10240xf32, #tpu.memory_space<hbm>>
          tpu.wait_dma2 semaphore(%run_scoped3A_28 : memref<!tpu.dma_semaphore, #tpu.memory_space<semaphore_mem>>) src(%arg13 : memref<10240xf32, #tpu.memory_space<vmem>>) dst(%dma_wait3A_38 : memref<10240xf32, #tpu.memory_space<hbm>>)
          tpu.yield
        }) : () -> ()
      } else {
      }
    } else {
    }
    return
  }
}

module attributes {stable_mosaic.version = 14 : i64} {
  func.func @_mm1_body(%arg0: i32, %arg1: memref<256x512xf32, #tpu.memory_space<vmem>>, %arg2: memref<2048x256xf32, #tpu.memory_space<vmem>>, %arg3: memref<16x2048xf32, #tpu.memory_space<vmem>>, %arg4: memref<2048x512xf32, #tpu.memory_space<vmem>>, %arg5: memref<16x512xf32, #tpu.memory_space<vmem>>, %arg6: memref<1024x512xi32, #tpu.memory_space<vmem>>) attributes {dimension_semantics = [#tpu.dimension_semantics<arbitrary>], iteration_bounds = array<i64: 20>, scalar_prefetch = 0 : i64, scratch_operands = 0 : i64, tpu.core_type = #tpu.core_type<tc>, window_params = [{transform_indices = @transform_0, window_bounds = array<i64: 256, 512>}, {pipeline_mode = #tpu.pipeline_mode<synchronous>, transform_indices = @transform_1, window_bounds = array<i64: 2048, 256>}, {pipeline_mode = #tpu.pipeline_mode<synchronous>, transform_indices = @transform_2, window_bounds = array<i64: 16, 2048>}, {transform_indices = @transform_3, window_bounds = array<i64: 2048, 512>}, {transform_indices = @transform_4, window_bounds = array<i64: 16, 512>}, {transform_indices = @transform_5, window_bounds = array<i64: 1024, 512>}]} {
    %get3A = arith.constant 0 : index
    %get3A_0 = arith.constant 0 : index
    %get3A_1 = vector.load %arg2[%get3A, %get3A_0] : memref<2048x256xf32, #tpu.memory_space<vmem>>, vector<2048x256xf32>
    %get3A_2 = arith.constant 0 : index
    %get3A_3 = arith.constant 0 : index
    %get3A_4 = vector.load %arg1[%get3A_2, %get3A_3] : memref<256x512xf32, #tpu.memory_space<vmem>>, vector<256x512xf32>
    %dot_general3A = arith.constant dense<0.000000e+00> : vector<2048x512xf32>
    %dot_general3A_5 = tpu.matmul %get3A_1, %get3A_4, %dot_general3A {dimension_numbers = #tpu.dot_dimension_numbers<[1], [0], [0], [1], [0, 0, 1, 1], [], []>, transpose_lhs_hint = false} : vector<2048x256xf32>, vector<256x512xf32>, vector<2048x512xf32> -> vector<2048x512xf32>
    %swap3A = arith.constant 0 : index
    %swap3A_6 = arith.constant 0 : index
    %swap3A_7 = vector.load %arg4[%swap3A, %swap3A_6] : memref<2048x512xf32, #tpu.memory_space<vmem>>, vector<2048x512xf32>
    tpu.vector_store %arg4[%swap3A, %swap3A_6], %dot_general3A_5 {strides = array<i32>} : memref<2048x512xf32, #tpu.memory_space<vmem>>, vector<2048x512xf32>,
    %get3A_8 = arith.constant 0 : index
    %get3A_9 = arith.constant 0 : index
    %get3A_10 = vector.load %arg3[%get3A_8, %get3A_9] : memref<16x2048xf32, #tpu.memory_space<vmem>>, vector<16x2048xf32>
    %dot_general3A_11 = arith.constant dense<0.000000e+00> : vector<16x512xf32>
    %dot_general3A_12 = tpu.matmul %get3A_10, %dot_general3A_5, %dot_general3A_11 {dimension_numbers = #tpu.dot_dimension_numbers<[1], [0], [0], [1], [0, 0, 1, 1], [], []>, transpose_lhs_hint = false} : vector<16x2048xf32>, vector<2048x512xf32>, vector<16x512xf32> -> vector<16x512xf32>
    %swap3A_13 = arith.constant 0 : index
    %swap3A_14 = arith.constant 0 : index
    %swap3A_15 = vector.load %arg5[%swap3A_13, %swap3A_14] : memref<16x512xf32, #tpu.memory_space<vmem>>, vector<16x512xf32>
    tpu.vector_store %arg5[%swap3A_13, %swap3A_14], %dot_general3A_12 {strides = array<i32>} : memref<16x512xf32, #tpu.memory_space<vmem>>, vector<16x512xf32>,
    %convert_element_type3A = arith.truncf %dot_general3A_5 : vector<2048x512xf32> to vector<2048x512xbf16>
    %bitcast_convert_type3A = tpu.bitcast %convert_element_type3A : vector<2048x512xbf16> -> vector<2048x512xi16>
    %convert_element_type3A_16 = arith.extui %bitcast_convert_type3A : vector<2048x512xi16> to vector<2048x512xi32>
    %reshape3A = vector.shape_cast %convert_element_type3A_16 : vector<2048x512xi32> to vector<1024x2x512xi32>
    %slice3A = vector.extract_strided_slice %reshape3A {offsets = [0, 0, 0], sizes = [1024, 1, 512], strides = [1, 1, 1]} : vector<1024x2x512xi32> to vector<1024x1x512xi32>
    %squeeze3A = vector.shape_cast %slice3A : vector<1024x1x512xi32> to vector<1024x512xi32>
    %slice3A_17 = vector.extract_strided_slice %reshape3A {offsets = [0, 1, 0], sizes = [1024, 1, 512], strides = [1, 1, 1]} : vector<1024x2x512xi32> to vector<1024x1x512xi32>
    %squeeze3A_18 = vector.shape_cast %slice3A_17 : vector<1024x1x512xi32> to vector<1024x512xi32>
    %shift_left3A = arith.constant 16 : i32
    %shift_left3A_19 = vector.broadcast %shift_left3A : i32 to vector<1024x512xi32>
    %shift_left3A_20 = arith.shli %squeeze3A_18, %shift_left3A_19 : vector<1024x512xi32>
    %or3A = arith.ori %squeeze3A, %shift_left3A_20 : vector<1024x512xi32>
    %bitcast_convert_type3A_21 = tpu.bitcast %or3A : vector<1024x512xi32> -> vector<1024x512xi32>
    %swap3A_22 = arith.constant 0 : index
    %swap3A_23 = arith.constant 0 : index
    %swap3A_24 = vector.load %arg6[%swap3A_22, %swap3A_23] : memref<1024x512xi32, #tpu.memory_space<vmem>>, vector<1024x512xi32>
    tpu.vector_store %arg6[%swap3A_22, %swap3A_23], %bitcast_convert_type3A_21 {strides = array<i32>} : memref<1024x512xi32, #tpu.memory_space<vmem>>, vector<1024x512xi32>,
    return
  }
  func.func @transform_0(%arg0: i32) -> (i32, i32) {
    %c0_i32 = arith.constant 0 : i32
    %c0_i32_0 = arith.constant 0 : i32
    return %c0_i32, %arg0 : i32, i32
  }
  func.func @transform_1(%arg0: i32) -> (i32, i32) {
    %c0_i32 = arith.constant 0 : i32
    %c0_i32_0 = arith.constant 0 : i32
    %c0_i32_1 = arith.constant 0 : i32
    return %c0_i32, %c0_i32_0 : i32, i32
  }
  func.func @transform_2(%arg0: i32) -> (i32, i32) {
    %c0_i32 = arith.constant 0 : i32
    %c0_i32_0 = arith.constant 0 : i32
    %c0_i32_1 = arith.constant 0 : i32
    return %c0_i32, %c0_i32_0 : i32, i32
  }
  func.func @transform_3(%arg0: i32) -> (i32, i32) {
    %c0_i32 = arith.constant 0 : i32
    %c0_i32_0 = arith.constant 0 : i32
    return %c0_i32, %arg0 : i32, i32
  }
  func.func @transform_4(%arg0: i32) -> (i32, i32) {
    %c0_i32 = arith.constant 0 : i32
    %c0_i32_0 = arith.constant 0 : i32
    return %c0_i32, %arg0 : i32, i32
  }
  func.func @transform_5(%arg0: i32) -> (i32, i32) {
    %c0_i32 = arith.constant 0 : i32
    %c0_i32_0 = arith.constant 0 : i32
    return %c0_i32, %arg0 : i32, i32
  }
}

module attributes {stable_mosaic.version = 14 : i64} {
  func.func @_norm_body(%arg0: i32, %arg1: i32, %arg2: memref<256x512xf32, #tpu.memory_space<vmem>>, %arg3: memref<1x4x512xf32, #tpu.memory_space<vmem>>, %arg4: memref<1x1x512xf32, #tpu.memory_space<vmem>>, %arg5: memref<1x1x512xf32, #tpu.memory_space<vmem>>, %arg6: memref<256x512xf32, #tpu.memory_space<vmem>>, %arg7: memref<256x1xf32, #tpu.memory_space<vmem>>, %arg8: memref<256x512xf32, #tpu.memory_space<vmem>>) attributes {dimension_semantics = [#tpu.dimension_semantics<arbitrary>, #tpu.dimension_semantics<arbitrary>], iteration_bounds = array<i64: 8, 20>, scalar_prefetch = 0 : i64, scratch_operands = 0 : i64, tpu.core_type = #tpu.core_type<tc>, window_params = [{transform_indices = @transform_0, window_bounds = array<i64: 256, 512>}, {transform_indices = @transform_1, window_bounds = array<i64: 1, 4, 512>}, {transform_indices = @transform_2, window_bounds = array<i64: 1, 1, 512>}, {transform_indices = @transform_3, window_bounds = array<i64: 1, 1, 512>}, {transform_indices = @transform_4, window_bounds = array<i64: 256, 512>}, {transform_indices = @transform_5, window_bounds = array<i64: 256, 1>}, {transform_indices = @transform_6, window_bounds = array<i64: 256, 512>}]} {
    %get3A = arith.constant 0 : index
    %get3A_0 = arith.constant 0 : index
    %get3A_1 = arith.constant 0 : index
    %get3A_2 = vector.load %arg4[%get3A, %get3A_0, %get3A_1] : memref<1x1x512xf32, #tpu.memory_space<vmem>>, vector<1x1x512xf32>
    %get3A_3 = vector.shape_cast %get3A_2 : vector<1x1x512xf32> to vector<1x512xf32>
    %get3A_4 = arith.constant 0 : index
    %get3A_5 = arith.constant 0 : index
    %get3A_6 = arith.constant 0 : index
    %get3A_7 = vector.load %arg5[%get3A_4, %get3A_5, %get3A_6] : memref<1x1x512xf32, #tpu.memory_space<vmem>>, vector<1x1x512xf32>
    %get3A_8 = vector.shape_cast %get3A_7 : vector<1x1x512xf32> to vector<1x512xf32>
    %add3A = arith.addf %get3A_3, %get3A_8 : vector<1x512xf32>
    %mul3A = arith.constant 2.000000e-01 : f32
    %mul3A_9 = vector.broadcast %mul3A : f32 to vector<1x512xf32>
    %mul3A_10 = arith.mulf %mul3A_9, %add3A : vector<1x512xf32>
    %max3A = arith.maximumf %add3A, %mul3A_10 : vector<1x512xf32>
    %exp3A = math.exp %max3A : vector<1x512xf32>
    %get3A_11 = arith.constant 0 : index
    %get3A_12 = arith.constant 0 : index
    %get3A_13 = arith.constant 0 : index
    %get3A_14 = vector.load %arg3[%get3A_11, %get3A_12, %get3A_13] : memref<1x4x512xf32, #tpu.memory_space<vmem>>, vector<1x4x512xf32>
    %get3A_15 = vector.shape_cast %get3A_14 : vector<1x4x512xf32> to vector<4x512xf32>
    %reduce_sum3A = arith.constant dense<0.000000e+00> : vector<512xf32>
    %reduce_sum3A_16 = vector.multi_reduction <add>, %get3A_15, %reduce_sum3A [0] : vector<4x512xf32> to vector<512xf32>
    %broadcast_in_dim3A = vector.shape_cast %reduce_sum3A_16 : vector<512xf32> to vector<1x512xf32>
    %add3A_17 = arith.addf %broadcast_in_dim3A, %exp3A : vector<1x512xf32>
    %get3A_18 = arith.constant 0 : index
    %get3A_19 = arith.constant 0 : index
    %get3A_20 = vector.load %arg2[%get3A_18, %get3A_19] : memref<256x512xf32, #tpu.memory_space<vmem>>, vector<256x512xf32>
    %get3A_21 = arith.constant 0 : index
    %get3A_22 = arith.constant 0 : index
    %get3A_23 = vector.load %arg6[%get3A_21, %get3A_22] : memref<256x512xf32, #tpu.memory_space<vmem>>, vector<256x512xf32>
    %mul3A_24 = vector.broadcast %exp3A : vector<1x512xf32> to vector<256x512xf32>
    %mul3A_25 = arith.mulf %mul3A_24, %get3A_23 : vector<256x512xf32>
    %add3A_26 = arith.addf %get3A_20, %mul3A_25 : vector<256x512xf32>
    %add3A_27 = arith.constant 1.000000e-16 : f32
    %add3A_28 = vector.broadcast %add3A_27 : f32 to vector<1x512xf32>
    %add3A_29 = arith.addf %add3A_17, %add3A_28 : vector<1x512xf32>
    %div3A = vector.broadcast %add3A_29 : vector<1x512xf32> to vector<256x512xf32>
    %div3A_30 = arith.divf %add3A_26, %div3A : vector<256x512xf32>
    %get3A_31 = arith.constant 0 : index
    %get3A_32 = arith.constant 0 : index
    %get3A_33 = vector.load %arg7[%get3A_31, %get3A_32] : memref<256x1xf32, #tpu.memory_space<vmem>>, vector<256x1xf32>
    %add3A_34 = vector.broadcast %get3A_33 : vector<256x1xf32> to vector<256x512xf32>
    %add3A_35 = arith.addf %div3A_30, %add3A_34 : vector<256x512xf32>
    %gt3A = arith.constant 0.000000e+00 : f32
    %gt3A_36 = vector.broadcast %gt3A : f32 to vector<256x512xf32>
    %gt3A_37 = arith.cmpf ogt, %add3A_35, %gt3A_36 : vector<256x512xf32>
    %min3A = arith.constant 0.000000e+00 : f32
    %min3A_38 = vector.broadcast %min3A : f32 to vector<256x512xf32>
    %min3A_39 = arith.minimumf %add3A_35, %min3A_38 : vector<256x512xf32>
    %exp3A_40 = math.exp %min3A_39 : vector<256x512xf32>
    %sub3A = arith.constant 1.000000e+00 : f32
    %sub3A_41 = vector.broadcast %sub3A : f32 to vector<256x512xf32>
    %sub3A_42 = arith.subf %exp3A_40, %sub3A_41 : vector<256x512xf32>
    %select_n3A = arith.select %gt3A_37, %add3A_35, %sub3A_42 : vector<256x512xi1>, vector<256x512xf32>
    %swap3A = arith.constant 0 : index
    %swap3A_43 = arith.constant 0 : index
    %swap3A_44 = vector.load %arg8[%swap3A, %swap3A_43] : memref<256x512xf32, #tpu.memory_space<vmem>>, vector<256x512xf32>
    tpu.vector_store %arg8[%swap3A, %swap3A_43], %select_n3A {strides = array<i32>} : memref<256x512xf32, #tpu.memory_space<vmem>>, vector<256x512xf32>,
    return
  }
  func.func @transform_0(%arg0: i32, %arg1: i32) -> (i32, i32) {
    %c0_i32 = arith.constant 0 : i32
    return %arg0, %arg1 : i32, i32
  }
  func.func @transform_1(%arg0: i32, %arg1: i32) -> (i32, i32, i32) {
    %c0_i32 = arith.constant 0 : i32
    %c0_i32_0 = arith.constant 0 : i32
    return %arg0, %c0_i32, %arg1 : i32, i32, i32
  }
  func.func @transform_2(%arg0: i32, %arg1: i32) -> (i32, i32, i32) {
    %c0_i32 = arith.constant 0 : i32
    %c0_i32_0 = arith.constant 0 : i32
    return %arg0, %c0_i32, %arg1 : i32, i32, i32
  }
  func.func @transform_3(%arg0: i32, %arg1: i32) -> (i32, i32, i32) {
    %add3A = arith.constant 8 : i32
    %add3A_0 = arith.addi %add3A, %arg0 : i32
    %c0_i32 = arith.constant 0 : i32
    %c0_i32_1 = arith.constant 0 : i32
    return %add3A_0, %c0_i32, %arg1 : i32, i32, i32
  }
  func.func @transform_4(%arg0: i32, %arg1: i32) -> (i32, i32) {
    %c0_i32 = arith.constant 0 : i32
    return %arg0, %arg1 : i32, i32
  }
  func.func @transform_5(%arg0: i32, %arg1: i32) -> (i32, i32) {
    %c0_i32 = arith.constant 0 : i32
    %c0_i32_0 = arith.constant 0 : i32
    return %arg0, %c0_i32 : i32, i32
  }
  func.func @transform_6(%arg0: i32, %arg1: i32) -> (i32, i32) {
    %c0_i32 = arith.constant 0 : i32
    return %arg0, %arg1 : i32, i32
  }
}

module attributes {stable_mosaic.version = 14 : i64} {
  func.func @_mm2_body(%arg0: i32, %arg1: memref<2048x512xf32, #tpu.memory_space<vmem>>, %arg2: memref<48x2048xf32, #tpu.memory_space<vmem>>, %arg3: memref<2x48xf32, #tpu.memory_space<vmem>>, %arg4: memref<48x512xf32, #tpu.memory_space<vmem>>, %arg5: memref<2x512xf32, #tpu.memory_space<vmem>>) attributes {dimension_semantics = [#tpu.dimension_semantics<arbitrary>], iteration_bounds = array<i64: 20>, scalar_prefetch = 0 : i64, scratch_operands = 0 : i64, tpu.core_type = #tpu.core_type<tc>, window_params = [{transform_indices = @transform_0, window_bounds = array<i64: 2048, 512>}, {pipeline_mode = #tpu.pipeline_mode<synchronous>, transform_indices = @transform_1, window_bounds = array<i64: 48, 2048>}, {pipeline_mode = #tpu.pipeline_mode<synchronous>, transform_indices = @transform_2, window_bounds = array<i64: 2, 48>}, {transform_indices = @transform_3, window_bounds = array<i64: 48, 512>}, {transform_indices = @transform_4, window_bounds = array<i64: 2, 512>}]} {
    %get3A = arith.constant 0 : index
    %get3A_0 = arith.constant 0 : index
    %get3A_1 = vector.load %arg2[%get3A, %get3A_0] : memref<48x2048xf32, #tpu.memory_space<vmem>>, vector<48x2048xf32>
    %get3A_2 = arith.constant 0 : index
    %get3A_3 = arith.constant 0 : index
    %get3A_4 = vector.load %arg1[%get3A_2, %get3A_3] : memref<2048x512xf32, #tpu.memory_space<vmem>>, vector<2048x512xf32>
    %dot_general3A = arith.constant dense<0.000000e+00> : vector<48x512xf32>
    %dot_general3A_5 = tpu.matmul %get3A_1, %get3A_4, %dot_general3A {dimension_numbers = #tpu.dot_dimension_numbers<[1], [0], [0], [1], [0, 0, 1, 1], [], []>, transpose_lhs_hint = false} : vector<48x2048xf32>, vector<2048x512xf32>, vector<48x512xf32> -> vector<48x512xf32>
    %swap3A = arith.constant 0 : index
    %swap3A_6 = arith.constant 0 : index
    %swap3A_7 = vector.load %arg4[%swap3A, %swap3A_6] : memref<48x512xf32, #tpu.memory_space<vmem>>, vector<48x512xf32>
    tpu.vector_store %arg4[%swap3A, %swap3A_6], %dot_general3A_5 {strides = array<i32>} : memref<48x512xf32, #tpu.memory_space<vmem>>, vector<48x512xf32>,
    %get3A_8 = arith.constant 0 : index
    %get3A_9 = arith.constant 0 : index
    %get3A_10 = vector.load %arg3[%get3A_8, %get3A_9] : memref<2x48xf32, #tpu.memory_space<vmem>>, vector<2x48xf32>
    %dot_general3A_11 = arith.constant dense<0.000000e+00> : vector<2x512xf32>
    %dot_general3A_12 = tpu.matmul %get3A_10, %dot_general3A_5, %dot_general3A_11 {dimension_numbers = #tpu.dot_dimension_numbers<[1], [0], [0], [1], [0, 0, 1, 1], [], []>, transpose_lhs_hint = false} : vector<2x48xf32>, vector<48x512xf32>, vector<2x512xf32> -> vector<2x512xf32>
    %swap3A_13 = arith.constant 0 : index
    %swap3A_14 = arith.constant 0 : index
    %swap3A_15 = vector.load %arg5[%swap3A_13, %swap3A_14] : memref<2x512xf32, #tpu.memory_space<vmem>>, vector<2x512xf32>
    tpu.vector_store %arg5[%swap3A_13, %swap3A_14], %dot_general3A_12 {strides = array<i32>} : memref<2x512xf32, #tpu.memory_space<vmem>>, vector<2x512xf32>,
    return
  }
  func.func @transform_0(%arg0: i32) -> (i32, i32) {
    %c0_i32 = arith.constant 0 : i32
    %c0_i32_0 = arith.constant 0 : i32
    return %c0_i32, %arg0 : i32, i32
  }
  func.func @transform_1(%arg0: i32) -> (i32, i32) {
    %c0_i32 = arith.constant 0 : i32
    %c0_i32_0 = arith.constant 0 : i32
    %c0_i32_1 = arith.constant 0 : i32
    return %c0_i32, %c0_i32_0 : i32, i32
  }
  func.func @transform_2(%arg0: i32) -> (i32, i32) {
    %c0_i32 = arith.constant 0 : i32
    %c0_i32_0 = arith.constant 0 : i32
    %c0_i32_1 = arith.constant 0 : i32
    return %c0_i32, %c0_i32_0 : i32, i32
  }
  func.func @transform_3(%arg0: i32) -> (i32, i32) {
    %c0_i32 = arith.constant 0 : i32
    %c0_i32_0 = arith.constant 0 : i32
    return %c0_i32, %arg0 : i32, i32
  }
  func.func @transform_4(%arg0: i32) -> (i32, i32) {
    %c0_i32 = arith.constant 0 : i32
    %c0_i32_0 = arith.constant 0 : i32
    return %c0_i32, %arg0 : i32, i32
  }
}

module attributes {stable_mosaic.version = 14 : i64} {
  func.func @_final_body(%arg0: i32, %arg1: memref<48x512xf32, #tpu.memory_space<vmem>>, %arg2: memref<1x512xf32, #tpu.memory_space<vmem>>, %arg3: memref<1x1x512xf32, #tpu.memory_space<vmem>>, %arg4: memref<1x1x512xf32, #tpu.memory_space<vmem>>, %arg5: memref<48x512xf32, #tpu.memory_space<vmem>>, %arg6: memref<48x1xf32, #tpu.memory_space<vmem>>, %arg7: memref<48x512xf32, #tpu.memory_space<vmem>>) attributes {dimension_semantics = [#tpu.dimension_semantics<arbitrary>], iteration_bounds = array<i64: 20>, scalar_prefetch = 0 : i64, scratch_operands = 0 : i64, tpu.core_type = #tpu.core_type<tc>, window_params = [{transform_indices = @transform_0, window_bounds = array<i64: 48, 512>}, {transform_indices = @transform_1, window_bounds = array<i64: 1, 512>}, {transform_indices = @transform_2, window_bounds = array<i64: 1, 1, 512>}, {transform_indices = @transform_3, window_bounds = array<i64: 1, 1, 512>}, {transform_indices = @transform_4, window_bounds = array<i64: 48, 512>}, {pipeline_mode = #tpu.pipeline_mode<synchronous>, transform_indices = @transform_5, window_bounds = array<i64: 48, 1>}, {transform_indices = @transform_6, window_bounds = array<i64: 48, 512>}]} {
    %get3A = arith.constant 0 : index
    %get3A_0 = arith.constant 0 : index
    %get3A_1 = arith.constant 0 : index
    %get3A_2 = vector.load %arg3[%get3A, %get3A_0, %get3A_1] : memref<1x1x512xf32, #tpu.memory_space<vmem>>, vector<1x1x512xf32>
    %get3A_3 = vector.shape_cast %get3A_2 : vector<1x1x512xf32> to vector<1x512xf32>
    %get3A_4 = arith.constant 0 : index
    %get3A_5 = arith.constant 0 : index
    %get3A_6 = arith.constant 0 : index
    %get3A_7 = vector.load %arg4[%get3A_4, %get3A_5, %get3A_6] : memref<1x1x512xf32, #tpu.memory_space<vmem>>, vector<1x1x512xf32>
    %get3A_8 = vector.shape_cast %get3A_7 : vector<1x1x512xf32> to vector<1x512xf32>
    %add3A = arith.addf %get3A_3, %get3A_8 : vector<1x512xf32>
    %mul3A = arith.constant 2.000000e-01 : f32
    %mul3A_9 = vector.broadcast %mul3A : f32 to vector<1x512xf32>
    %mul3A_10 = arith.mulf %mul3A_9, %add3A : vector<1x512xf32>
    %max3A = arith.maximumf %add3A, %mul3A_10 : vector<1x512xf32>
    %exp3A = math.exp %max3A : vector<1x512xf32>
    %get3A_11 = arith.constant 0 : index
    %get3A_12 = arith.constant 0 : index
    %get3A_13 = vector.load %arg1[%get3A_11, %get3A_12] : memref<48x512xf32, #tpu.memory_space<vmem>>, vector<48x512xf32>
    %get3A_14 = arith.constant 0 : index
    %get3A_15 = arith.constant 0 : index
    %get3A_16 = vector.load %arg5[%get3A_14, %get3A_15] : memref<48x512xf32, #tpu.memory_space<vmem>>, vector<48x512xf32>
    %mul3A_17 = vector.broadcast %exp3A : vector<1x512xf32> to vector<48x512xf32>
    %mul3A_18 = arith.mulf %mul3A_17, %get3A_16 : vector<48x512xf32>
    %add3A_19 = arith.addf %get3A_13, %mul3A_18 : vector<48x512xf32>
    %get3A_20 = arith.constant 0 : index
    %get3A_21 = arith.constant 0 : index
    %get3A_22 = vector.load %arg2[%get3A_20, %get3A_21] : memref<1x512xf32, #tpu.memory_space<vmem>>, vector<1x512xf32>
    %add3A_23 = arith.addf %get3A_22, %exp3A : vector<1x512xf32>
    %add3A_24 = arith.constant 1.000000e-16 : f32
    %add3A_25 = vector.broadcast %add3A_24 : f32 to vector<1x512xf32>
    %add3A_26 = arith.addf %add3A_23, %add3A_25 : vector<1x512xf32>
    %div3A = vector.broadcast %add3A_26 : vector<1x512xf32> to vector<48x512xf32>
    %div3A_27 = arith.divf %add3A_19, %div3A : vector<48x512xf32>
    %get3A_28 = arith.constant 0 : index
    %get3A_29 = arith.constant 0 : index
    %get3A_30 = vector.load %arg6[%get3A_28, %get3A_29] : memref<48x1xf32, #tpu.memory_space<vmem>>, vector<48x1xf32>
    %add3A_31 = vector.broadcast %get3A_30 : vector<48x1xf32> to vector<48x512xf32>
    %add3A_32 = arith.addf %div3A_27, %add3A_31 : vector<48x512xf32>
    %iota3A = tpu.iota {dimensions = array<i32: 0>} : vector<48x512xi32>
    %lt3A = arith.constant 40 : i32
    %lt3A_33 = vector.broadcast %lt3A : i32 to vector<48x512xi32>
    %lt3A_34 = arith.cmpi slt, %iota3A, %lt3A_33 : vector<48x512xi32>
    %jit3A = arith.constant -1.000000e+30 : f32
    %broadcast_in_dim3A = vector.broadcast %jit3A : f32 to vector<48x512xf32>
    %select_n3A = arith.select %lt3A_34, %add3A_32, %broadcast_in_dim3A : vector<48x512xi1>, vector<48x512xf32>
    %reduce_max3A = arith.constant dense<0xFF800000> : vector<512xf32>
    %reduce_max3A_35 = vector.multi_reduction <maximumf>, %select_n3A, %reduce_max3A [0] : vector<48x512xf32> to vector<512xf32>
    %broadcast_in_dim3A_36 = vector.shape_cast %reduce_max3A_35 : vector<512xf32> to vector<1x512xf32>
    %sub3A = vector.broadcast %broadcast_in_dim3A_36 : vector<1x512xf32> to vector<48x512xf32>
    %sub3A_37 = arith.subf %add3A_32, %sub3A : vector<48x512xf32>
    %exp3A_38 = math.exp %sub3A_37 : vector<48x512xf32>
    %jit3A_39 = arith.constant 0.000000e+00 : f32
    %broadcast_in_dim3A_40 = vector.broadcast %jit3A_39 : f32 to vector<48x512xf32>
    %select_n3A_41 = arith.select %lt3A_34, %exp3A_38, %broadcast_in_dim3A_40 : vector<48x512xi1>, vector<48x512xf32>
    %reduce_sum3A = arith.constant dense<0.000000e+00> : vector<512xf32>
    %reduce_sum3A_42 = vector.multi_reduction <add>, %select_n3A_41, %reduce_sum3A [0] : vector<48x512xf32> to vector<512xf32>
    %broadcast_in_dim3A_43 = vector.shape_cast %reduce_sum3A_42 : vector<512xf32> to vector<1x512xf32>
    %sub3A_44 = vector.broadcast %broadcast_in_dim3A_36 : vector<1x512xf32> to vector<48x512xf32>
    %sub3A_45 = arith.subf %add3A_32, %sub3A_44 : vector<48x512xf32>
    %log3A = math.log %broadcast_in_dim3A_43 : vector<1x512xf32>
    %sub3A_46 = vector.broadcast %log3A : vector<1x512xf32> to vector<48x512xf32>
    %sub3A_47 = arith.subf %sub3A_45, %sub3A_46 : vector<48x512xf32>
    %swap3A = arith.constant 0 : index
    %swap3A_48 = arith.constant 0 : index
    %swap3A_49 = vector.load %arg7[%swap3A, %swap3A_48] : memref<48x512xf32, #tpu.memory_space<vmem>>, vector<48x512xf32>
    tpu.vector_store %arg7[%swap3A, %swap3A_48], %sub3A_47 {strides = array<i32>} : memref<48x512xf32, #tpu.memory_space<vmem>>, vector<48x512xf32>,
    return
  }
  func.func @transform_0(%arg0: i32) -> (i32, i32) {
    %c0_i32 = arith.constant 0 : i32
    %c0_i32_0 = arith.constant 0 : i32
    return %c0_i32, %arg0 : i32, i32
  }
  func.func @transform_1(%arg0: i32) -> (i32, i32) {
    %c0_i32 = arith.constant 0 : i32
    %c0_i32_0 = arith.constant 0 : i32
    return %c0_i32, %arg0 : i32, i32
  }
  func.func @transform_2(%arg0: i32) -> (i32, i32, i32) {
    %c0_i32 = arith.constant 0 : i32
    %c0_i32_0 = arith.constant 0 : i32
    %c0_i32_1 = arith.constant 0 : i32
    return %c0_i32, %c0_i32_0, %arg0 : i32, i32, i32
  }
  func.func @transform_3(%arg0: i32) -> (i32, i32, i32) {
    %c1_i32 = arith.constant 1 : i32
    %c0_i32 = arith.constant 0 : i32
    %c0_i32_0 = arith.constant 0 : i32
    return %c1_i32, %c0_i32, %arg0 : i32, i32, i32
  }
  func.func @transform_4(%arg0: i32) -> (i32, i32) {
    %c0_i32 = arith.constant 0 : i32
    %c0_i32_0 = arith.constant 0 : i32
    return %c0_i32, %arg0 : i32, i32
  }
  func.func @transform_5(%arg0: i32) -> (i32, i32) {
    %c0_i32 = arith.constant 0 : i32
    %c0_i32_0 = arith.constant 0 : i32
    %c0_i32_1 = arith.constant 0 : i32
    return %c0_i32, %c0_i32_0 : i32, i32
  }
  func.func @transform_6(%arg0: i32) -> (i32, i32) {
    %c0_i32 = arith.constant 0 : i32
    %c0_i32_0 = arith.constant 0 : i32
    return %c0_i32, %arg0 : i32, i32
  }
}

</mosaic_0001>

<sc_bundles>
// kernel: kernel.12.cloned.1.call-start
scs
__scs_entry_jumppad:
0x0: {  	(pc) =	sbr.rel $0x88, $3  }
0x1: {  	(tag) =	ssettag $0x0;
	lr =	simm.s32 $0x1  }
0x2: {  	[smem:$0x3F97] =	sst lr;
	_ =	strace $0xD0000000  }
0x3: {  	_ = 	snop  }
0x4: {  	_ = 	snop  }
0x5: {  	_ = 	snop  }
0x6: {  	_ = 	snop  }
0x7: {  	_ = 	snop  }
__scs_overlays_trampoline_lowered:
0x8: {  	[smem:$0x3FA6] =	sst s0  }
0x9: {  	[smem:$0x3FA7] =	sst s1  }
0xa: {  	[smem:$0x3FA8] =	sst s2  }
0xb: {  	[smem:$0x3FA9] =	sst s3  }
0xc: {  	[smem:$0x3FAA] =	sst s4  }
0xd: {  	[smem:$0x3FAB] =	sst s5  }
0xe: {  	[smem:$0x3FAC] =	sst s6  }
0xf: {  	[smem:$0x3FAD] =	sst s7  }
0x10: {  	[smem:$0x3FAE] =	sst s8  }
0x11: {  	[smem:$0x3FAF] =	sst s9;
	s0 =	simm.s32 @!p0 $0x0  }
0x12: {  	s1 =	sld [smem:$0x3F95];
	s0 =	simm.s32 @p0 $0x1  }
0x13: {  	[smem:$0x3FB0] =	sst s0;
	s0 =	simm.s32 @!p1 $0x0  }
0x14: {  	s2 =	sld [smem:$0x3F94];
	s0 =	simm.s32 @p1 $0x1  }
0x15: {  	[smem:$0x3FB1] =	sst s0;
	s0 =	simm.s32 @!p2 $0x0  }
0x16: {  	s3 =	sld [smem:$0x3FDB];
	s0 =	simm.s32 @p2 $0x1  }
0x17: {  	s4 =	simm.s32 $0x1BF5;
	[smem:$0x3FB3] =	sst s0  }
0x18: {  	s0 =	sld [smem:$0x3F96];
	_ =	swait.ge [sflag:s4], $0x0  }
0x19: {  	s7 =	sld [smem:$0x3F97]  }
0x1a: {  	s8 =	sadd.s32 $0xFFFFE003, lr  }
0x1b: {  	s9 =	sadd.s32 $0xFFFFFEF7, lr;
	s5 =	simm.s32 $0xFFFFFFFF;
	p2 =	slt.u32 s8, $0xFFFFF086  }
0x1c: {  	p1 =	slt.u32 s9, $0xF7A;
	s5 =	simm.s32 @!p2 $0x0  }
0x1d: {  	s5 =	simm.s32 @p1 $0x1;
	p0 =	seq.s32 s7, s2  }
0x1e: {  	s7 =	smul.u32 @!p0 $0xF7A, s2;
	p2 =	seq.s32 @!p0 s5, $0x0  }
0x1f: {  	s9 =	smul.u32 $0xF7A, s1;
	s8 =	simm.s32 @!p0 $0x1BF5;
	p2 =	por !p2, p0  }
0x20: {  	[sflag:s8] =	ssyncset.s32 @!p0 $0xFFFFF086;
	s6 =	sadd.s32 @!p0 s3, s7;
	s7 =	simm.s32 @!p0 $0x108  }
0x21: {  	s3 =	sadd.s32 s3, s9;
	s6 =	sadd.s32 @!p0 $0x88, s6;
	s7 =	simm.s32 @p2 $0x1082  }
0x22: {  	[simem:s7], [sflag:s8] =	dma.local @!p0 [hbm:s6], $0xF7A  }
0x23: {  	s9 =	sor.u32 $0xD0000000, s2;
	s6 =	simm.s32 $0x108;
	_ =	swait.ge @!p0 [sflag:s8], $0x0  }
0x24: {  	s3 =	sadd.s32 $0x88, s3;
	s6 =	simm.s32 @!p1 $0x1082;
	[sflag:s4] =	ssyncset.s32 $0xFFFFF086  }
0x25: {  	[simem:s6], [sflag:s4] =	dma.local [hbm:s3], $0xF7A  }
0x26: {  	[smem:$0x3F97] =	sst s1;
	(tag) =	ssettag s2;
	_ =	strace s9  }
0x27: {  	s1 =	sld [smem:$0x3FA7]  }
0x28: {  	s2 =	sld [smem:$0x3FA8]  }
0x29: {  	s4 =	sld [smem:$0x3FAA]  }
0x2a: {  	p0 =	seq.s32 s5, $0x0;
	s5 =	sld [smem:$0x3FAB]  }
0x2b: {  	s6 =	sld [smem:$0x3FAC]  }
0x2c: {  	s7 =	sld [smem:$0x3FAD]  }
0x2d: {  	s3 =	simm.s32 $0x108;
	s8 =	sld [smem:$0x3FAE]  }
0x2e: {  	s3 =	simm.s32 @!p0 $0x1082;
	s9 =	sld [smem:$0x3FAF]  }
0x2f: {  	lr =	sadd.s32 s0, s3;
	s0 =	sld [smem:$0x3FA6]  }
0x30: {  	s3 =	sld [smem:$0x3FA9]  }
0x31: {  	[smem:$0x3FB2] =	sst s10  }
0x32: {  	s10 =	sld [smem:$0x3FB0];
	_ =	sdelay $0x3  }
0x33: {  	p0 =	seq.s32 s10, $0x1;
	s10 =	sld [smem:$0x3FB2];
	_ =	sdelay $0x3  }
0x34: {  	[smem:$0x3FB2] =	sst s10  }
0x35: {  	s10 =	sld [smem:$0x3FB1];
	_ =	sdelay $0x3  }
0x36: {  	p1 =	seq.s32 s10, $0x1;
	s10 =	sld [smem:$0x3FB2];
	_ =	sdelay $0x3  }
0x37: {  	[smem:$0x3FB2] =	sst s10  }
0x38: {  	s10 =	sld [smem:$0x3FB3]  }
0x39: {  	_ = 	snop;
	(pc) =	sbr.ind lr, $3  }
0x3a: {  	_ = 	snop  }
0x3b: {  	_ = 	snop  }
0x3c: {  	p2 =	seq.s32 s10, $0x1;
	s10 =	sld [smem:$0x3FB2]  }
0x3d: {  	_ =	shalt  }
0x3e: {  	_ =	shalt  }
0x3f: {  	_ =	shalt  }
0x40: {  	_ =	shalt  }
0x41: {  	_ =	shalt  }
0x42: {  	_ =	shalt  }
0x43: {  	_ =	shalt  }
0x44: {  	_ =	shalt  }
0x45: {  	_ =	shalt  }
0x46: {  	_ =	shalt  }
0x47: {  	_ =	shalt  }
0x48: {  	_ =	shalt  }
0x49: {  	_ =	shalt  }
0x4a: {  	_ =	shalt  }
0x4b: {  	_ =	shalt  }
0x4c: {  	_ =	shalt  }
0x4d: {  	_ =	shalt  }
0x4e: {  	_ =	shalt  }
0x4f: {  	_ =	shalt  }
0x50: {  	_ =	shalt  }
0x51: {  	_ =	shalt  }
0x52: {  	_ =	shalt  }
0x53: {  	_ =	shalt  }
0x54: {  	_ =	shalt  }
0x55: {  	_ =	shalt  }
0x56: {  	_ =	shalt  }
0x57: {  	_ =	shalt  }
0x58: {  	_ =	shalt  }
0x59: {  	_ =	shalt  }
0x5a: {  	_ =	shalt  }
0x5b: {  	_ =	shalt  }
0x5c: {  	_ =	shalt  }
0x5d: {  	_ =	shalt  }
0x5e: {  	_ =	shalt  }
0x5f: {  	_ =	shalt  }
0x60: {  	_ =	shalt  }
0x61: {  	_ =	shalt  }
0x62: {  	_ =	shalt  }
0x63: {  	_ =	shalt  }
0x64: {  	_ =	shalt  }
0x65: {  	_ =	shalt  }
0x66: {  	_ =	shalt  }
0x67: {  	_ =	shalt  }
0x68: {  	_ =	shalt  }
0x69: {  	_ =	shalt  }
0x6a: {  	_ =	shalt  }
0x6b: {  	_ =	shalt  }
0x6c: {  	_ =	shalt  }
0x6d: {  	_ =	shalt  }
0x6e: {  	_ =	shalt  }
0x6f: {  	_ =	shalt  }
0x70: {  	_ =	shalt  }
0x71: {  	_ =	shalt  }
0x72: {  	_ =	shalt  }
0x73: {  	_ =	shalt  }
0x74: {  	_ =	shalt  }
0x75: {  	_ =	shalt  }
0x76: {  	_ =	shalt  }
0x77: {  	_ =	shalt  }
0x78: {  	_ =	shalt  }
0x79: {  	_ =	shalt  }
0x7a: {  	_ =	shalt  }
0x7b: {  	_ =	shalt  }
0x7c: {  	_ =	shalt  }
0x7d: {  	_ =	shalt  }
0x7e: {  	_ =	shalt  }
0x7f: {  	_ =	shalt  }
0x80: {  	_ =	shalt  }
0x81: {  	_ =	shalt  }
0x82: {  	_ =	shalt  }
0x83: {  	_ =	shalt  }
0x84: {  	_ =	shalt  }
0x85: {  	_ =	shalt  }
0x86: {  	_ =	shalt  }
0x87: {  	_ =	shalt  }
.Lfunc_end0:
.L_simem_size_0:
called_computation.1_lowered:
.L_overlay_start_0:
0x88: {  	s2 =	sld [smem:$0x3FD9]  }
0x89: {  	s3 =	sld [smem:$0x3FFE];
	_ =	sdelay $0x1  }
0x8a: {  	s1 =	srdreg.scid  }
0x8b: {  	s0 =	sand.u32 $0x1, s1  }
0x8c: {  	s16 =	sshll.u32 s0, $0xA;
	s2 =	sadd.s32 s3, s2  }
0x8d: {  	s2 =	sadd.s32 s2, s16  }
0x8e: {  	[smem:$0x3FBE] =	sst s2  }
0x8f: {  	_ = 	snop  }
0x90: {  	(tm) =	ssettm $0x1  }
0x91: {  	s17 =	sld [smem:$0x3FFB];
	_ =	sdelay $0x3  }
0x92: {  	_ =	strace s17  }
0x93: {  	s2 =	sld [smem:$0x3FFC];
	_ =	sdelay $0x3  }
0x94: {  	_ =	strace s2  }
0x95: {  	s2 =	sld [smem:$0x3FFD];
	_ =	sdelay $0x3  }
0x96: {  	_ =	strace s2  }
0x97: {  	_ =	strace $0x8FFFFFFF  }
0x98: {  	s18 =	sld [smem:$0x3FDB];
	_ =	sdelay $0x1  }
0x99: {  	s19 =	simm.s32 $_scs_section_size  }
0x9a: {  	s4 =	simm.s32 $_size__tile_overlayer_lowered;
	s5 =	simm.s32 $_tile_overlayer_lowered  }
0x9b: {  	s22 =	simm.s32 $0x1BFF;
	s21 =	sshll.u32 s5, $0x1;
	s2 =	sadd.s32 s19, s18  }
0x9c: {  	s6 =	simm.s32 $0x0;
	s20 =	sshll.u32 s4, $0x1;
	s4 =	sadd.s32 s21, s2  }
0x9d: {  	[timem:s6], [sflag:s22] =	dma.local [hbm:s4], s20  }
0x9e: {  	_ =	swait.ge [sflag:s22], s20  }
0x9f: {  	s3 =	ssub.s32 $0x0, s20;
	[sflag:s22] =	ssyncset.done $0x0  }
0xa0: {  	[sflag:s22] =	ssyncadd.s32 s3;
	_ =	sdelay $0x1  }
0xa1: {  	s23 =	simm.s32 $0x1B8B  }
0xa2: {  	_ =	swait.ge [sflag:s23], $0x1  }
0xa3: {  	[sflag:s23] =	ssyncset.done $0x0  }
0xa4: {  	s25 =	simm.s32 $0x1B8E;
	s24 =	sld [smem:$0x3FFE];
	[sflag:s23] =	ssyncadd.s32 $0xFFFFFFFF  }
0xa5: {  	s26 =	simm.s32 $execute0_lowered;
	[smem:$0x3FD2] =	sst s25  }
0xa6: {  	s4 =	sshll.u32 s26, $0x1;
	_ =	strace $0x80000049;
	[dreg:$0x1] =	wrdreg $0xFFFFFFFF  }
0xa7: {  	s28 =	simm.s32 $_size_execute0_lowered;
	s2 =	sadd.s32 s2, s4;
	[dreg:$0x0] =	wrdreg $0x0  }
0xa8: {  	s4 =	sshll.u32 s28, $0x1;
	[dreg:$0x2] =	wrdreg s2  }
0xa9: {  	[dreg:$0x3] =	wrdreg s4  }
0xaa: {  	[dreg:$0x4] =	wrdreg $0xC0  }
0xab: {  	_ =	task [dreg:s6], $0x5FFFF  }
0xac: {  	[dreg:$0x1] =	wrdreg $0xFFFFFFFF  }
0xad: {  	[dreg:$0x0] =	wrdreg $0x60  }
0xae: {  	[dreg:$0x2] =	wrdreg s24  }
0xaf: {  	[dreg:$0x3] =	wrdreg $0x9  }
0xb0: {  	_ =	task.clear_ibuf [dreg:s6], $0x4FFFF;
	_ =	strace $0x90000049  }
0xb1: {  	s29 =	simm.s32 $0x9;
	_ =	strace $0x8000004B  }
0xb2: {  	_ =	swait.ge [sflag:s29], $0x1  }
0xb3: {  	[sflag:s29] =	ssyncadd.s32 $0xFFFFFFFF  }
0xb4: {  	_ =	strace $0x9000004B  }
0xb5: {  	_ =	sfence  }
0xb6: {  	s30 =	sld [smem:$0x0];
	_ =	sdelay $0x2  }
0xb7: {  	s31 =	sshll.u32 s1, $0xD;
	s1 =	sshrl.u32 s1, $0x2  }
0xb8: {  	s3 =	sand.u32 $0x4000, s31;
	s1 =	sadd.s32 s1, s30  }
0xb9: {  	s0 =	sor.u32 s3, s0;
	s1 =	sshll.u32 s1, $0x11  }
0xba: {  	s0 =	sor.u32 s1, s0  }
0xbb: {  	s0 =	sadd.s32 $0x8F2B, s0  }
0xbc: {  	[sflag:s0] =	ssyncadd.remote.s32 $0x1  }
0xbd: {  	_ =	sfence.sel $0xFFFF  }
0xbe: {  	[dreg:$0x0] =	wrdreg $0xFFFFFFFF;
	(pc) =	sbr.abs _section_cstart, $3  }
0xbf: {  	[dreg:$0x1] =	wrdreg $0xFFFFFFFF  }
0xc0: {  	_ =	task.clear_ibuf [dreg:s6], $0x2FFFF;
	_ =	strace $0x9FFFFFFF  }
0xc1: {  	(tm) =	ssettm $0x7FFFFFFF  }
tec
execute0_lowered:
.L_overlay_start_1:
0x0: {  	(tag) =	ssettag $0x1  }
0x1: {  	s5 =	rddreg [dreg:$0x0]  }
0x2: {  	s0 =	rddreg [dreg:$0x1]  }
0x3: {  	s2 =	simm.s32 $0x0;
	s1 =	stileid.u32;
	s7 =	srdreg.scid  }
0x4: {  	s11 =	simm.s32 $0x400;
	s12 =	simm.s32 $0x2;
	s13 =	simm.s32 $0x2800  }
0x5: {  	s14 =	simm.s32 $0xF000;
	s15 =	simm.s32 $0x11000;
	s16 =	simm.s32 $0x1  }
0x6: {  	s17 =	simm.s32 $0x5000;
	s18 =	simm.s32 $0x7800;
	s19 =	simm.s32 $0xA000  }
0x7: {  	s20 =	simm.s32 $0xC800;
	s21 =	simm.s32 $0x0;
	[smem:$0x7FF] =	sst s2  }
0x8: {  	s3 =	sadd.s32 $0x8600, s5;
	s6 =	sshrl.u32 s1, $0x1;
	s8 =	sshll.u32 s1, $0x1  }
0x9: {  	s7 =	sand.u32 $0x1, s7;
	_ =	strace $0x8000004A;
	s4 =	sshll.u32 s6, $0x4  }
0xa: {  	s8 =	sand.u32 $0x2, s8;
	s10 =	ssub.s32 $0x2, s7;
	s6 =	sshll.u32 s6, $0x8  }
0xb: {  	s9 =	sadd.s32 s4, s5;
	s4 =	sadd.s32 $0x3600, s5;
	s7 =	sor.u32 s7, s8  }
0xc: {  	s31 =	sshrl.u32 s10, $0x1;
	s5 =	sadd.s32 $0x3F5600, s5;
	s7 =	sshll.u32 s7, $0x6  }
0xd: {  	s10 =	ssub.s32 s10, s31;
	s8 =	sadd.s32 $0x3CD600, s9;
	s6 =	sor.u32 s6, s7  }
0xe: {  	v0 =	vimm.f32 $0.0e+00;
	s9 =	smax.u32 s10, $0x1;
	s10 =	simm.s32 $0x80;
	s7 =	sshrl.u32 s6, $0x4  }
.LBB2_1:
0xf: {  	s22 =	simm.s32 $0x0  }
.LBB2_2:
0x10: {  	s23 =	sshrl.u32 s22, $0x2  }
0x11: {  	s23 =	sor.u32 s7, s23  }
0x12: {  	s24 =	sshll.u32 s22, $0x8;
	s23 =	smul.u32 $0x14000, s23  }
0x13: {  	s24 =	sand.u32 $0x300, s24  }
0x14: {  	s23 =	sor.u32 s24, s23  }
0x15: {  	s23 =	sshrl.u32 s23, $0x3  }
0x16: {  	s23 =	sadd.s32 s3, s23  }
0x17: {  	[tilespmem:s2], [sflag:$0x2] =	stream.strided.gather [hbm4b:s23+s10], $0x2800, s11, s10, $0x38;
	[tilespmem:$0x13000] =	vst v63  }
0x18: {  	_ =	swait.ge [sflag:s12], $0x2800  }
0x19: {  	[sflag:s12] =	ssyncset.done $0x0  }
0x1a: {  	s23 =	sadd.s32 $0x10, s23;
	[sflag:s12] =	ssyncadd.s32 $0xFFFFD800  }
0x1b: {  	[tilespmem:s13], [sflag:$0x2] =	stream.strided.gather [hbm4b:s23+s10], $0x2800, s11, s10, $0x38;
	[tilespmem:$0x13000] =	vst v63  }
0x1c: {  	_ =	swait.ge [sflag:s12], $0x2800  }
0x1d: {  	[sflag:s12] =	ssyncset.done $0x0  }
0x1e: {  	s25 =	simm.s32 $0x5040;
	[sflag:s12] =	ssyncadd.s32 $0xFFFFD800  }
0x1f: {  	[tilespmem:s25+$0x30] =	vst v0  }
0x20: {  	[tilespmem:s25+$0xFFFFFFE0] =	vst v0  }
0x21: {  	[tilespmem:s25+$0xFFFFFFF0] =	vst v0  }
0x22: {  	[tilespmem:s25+$0x0] =	vst v0  }
0x23: {  	[tilespmem:s25+$0xFFFFFFC0] =	vst v0  }
0x24: {  	[tilespmem:s25+$0x10] =	vst v0  }
0x25: {  	[tilespmem:s25+$0x20] =	vst v0  }
0x26: {  	s24 =	simm.s32 $0x7840;
	[tilespmem:s25+$0xFFFFFFD0] =	vst v0  }
0x27: {  	[tilespmem:s24+$0x30] =	vst v0  }
0x28: {  	[tilespmem:s24+$0xFFFFFFC0] =	vst v0  }
0x29: {  	[tilespmem:s24+$0x10] =	vst v0  }
0x2a: {  	[tilespmem:s24+$0xFFFFFFD0] =	vst v0  }
0x2b: {  	[tilespmem:s24+$0x20] =	vst v0  }
0x2c: {  	[tilespmem:s24+$0x0] =	vst v0  }
0x2d: {  	s23 =	simm.s32 $0xA040;
	[tilespmem:s24+$0xFFFFFFF0] =	vst v0  }
0x2e: {  	[tilespmem:s23+$0x30] =	vst v0  }
0x2f: {  	[tilespmem:s23+$0xFFFFFFC0] =	vst v0  }
0x30: {  	[tilespmem:s23+$0x10] =	vst v0  }
0x31: {  	[tilespmem:s23+$0xFFFFFFD0] =	vst v0  }
0x32: {  	[tilespmem:s23+$0x20] =	vst v0  }
0x33: {  	[tilespmem:s23+$0x0] =	vst v0  }
0x34: {  	s26 =	simm.s32 $0xC840;
	[tilespmem:s23+$0xFFFFFFF0] =	vst v0  }
0x35: {  	[tilespmem:s26+$0x30] =	vst v0  }
0x36: {  	[tilespmem:s26+$0xFFFFFFC0] =	vst v0  }
0x37: {  	[tilespmem:s26+$0x10] =	vst v0  }
0x38: {  	[tilespmem:s26+$0xFFFFFFD0] =	vst v0  }
0x39: {  	s28 =	simm.s32 $0x0;
	s29 =	simm.s32 $0xA0C0;
	s30 =	simm.s32 $0xC8C0;
	[tilespmem:s26+$0x20] =	vst v0  }
.LBB2_3:
0x3a: {  	s28 =	sadd.s32 $0x8, s28;
	[tilespmem:s24+$0xFFFFFFE0] =	vst v0;
	s25 =	sadd.s32 $0x80, s25;
	s24 =	sadd.s32 $0x80, s24  }
0x3b: {  	[tilespmem:s25+$0x30] =	vst v0;
	p0 =	slt.u32 s28, $0x278  }
0x3c: {  	[tilespmem:s24+$0x30] =	vst v0  }
0x3d: {  	[tilespmem:s29+$0x30] =	vst v0  }
0x3e: {  	[tilespmem:s26+$0xFFFFFFF0] =	vst v0  }
0x3f: {  	[tilespmem:s26+$0x0] =	vst v0  }
0x40: {  	[tilespmem:s23+$0xFFFFFFE0] =	vst v0;
	s23 =	smov.u32 s29  }
0x41: {  	[tilespmem:s26+$0xFFFFFFE0] =	vst v0;
	s26 =	smov.u32 s30  }
0x42: {  	[tilespmem:s30+$0x30] =	vst v0  }
0x43: {  	[tilespmem:s25+$0xFFFFFFE0] =	vst v0  }
0x44: {  	[tilespmem:s25+$0xFFFFFFF0] =	vst v0  }
0x45: {  	[tilespmem:s25+$0x0] =	vst v0  }
0x46: {  	[tilespmem:s25+$0xFFFFFFC0] =	vst v0  }
0x47: {  	[tilespmem:s24+$0xFFFFFFC0] =	vst v0  }
0x48: {  	[tilespmem:s29+$0xFFFFFFC0] =	vst v0  }
0x49: {  	[tilespmem:s30+$0xFFFFFFC0] =	vst v0  }
0x4a: {  	[tilespmem:s25+$0x10] =	vst v0  }
0x4b: {  	[tilespmem:s24+$0x10] =	vst v0  }
0x4c: {  	[tilespmem:s29+$0x10] =	vst v0  }
0x4d: {  	[tilespmem:s30+$0x10] =	vst v0  }
0x4e: {  	[tilespmem:s25+$0x20] =	vst v0  }
0x4f: {  	[tilespmem:s25+$0xFFFFFFD0] =	vst v0  }
0x50: {  	[tilespmem:s24+$0xFFFFFFD0] =	vst v0  }
0x51: {  	[tilespmem:s29+$0xFFFFFFD0] =	vst v0  }
0x52: {  	[tilespmem:s30+$0xFFFFFFD0] =	vst v0  }
0x53: {  	[tilespmem:s24+$0x20] =	vst v0  }
0x54: {  	[tilespmem:s29+$0x20] =	vst v0  }
.Ltmp0:
0x55: {  	[tilespmem:s30+$0x20] =	vst v0;
	(pc) =	sbr.rel @p0 .LBB2_3-.Ltmp0, $4  }
0x56: {  	[tilespmem:s24+$0x0] =	vst v0  }
0x57: {  	[tilespmem:s29+$0x0] =	vst v0  }
0x58: {  	[tilespmem:s24+$0xFFFFFFF0] =	vst v0  }
0x59: {  	s30 =	sadd.s32 $0x80, s30;
	s29 =	sadd.s32 $0x80, s29;
	[tilespmem:s23+$0xFFFFFFF0] =	vst v0  }
0x5a: {  	[tilespmem:s24+$0xFFFFFFE0] =	vst v0  }
0x5b: {  	[tilespmem:s26+$0xFFFFFFF0] =	vst v0  }
0x5c: {  	[tilespmem:s26+$0x0] =	vst v0  }
0x5d: {  	[tilespmem:s23+$0xFFFFFFE0] =	vst v0  }
0x5e: {  	s23 =	simm.s32 $0x0;
	[tilespmem:s26+$0xFFFFFFE0] =	vst v0  }
0x5f: {  	[tilespmem:s14], [sflag:$0x1] =	stream.linear.gather [hbm4b:s4+s23], $0x1000, $0x38;
	[tilespmem:$0x13000] =	vst v63  }
0x60: {  	p0 =	por $0x0, $0x0  }
0x61: {  	[tilespmem:s15], [sflag:$0x1] =	stream.strided.gather [hbm4b:s8+s10], $0x1000, s11, s10, $0x38;
	[tilespmem:$0x13000] =	vst v63  }
.LBB2_6:
0x62: {  	_ =	swait.ge [sflag:s16], $0x1000;
	s24 =	simm.s32 $0x1  }
0x63: {  	s25 =	smov.u32 s23;
	s23 =	sadd.s32 $0x1, s23;
	[sflag:s16] =	ssyncset.done $0x0  }
0x64: {  	s24 =	simm.s32 @!p0 $0x0;
	p1 =	seq.s32 s25, $0x27;
	[sflag:s16] =	ssyncadd.s32 $0xFFFFF000  }
0x65: {  	s24 =	sshll.u32 s24, $0xC;
	s25 =	sshll.u32 @!p1 s23, $0xC;
	s26 =	sshll.u32 @!p1 s23, $0x9  }
0x66: {  	s30 =	simm.s32 @!p1 $0x0;
	_ =	swait.ge [sflag:s16], $0x1000;
	s28 =	sand.u32 @!p1 $0x1000, s25  }
0x67: {  	s26 =	sadd.s32 @!p1 s4, s26;
	s31 =	sadd.s32 $0xF080, s24;
	[sflag:s16] =	ssyncset.done $0x0  }
0x68: {  	s25 =	sadd.s32 @!p1 s25, s8;
	s29 =	sadd.s32 @!p1 $0xF000, s28;
	[sflag:s16] =	ssyncadd.s32 $0xFFFFF000  }
0x69: {  	[tilespmem:s29], [sflag:$0x1] =	stream.linear.gather @!p1 [hbm4b:s26+s30], $0x1000, $0x38;
	[tilespmem:$0x13000] =	vst v63  }
0x6a: {  	s28 =	sadd.s32 @!p1 $0x11000, s28;
	s29 =	simm.s32 @!p1 $0x80;
	s30 =	simm.s32 @!p1 $0x400  }
0x6b: {  	[tilespmem:s28], [sflag:$0x1] =	stream.strided.gather @!p1 [hbm4b:s25+s29], $0x1000, s30, s29, $0x38;
	[tilespmem:$0x13000] =	vst v63  }
0x6c: {  	v1 =	vld [tilespmem:s31+$0x70]  }
0x6d: {  	v4 =	vld [tilespmem:s31+$0xFFFFFF90]  }
0x6e: {  	v6 =	vld [tilespmem:s31+$0xFFFFFFA0]  }
0x6f: {  	v7 =	vld [tilespmem:s31+$0xFFFFFFB0]  }
0x70: {  	v8 =	vld [tilespmem:s31+$0xFFFFFFC0]  }
0x71: {  	s24 =	sadd.s32 $0x11080, s24;
	v9 =	vld [tilespmem:s31+$0xFFFFFFD0]  }
0x72: {  	v10 =	vld [tilespmem:s24+$0x70]  }
0x73: {  	v12 =	vld [tilespmem:s31+$0xFFFFFFE0]  }
0x74: {  	v13 =	vld [tilespmem:s31+$0xFFFFFFF0]  }
0x75: {  	v15 =	vld [tilespmem:s31+$0x0]  }
0x76: {  	v16 =	vld [tilespmem:s31+$0xFFFFFF80]  }
0x77: {  	v18 =	vld [tilespmem:s31+$0x10]  }
0x78: {  	v28 =	vld [tilespmem:s24+$0xFFFFFF80]  }
0x79: {  	v54 =	vld [tilespmem:s24+$0xFFFFFF90]  }
0x7a: {  	v57 =	vld [tilespmem:s24+$0xFFFFFFA0]  }
0x7b: {  	v30 =	vld [tilespmem:s24+$0xFFFFFFB0]  }
0x7c: {  	v33 =	vld [tilespmem:s24+$0xFFFFFFD0];
	v5 =	vand.u32 $0x3FFF, v1  }
0x7d: {  	v34 =	vld [tilespmem:s24+$0xFFFFFFE0];
	v11 =	vand.u32 $0x3FFF, v4  }
0x7e: {  	v43 =	vld [tilespmem:s24+$0xFFFFFFF0];
	v17 =	vand.u32 $0x3FFF, v6  }
0x7f: {  	v46 =	vld [tilespmem:s24+$0x0];
	v53 =	vand.u32 $0x3FFF, v16  }
0x80: {  	v49 =	vld [tilespmem:s24+$0x10];
	v19 =	vand.u32 $0x3FFF, v7  }
0x81: {  	v3 =	vand.u32 $0x3FFF, v8;
	v2 =	vld.idx.msk [tilespmem:v5+s2+$0x0], $0xffff  }
0x82: {  	v32 =	vand.u32 $0x3FFF, v15;
	v20 =	vld.idx.msk [tilespmem:v11+s2+$0x0], $0xffff  }
0x83: {  	v35 =	vand.u32 $0x3FFF, v18;
	v22 =	vld.idx.msk [tilespmem:v17+s2+$0x0], $0xffff  }
0x84: {  	v26 =	vld.idx.msk [tilespmem:v53+s2+$0x0], $0xffff  }
0x85: {  	v14 =	vshrl.u32 v1, $0xE;
	v23 =	vld.idx.msk [tilespmem:v19+s2+$0x0], $0xffff  }
0x86: {  	v24 =	vld.idx.msk [tilespmem:v3+s2+$0x0], $0xffff  }
0x87: {  	v38 =	vld.idx.msk [tilespmem:v32+s2+$0x0], $0xffff;
	v52 =	vshll.u32 v2, $0x10  }
0x88: {  	v6 =	vshrl.u32 v6, $0xE;
	v40 =	vld.idx.msk [tilespmem:v35+s2+$0x0], $0xffff;
	v2 =	vand.u32 $0xFFFF0000, v2;
	v1 =	vmul.f32 v52, v10  }
0x89: {  	v55 =	vshll.u32 v26, $0x10;
	v56 =	vand.u32 $0xFFFF0000, v26;
	v26 =	vld [tilespmem:s31+$0x60];
	v21 =	vmul.f32 v2, v10  }
0x8a: {  	v7 =	vshrl.u32 v7, $0xE;
	v58 =	vshll.u32 v20, $0x10;
	v60 =	vshll.u32 v22, $0x10;
	[tilespmem:v14+s17+$0x0] =	vst.idx.add.f32.msk $0xffff, v1  }
0x8b: {  	v59 =	vand.u32 $0xFFFF0000, v20;
	v2 =	vand.u32 $0x3FFF, v9;
	v20 =	vmul.f32 v60, v57;
	[tilespmem:v14+s18+$0x0] =	vst.idx.add.f32.msk $0xffff, v21  }
0x8c: {  	v62 =	vshll.u32 v23, $0x10;
	v5 =	vld.idx.msk [tilespmem:v5+s13+$0x0], $0xffff  }
0x8d: {  	v23 =	vand.u32 $0xFFFF0000, v23;
	[tilespmem:v6+s17+$0x0] =	vst.idx.add.f32.msk $0xffff, v20;
	v20 =	vmul.f32 v62, v30  }
0x8e: {  	v50 =	vshll.u32 v38, $0x10;
	v52 =	vand.u32 $0xFFFF0000, v38;
	v38 =	vld [tilespmem:s24+$0x20];
	v1 =	vand.u32 $0x3FFF, v12  }
0x8f: {  	v23 =	vmul.f32 v23, v30;
	[tilespmem:v7+s17+$0x0] =	vst.idx.add.f32.msk $0xffff, v20  }
0x90: {  	v25 =	vld.idx.msk [tilespmem:v2+s2+$0x0], $0xffff  }
0x91: {  	[tilespmem:v7+s18+$0x0] =	vst.idx.add.f32.msk $0xffff, v23;
	v27 =	vshll.u32 v5, $0x10  }
0x92: {  	v4 =	vshrl.u32 v4, $0xE;
	v19 =	vld.idx.msk [tilespmem:v19+s13+$0x0], $0xffff;
	v27 =	vmul.f32 v27, v10  }
0x93: {  	v29 =	vld.idx.msk [tilespmem:v1+s2+$0x0], $0xffff;
	v5 =	vand.u32 $0xFFFF0000, v5  }
0x94: {  	v16 =	vshrl.u32 v16, $0xE;
	v5 =	vmul.f32 v5, v10;
	[tilespmem:v14+s19+$0x0] =	vst.idx.add.f32.msk $0xffff, v27  }
0x95: {  	v27 =	vmul.f32 v58, v54;
	v58 =	vld [tilespmem:s31+$0x20]  }
0x96: {  	[tilespmem:v14+s20+$0x0] =	vst.idx.add.f32.msk $0xffff, v5  }
0x97: {  	v5 =	vmul.f32 v55, v28;
	[tilespmem:v4+s17+$0x0] =	vst.idx.add.f32.msk $0xffff, v27  }
0x98: {  	v27 =	vld [tilespmem:s24+$0xFFFFFFC0]  }
0x99: {  	v14 =	vmul.f32 v56, v28;
	[tilespmem:v16+s17+$0x0] =	vst.idx.add.f32.msk $0xffff, v5  }
0x9a: {  	v5 =	vmul.f32 v59, v54;
	v59 =	vld [tilespmem:s31+$0x30]  }
0x9b: {  	[tilespmem:v16+s18+$0x0] =	vst.idx.add.f32.msk $0xffff, v14  }
0x9c: {  	[tilespmem:v4+s18+$0x0] =	vst.idx.add.f32.msk $0xffff, v5  }
0x9d: {  	v61 =	vand.u32 $0xFFFF0000, v22;
	v14 =	vand.u32 $0x3FFF, v13;
	v21 =	vld.idx.msk [tilespmem:v53+s13+$0x0], $0xffff  }
0x9e: {  	v8 =	vshrl.u32 v8, $0xE;
	v5 =	vmul.f32 v61, v57;
	v61 =	vld [tilespmem:s31+$0x40]  }
0x9f: {  	v11 =	vld.idx.msk [tilespmem:v11+s13+$0x0], $0xffff  }
0xa0: {  	v0 =	vshll.u32 v24, $0x10;
	[tilespmem:v6+s18+$0x0] =	vst.idx.add.f32.msk $0xffff, v5  }
0xa1: {  	v24 =	vand.u32 $0xFFFF0000, v24;
	v5 =	vmul.f32 v0, v27;
	v17 =	vld.idx.msk [tilespmem:v17+s13+$0x0], $0xffff  }
0xa2: {  	v37 =	vmul.f32 v24, v27;
	v63 =	vld.idx.msk [tilespmem:v14+s2+$0x0], $0xffff  }
0xa3: {  	[tilespmem:v8+s17+$0x0] =	vst.idx.add.f32.msk $0xffff, v5;
	v31 =	vshll.u32 v21, $0x10  }
0xa4: {  	v21 =	vand.u32 $0xFFFF0000, v21;
	[tilespmem:v8+s18+$0x0] =	vst.idx.add.f32.msk $0xffff, v37;
	v5 =	vmul.f32 v31, v28  }
0xa5: {  	v21 =	vmul.f32 v21, v28;
	v41 =	vshll.u32 v11, $0x10;
	v3 =	vld.idx.msk [tilespmem:v3+s13+$0x0], $0xffff  }
0xa6: {  	v42 =	vmul.f32 v41, v54;
	[tilespmem:v16+s19+$0x0] =	vst.idx.add.f32.msk $0xffff, v5  }
0xa7: {  	[tilespmem:v16+s20+$0x0] =	vst.idx.add.f32.msk $0xffff, v21  }
0xa8: {  	v9 =	vshrl.u32 v9, $0xE;
	v12 =	vshrl.u32 v12, $0xE;
	v11 =	vand.u32 $0xFFFF0000, v11;
	[tilespmem:v4+s19+$0x0] =	vst.idx.add.f32.msk $0xffff, v42  }
0xa9: {  	v10 =	vmul.f32 v11, v54;
	v48 =	vshll.u32 v63, $0x10;
	v22 =	vand.u32 $0xFFFF0000, v63;
	v63 =	vld [tilespmem:s31+$0x50]  }
0xaa: {  	v36 =	vshll.u32 v25, $0x10;
	v42 =	vld [tilespmem:s24+$0x30]  }
0xab: {  	v39 =	vshll.u32 v29, $0x10;
	v16 =	vmul.f32 v36, v33;
	[tilespmem:v4+s20+$0x0] =	vst.idx.add.f32.msk $0xffff, v10  }
0xac: {  	v54 =	vshll.u32 v17, $0x10;
	v21 =	vmul.f32 v39, v34;
	v10 =	vmul.f32 v48, v43;
	v48 =	vld [tilespmem:s24+$0x50]  }
0xad: {  	v44 =	vshrl.u32 v13, $0xE;
	v25 =	vand.u32 $0xFFFF0000, v25;
	v56 =	vmul.f32 v54, v57;
	[tilespmem:v9+s17+$0x0] =	vst.idx.add.f32.msk $0xffff, v16  }
0xae: {  	v25 =	vmul.f32 v25, v33;
	v45 =	vand.u32 $0xFFFF0000, v29;
	[tilespmem:v12+s17+$0x0] =	vst.idx.add.f32.msk $0xffff, v21  }
0xaf: {  	v13 =	vmul.f32 v45, v34;
	[tilespmem:v6+s19+$0x0] =	vst.idx.add.f32.msk $0xffff, v56  }
0xb0: {  	[tilespmem:v9+s18+$0x0] =	vst.idx.add.f32.msk $0xffff, v25  }
0xb1: {  	[tilespmem:v12+s18+$0x0] =	vst.idx.add.f32.msk $0xffff, v13  }
0xb2: {  	v47 =	vshrl.u32 v15, $0xE;
	v22 =	vmul.f32 v22, v43;
	[tilespmem:v44+s17+$0x0] =	vst.idx.add.f32.msk $0xffff, v10  }
0xb3: {  	v13 =	vmul.f32 v50, v46;
	v50 =	vld [tilespmem:s24+$0x60]  }
0xb4: {  	v39 =	vand.u32 $0x3FFF, v26;
	[tilespmem:v44+s18+$0x0] =	vst.idx.add.f32.msk $0xffff, v22  }
0xb5: {  	v2 =	vld.idx.msk [tilespmem:v2+s13+$0x0], $0xffff  }
0xb6: {  	v51 =	vshrl.u32 v18, $0xE;
	v1 =	vld.idx.msk [tilespmem:v1+s13+$0x0], $0xffff  }
0xb7: {  	[tilespmem:v47+s17+$0x0] =	vst.idx.add.f32.msk $0xffff, v13  }
0xb8: {  	v18 =	vmul.f32 v52, v46;
	v53 =	vshll.u32 v40, $0x10;
	v14 =	vld.idx.msk [tilespmem:v14+s13+$0x0], $0xffff  }
0xb9: {  	v13 =	vmul.f32 v53, v49;
	v45 =	vld.idx.msk [tilespmem:v39+s2+$0x0], $0xffff  }
0xba: {  	v16 =	vand.u32 $0xFFFF0000, v40;
	v22 =	vand.u32 $0x3FFF, v58;
	[tilespmem:v47+s18+$0x0] =	vst.idx.add.f32.msk $0xffff, v18  }
0xbb: {  	v55 =	vand.u32 $0xFFFF0000, v17;
	v16 =	vmul.f32 v16, v49;
	[tilespmem:v51+s17+$0x0] =	vst.idx.add.f32.msk $0xffff, v13  }
0xbc: {  	v13 =	vmul.f32 v55, v57;
	v31 =	vld.idx.msk [tilespmem:v32+s13+$0x0], $0xffff  }
0xbd: {  	[tilespmem:v51+s18+$0x0] =	vst.idx.add.f32.msk $0xffff, v16  }
0xbe: {  	v60 =	vand.u32 $0xFFFF0000, v19;
	v57 =	vshll.u32 v19, $0x10;
	v32 =	vand.u32 $0x3FFF, v61;
	[tilespmem:v6+s20+$0x0] =	vst.idx.add.f32.msk $0xffff, v13  }
0xbf: {  	v16 =	vmul.f32 v60, v30;
	v6 =	vmul.f32 v57, v30;
	v30 =	vld.idx.msk [tilespmem:v22+s2+$0x0], $0xffff  }
0xc0: {  	v5 =	vld.idx.msk [tilespmem:v35+s13+$0x0], $0xffff  }
0xc1: {  	v35 =	vand.u32 $0x3FFF, v63;
	[tilespmem:v7+s19+$0x0] =	vst.idx.add.f32.msk $0xffff, v6  }
0xc2: {  	v62 =	vshll.u32 v3, $0x10;
	[tilespmem:v7+s20+$0x0] =	vst.idx.add.f32.msk $0xffff, v16  }
0xc3: {  	v7 =	vmul.f32 v62, v27;
	v36 =	vshll.u32 v31, $0x10;
	v37 =	vld.idx.msk [tilespmem:v32+s2+$0x0], $0xffff;
	v18 =	vand.u32 $0xFFFF0000, v31  }
0xc4: {  	v3 =	vand.u32 $0xFFFF0000, v3;
	v11 =	vmul.f32 v36, v46;
	v18 =	vmul.f32 v18, v46;
	v46 =	vld [tilespmem:s24+$0x40]  }
0xc5: {  	v3 =	vmul.f32 v3, v27;
	[tilespmem:v8+s19+$0x0] =	vst.idx.add.f32.msk $0xffff, v7  }
0xc6: {  	v41 =	vld.idx.msk [tilespmem:v35+s2+$0x0], $0xffff  }
0xc7: {  	v24 =	vshll.u32 v2, $0x10;
	v27 =	vand.u32 $0x3FFF, v59;
	[tilespmem:v8+s20+$0x0] =	vst.idx.add.f32.msk $0xffff, v3  }
0xc8: {  	v2 =	vand.u32 $0xFFFF0000, v2;
	v3 =	vmul.f32 v24, v33;
	[tilespmem:v47+s19+$0x0] =	vst.idx.add.f32.msk $0xffff, v11  }
0xc9: {  	v2 =	vmul.f32 v2, v33;
	[tilespmem:v47+s20+$0x0] =	vst.idx.add.f32.msk $0xffff, v18  }
0xca: {  	v29 =	vshll.u32 v1, $0x10;
	[tilespmem:v9+s19+$0x0] =	vst.idx.add.f32.msk $0xffff, v3  }
0xcb: {  	v1 =	vand.u32 $0xFFFF0000, v1;
	[tilespmem:v9+s20+$0x0] =	vst.idx.add.f32.msk $0xffff, v2;
	v2 =	vmul.f32 v29, v34  }
0xcc: {  	v1 =	vmul.f32 v1, v34;
	v40 =	vshll.u32 v5, $0x10;
	v34 =	vld.idx.msk [tilespmem:v27+s2+$0x0], $0xffff  }
0xcd: {  	v33 =	vshll.u32 v14, $0x10;
	v4 =	vmul.f32 v40, v49;
	[tilespmem:v12+s19+$0x0] =	vst.idx.add.f32.msk $0xffff, v2  }
0xce: {  	v13 =	vshrl.u32 v58, $0xE;
	v14 =	vand.u32 $0xFFFF0000, v14;
	[tilespmem:v12+s20+$0x0] =	vst.idx.add.f32.msk $0xffff, v1;
	v1 =	vmul.f32 v33, v43  }
0xcf: {  	v5 =	vand.u32 $0xFFFF0000, v5;
	v14 =	vmul.f32 v14, v43;
	[tilespmem:v51+s19+$0x0] =	vst.idx.add.f32.msk $0xffff, v4  }
0xd0: {  	v5 =	vmul.f32 v5, v49;
	v43 =	vshll.u32 v30, $0x10;
	[tilespmem:v44+s19+$0x0] =	vst.idx.add.f32.msk $0xffff, v1  }
0xd1: {  	v9 =	vand.u32 $0xFFFF0000, v30;
	v4 =	vmul.f32 v43, v38;
	[tilespmem:v44+s20+$0x0] =	vst.idx.add.f32.msk $0xffff, v14;
	v44 =	vshrl.u32 v59, $0xE  }
0xd2: {  	[tilespmem:v51+s20+$0x0] =	vst.idx.add.f32.msk $0xffff, v5;
	v9 =	vmul.f32 v9, v38  }
0xd3: {  	v17 =	vshrl.u32 v61, $0xE;
	v47 =	vshll.u32 v34, $0x10;
	[tilespmem:v13+s17+$0x0] =	vst.idx.add.f32.msk $0xffff, v4  }
0xd4: {  	v12 =	vand.u32 $0xFFFF0000, v34;
	v4 =	vmul.f32 v47, v42;
	[tilespmem:v13+s18+$0x0] =	vst.idx.add.f32.msk $0xffff, v9  }
0xd5: {  	v49 =	vshll.u32 v37, $0x10;
	v12 =	vmul.f32 v12, v42;
	v7 =	vld.idx.msk [tilespmem:v22+s13+$0x0], $0xffff  }
0xd6: {  	v16 =	vshrl.u32 v63, $0xE;
	[tilespmem:v44+s17+$0x0] =	vst.idx.add.f32.msk $0xffff, v4;
	v4 =	vmul.f32 v49, v46  }
0xd7: {  	v14 =	vand.u32 $0xFFFF0000, v37;
	[tilespmem:v44+s18+$0x0] =	vst.idx.add.f32.msk $0xffff, v12  }
0xd8: {  	v51 =	vshll.u32 v41, $0x10;
	v14 =	vmul.f32 v14, v46;
	[tilespmem:v17+s17+$0x0] =	vst.idx.add.f32.msk $0xffff, v4  }
0xd9: {  	v8 =	vshrl.u32 v26, $0xE;
	v4 =	vmul.f32 v51, v48;
	v3 =	vld.idx.msk [tilespmem:v27+s13+$0x0], $0xffff  }
0xda: {  	v52 =	vand.u32 $0xFFFF0000, v41;
	[tilespmem:v17+s18+$0x0] =	vst.idx.add.f32.msk $0xffff, v14  }
0xdb: {  	v53 =	vshll.u32 v45, $0x10;
	v14 =	vmul.f32 v52, v48;
	[tilespmem:v16+s17+$0x0] =	vst.idx.add.f32.msk $0xffff, v4  }
0xdc: {  	v4 =	vmul.f32 v53, v50;
	v2 =	vld.idx.msk [tilespmem:v32+s13+$0x0], $0xffff  }
0xdd: {  	v6 =	vand.u32 $0xFFFF0000, v45;
	[tilespmem:v16+s18+$0x0] =	vst.idx.add.f32.msk $0xffff, v14  }
0xde: {  	v6 =	vmul.f32 v6, v50;
	v54 =	vshll.u32 v7, $0x10;
	[tilespmem:v8+s17+$0x0] =	vst.idx.add.f32.msk $0xffff, v4  }
0xdf: {  	v4 =	vmul.f32 v54, v38;
	v1 =	vld.idx.msk [tilespmem:v35+s13+$0x0], $0xffff  }
0xe0: {  	v55 =	vand.u32 $0xFFFF0000, v7;
	[tilespmem:v8+s18+$0x0] =	vst.idx.add.f32.msk $0xffff, v6  }
0xe1: {  	v6 =	vmul.f32 v55, v38;
	v56 =	vshll.u32 v3, $0x10;
	[tilespmem:v13+s19+$0x0] =	vst.idx.add.f32.msk $0xffff, v4  }
0xe2: {  	v3 =	vand.u32 $0xFFFF0000, v3;
	v57 =	vld.idx.msk [tilespmem:v39+s13+$0x0], $0xffff;
	v4 =	vmul.f32 v56, v42  }
0xe3: {  	v3 =	vmul.f32 v3, v42;
	[tilespmem:v13+s20+$0x0] =	vst.idx.add.f32.msk $0xffff, v6;
	v58 =	vshll.u32 v2, $0x10  }
0xe4: {  	v2 =	vand.u32 $0xFFFF0000, v2;
	[tilespmem:v44+s19+$0x0] =	vst.idx.add.f32.msk $0xffff, v4;
	v59 =	vmul.f32 v58, v46  }
0xe5: {  	v2 =	vmul.f32 v2, v46;
	[tilespmem:v44+s20+$0x0] =	vst.idx.add.f32.msk $0xffff, v3;
	v60 =	vshll.u32 v1, $0x10  }
0xe6: {  	v1 =	vand.u32 $0xFFFF0000, v1;
	[tilespmem:v17+s19+$0x0] =	vst.idx.add.f32.msk $0xffff, v59;
	v3 =	vmul.f32 v60, v48  }
0xe7: {  	v1 =	vmul.f32 v1, v48;
	[tilespmem:v17+s20+$0x0] =	vst.idx.add.f32.msk $0xffff, v2;
	v61 =	vshll.u32 v57, $0x10  }
0xe8: {  	v62 =	vand.u32 $0xFFFF0000, v57;
	[tilespmem:v16+s19+$0x0] =	vst.idx.add.f32.msk $0xffff, v3;
	v2 =	vmul.f32 v61, v50  }
0xe9: {  	v63 =	vmul.f32 v62, v50;
	[tilespmem:v16+s20+$0x0] =	vst.idx.add.f32.msk $0xffff, v1  }
0xea: {  	[tilespmem:v8+s19+$0x0] =	vst.idx.add.f32.msk $0xffff, v2  }
0xeb: {  	s26 =	sadd.s32 $0x100, s31;
	s25 =	simm.s32 $0x0;
	[tilespmem:v8+s20+$0x0] =	vst.idx.add.f32.msk $0xffff, v63  }
.LBB2_7:
0xec: {  	v5 =	vld [tilespmem:s26+$0x70]  }
0xed: {  	v1 =	vld [tilespmem:s26+$0xFFFFFF90]  }
0xee: {  	v2 =	vld [tilespmem:s26+$0xFFFFFFA0]  }
0xef: {  	v3 =	vld [tilespmem:s26+$0xFFFFFFB0]  }
0xf0: {  	v4 =	vld [tilespmem:s26+$0xFFFFFFC0]  }
0xf1: {  	v8 =	vld [tilespmem:s26+$0xFFFFFFD0]  }
0xf2: {  	v50 =	vld [tilespmem:s26+$0xFFFFFFE0]  }
0xf3: {  	v51 =	vld [tilespmem:s26+$0xFFFFFFF0]  }
0xf4: {  	v52 =	vld [tilespmem:s26+$0x0]  }
0xf5: {  	v9 =	vld [tilespmem:s26+$0x10]  }
0xf6: {  	v10 =	vld [tilespmem:s26+$0x20]  }
0xf7: {  	v11 =	vld [tilespmem:s26+$0x30]  }
0xf8: {  	v26 =	vld [tilespmem:s26+$0x40]  }
0xf9: {  	v27 =	vld [tilespmem:s26+$0x50];
	v18 =	vand.u32 $0x3FFF, v5  }
0xfa: {  	v32 =	vld [tilespmem:s26+$0x60];
	v0 =	vand.u32 $0x3FFF, v1  }
0xfb: {  	s24 =	sadd.s32 $0x100, s24;
	v33 =	vld [tilespmem:s26+$0xFFFFFF80];
	v6 =	vand.u32 $0x3FFF, v2  }
0xfc: {  	v30 =	vld [tilespmem:s24+$0x70];
	v7 =	vand.u32 $0x3FFF, v3  }
0xfd: {  	v45 =	vld [tilespmem:s24+$0xFFFFFF80];
	v15 =	vshrl.u32 v4, $0xE;
	v4 =	vand.u32 $0x3FFF, v4  }
0xfe: {  	v39 =	vand.u32 $0x3FFF, v8;
	v53 =	vld.idx.msk [tilespmem:v18+s2+$0x0], $0xffff  }
0xff: {  	v41 =	vand.u32 $0x3FFF, v50;
	v35 =	vld.idx.msk [tilespmem:v0+s2+$0x0], $0xffff  }
0x100: {  	v38 =	vand.u32 $0x3FFF, v33;
	v62 =	vld.idx.msk [tilespmem:v6+s2+$0x0], $0xffff  }
0x101: {  	v43 =	vand.u32 $0x3FFF, v51;
	v63 =	vld.idx.msk [tilespmem:v7+s2+$0x0], $0xffff  }
0x102: {  	v54 =	vand.u32 $0x3FFF, v52;
	v37 =	vld.idx.msk [tilespmem:v4+s2+$0x0], $0xffff  }
0x103: {  	v55 =	vand.u32 $0x3FFF, v9;
	[tilespmem:$0x1FF90] =	vst v39;
	v39 =	vld.idx.msk [tilespmem:v39+s2+$0x0], $0xffff  }
0x104: {  	v56 =	vand.u32 $0x3FFF, v10;
	v40 =	vld.idx.msk [tilespmem:v41+s2+$0x0], $0xffff  }
0x105: {  	v29 =	vand.u32 $0x3FFF, v11;
	[tilespmem:$0x1FF80] =	vst v4;
	v4 =	vld.idx.msk [tilespmem:v38+s2+$0x0], $0xffff  }
0x106: {  	v17 =	vshrl.u32 v26, $0xE;
	v26 =	vand.u32 $0x3FFF, v26;
	[tilespmem:$0x1FFB0] =	vst v43;
	v43 =	vld.idx.msk [tilespmem:v43+s2+$0x0], $0xffff  }
0x107: {  	v44 =	vld.idx.msk [tilespmem:v54+s2+$0x0], $0xffff  }
0x108: {  	v31 =	vshrl.u32 v5, $0xE;
	v5 =	vld.idx.msk [tilespmem:v55+s2+$0x0], $0xffff  }
0x109: {  	v22 =	vshrl.u32 v10, $0xE;
	v10 =	vld.idx.msk [tilespmem:v56+s2+$0x0], $0xffff  }
0x10a: {  	v16 =	vshrl.u32 v11, $0xE;
	[tilespmem:$0x1FFA0] =	vst v41;
	v11 =	vld.idx.msk [tilespmem:v29+s2+$0x0], $0xffff  }
0x10b: {  	v23 =	vshrl.u32 v50, $0xE;
	v28 =	vshrl.u32 v52, $0xE;
	[tilespmem:$0x1FFE0] =	vst v56;
	v56 =	vld.idx.msk [tilespmem:v26+s2+$0x0], $0xffff  }
0x10c: {  	v19 =	vshrl.u32 v27, $0xE;
	v27 =	vand.u32 $0x3FFF, v27;
	v60 =	vand.u32 $0x3FFF, v32;
	[tilespmem:$0x1FFC0] =	vst v54;
	v41 =	vld [tilespmem:s24+$0xFFFFFFC0]  }
0x10d: {  	[tilespmem:$0x1FFD0] =	vst v55;
	v57 =	vshll.u32 v53, $0x10;
	v54 =	vshll.u32 v44, $0x10;
	v55 =	vand.u32 $0xFFFF0000, v44;
	v44 =	vld [tilespmem:s24+$0xFFFFFF90]  }
0x10e: {  	v58 =	vand.u32 $0xFFFF0000, v53;
	v52 =	vshll.u32 v43, $0x10;
	v53 =	vand.u32 $0xFFFF0000, v43;
	v43 =	vld [tilespmem:s24+$0xFFFFFFA0]  }
0x10f: {  	v25 =	vshrl.u32 v51, $0xE;
	v50 =	vshll.u32 v40, $0x10;
	v51 =	vand.u32 $0xFFFF0000, v40;
	v40 =	vld [tilespmem:s24+$0xFFFFFFD0]  }
0x110: {  	v48 =	vshll.u32 v39, $0x10;
	v49 =	vand.u32 $0xFFFF0000, v39;
	v39 =	vld [tilespmem:s24+$0xFFFFFFE0]  }
0x111: {  	v34 =	vmul.f32 v57, v30;
	v57 =	vld.idx.msk [tilespmem:v27+s2+$0x0], $0xffff  }
0x112: {  	v59 =	vmul.f32 v58, v30;
	v58 =	vld.idx.msk [tilespmem:v60+s2+$0x0], $0xffff  }
0x113: {  	[tilespmem:v31+s17+$0x0] =	vst.idx.add.f32.msk $0xffff, v34  }
0x114: {  	v14 =	vshrl.u32 v1, $0xE;
	v13 =	vshrl.u32 v2, $0xE;
	v36 =	vshll.u32 v35, $0x10;
	[tilespmem:v31+s18+$0x0] =	vst.idx.add.f32.msk $0xffff, v59  }
0x115: {  	[tilespmem:$0x1FF60] =	vst v6;
	v46 =	vshll.u32 v62, $0x10;
	v6 =	vshll.u32 v4, $0x10;
	v34 =	vshll.u32 v37, $0x10;
	v61 =	vld.idx.msk [tilespmem:v18+s13+$0x0], $0xffff  }
0x116: {  	[tilespmem:$0x1FF70] =	vst v7;
	v7 =	vand.u32 $0xFFFF0000, v4;
	v34 =	vmul.f32 v34, v41;
	v1 =	vmul.f32 v46, v43;
	v46 =	vld [tilespmem:s24+$0xFFFFFFF0]  }
0x117: {  	v18 =	vshrl.u32 v33, $0xE;
	v33 =	vand.u32 $0xFFFF0000, v62;
	v4 =	vmul.f32 v49, v40;
	v49 =	vld [tilespmem:s24+$0x40]  }
0x118: {  	v21 =	vshrl.u32 v8, $0xE;
	v36 =	vmul.f32 v36, v44;
	v2 =	vmul.f32 v33, v43;
	v33 =	vld [tilespmem:s24+$0x20]  }
0x119: {  	v37 =	vand.u32 $0xFFFF0000, v37;
	[tilespmem:v15+s17+$0x0] =	vst.idx.add.f32.msk $0xffff, v34  }
0x11a: {  	v37 =	vmul.f32 v37, v41;
	[tilespmem:v14+s17+$0x0] =	vst.idx.add.f32.msk $0xffff, v36  }
0x11b: {  	v48 =	vmul.f32 v48, v40;
	[tilespmem:v13+s17+$0x0] =	vst.idx.add.f32.msk $0xffff, v1  }
0x11c: {  	[tilespmem:v15+s18+$0x0] =	vst.idx.add.f32.msk $0xffff, v37  }
0x11d: {  	[tilespmem:v21+s17+$0x0] =	vst.idx.add.f32.msk $0xffff, v48  }
0x11e: {  	v35 =	vand.u32 $0xFFFF0000, v35;
	v36 =	vld [tilespmem:$0x1FF60]  }
0x11f: {  	v35 =	vmul.f32 v35, v44;
	v37 =	vld [tilespmem:$0x1FF70]  }
0x120: {  	[tilespmem:$0x1FF50] =	vst v0;
	v48 =	vld [tilespmem:$0x1FF90]  }
0x121: {  	[tilespmem:v14+s18+$0x0] =	vst.idx.add.f32.msk $0xffff, v35  }
0x122: {  	[tilespmem:v13+s18+$0x0] =	vst.idx.add.f32.msk $0xffff, v2  }
0x123: {  	[tilespmem:v21+s18+$0x0] =	vst.idx.add.f32.msk $0xffff, v4;
	v52 =	vmul.f32 v52, v46  }
0x124: {  	v35 =	vld [tilespmem:$0x1FF50];
	v42 =	vshll.u32 v61, $0x10  }
0x125: {  	v42 =	vmul.f32 v42, v30;
	[tilespmem:v25+s17+$0x0] =	vst.idx.add.f32.msk $0xffff, v52  }
0x126: {  	v52 =	vld [tilespmem:$0x1FFA0]  }
0x127: {  	v20 =	vshrl.u32 v32, $0xE;
	v32 =	vand.u32 $0xFFFF0000, v61;
	v53 =	vmul.f32 v53, v46;
	[tilespmem:v31+s19+$0x0] =	vst.idx.add.f32.msk $0xffff, v42  }
0x128: {  	v30 =	vmul.f32 v32, v30;
	v42 =	vld [tilespmem:s24+$0xFFFFFFB0]  }
0x129: {  	[tilespmem:v25+s18+$0x0] =	vst.idx.add.f32.msk $0xffff, v53  }
0x12a: {  	[tilespmem:v31+s20+$0x0] =	vst.idx.add.f32.msk $0xffff, v30  }
0x12b: {  	v31 =	vmul.f32 v6, v45;
	v6 =	vmul.f32 v50, v39;
	v50 =	vld [tilespmem:s24+$0x30]  }
0x12c: {  	v2 =	vld.idx.msk [tilespmem:v36+s13+$0x0], $0xffff  }
0x12d: {  	[tilespmem:v18+s17+$0x0] =	vst.idx.add.f32.msk $0xffff, v31  }
0x12e: {  	v0 =	vmul.f32 v7, v45;
	[tilespmem:v23+s17+$0x0] =	vst.idx.add.f32.msk $0xffff, v6  }
0x12f: {  	[tilespmem:$0x1FFF0] =	vst v60;
	v51 =	vmul.f32 v51, v39;
	v30 =	vshll.u32 v56, $0x10;
	v1 =	vld.idx.msk [tilespmem:v35+s13+$0x0], $0xffff  }
0x130: {  	v30 =	vmul.f32 v30, v49;
	[tilespmem:v18+s18+$0x0] =	vst.idx.add.f32.msk $0xffff, v0  }
0x131: {  	v47 =	vshll.u32 v63, $0x10;
	[tilespmem:v23+s18+$0x0] =	vst.idx.add.f32.msk $0xffff, v51  }
0x132: {  	v60 =	vand.u32 $0xFFFF0000, v5;
	v59 =	vshll.u32 v5, $0x10;
	v56 =	vand.u32 $0xFFFF0000, v56;
	[tilespmem:v17+s17+$0x0] =	vst.idx.add.f32.msk $0xffff, v30  }
0x133: {  	v32 =	vand.u32 $0xFFFF0000, v63;
	v56 =	vmul.f32 v56, v49;
	v5 =	vmul.f32 v47, v42;
	v47 =	vld [tilespmem:s24+$0x0]  }
0x134: {  	v12 =	vshrl.u32 v3, $0xE;
	v3 =	vmul.f32 v32, v42;
	v32 =	vld [tilespmem:s24+$0x10]  }
0x135: {  	[tilespmem:v17+s18+$0x0] =	vst.idx.add.f32.msk $0xffff, v56  }
0x136: {  	v34 =	vld.idx.msk [tilespmem:v38+s13+$0x0], $0xffff  }
0x137: {  	v38 =	vld [tilespmem:$0x1FF80]  }
0x138: {  	v26 =	vld.idx.msk [tilespmem:v26+s13+$0x0], $0xffff  }
0x139: {  	[tilespmem:v12+s17+$0x0] =	vst.idx.add.f32.msk $0xffff, v5  }
0x13a: {  	v5 =	vld.idx.msk [tilespmem:v48+s13+$0x0], $0xffff  }
0x13b: {  	[tilespmem:v12+s18+$0x0] =	vst.idx.add.f32.msk $0xffff, v3  }
0x13c: {  	v24 =	vshrl.u32 v9, $0xE;
	v3 =	vld.idx.msk [tilespmem:v37+s13+$0x0], $0xffff  }
0x13d: {  	v7 =	vmul.f32 v54, v47;
	v54 =	vld [tilespmem:s24+$0x50]  }
0x13e: {  	v8 =	vmul.f32 v59, v32;
	v59 =	vld [tilespmem:s24+$0x60];
	v51 =	vshll.u32 v34, $0x10  }
0x13f: {  	v61 =	vshll.u32 v10, $0x10;
	v6 =	vmul.f32 v51, v45;
	v51 =	vld [tilespmem:$0x1FFF0]  }
0x140: {  	v63 =	vshll.u32 v11, $0x10;
	v31 =	vmul.f32 v60, v32;
	v60 =	vmul.f32 v61, v33;
	[tilespmem:v28+s17+$0x0] =	vst.idx.add.f32.msk $0xffff, v7  }
0x141: {  	v61 =	vmul.f32 v63, v50;
	[tilespmem:v24+s17+$0x0] =	vst.idx.add.f32.msk $0xffff, v8  }
0x142: {  	[tilespmem:v22+s17+$0x0] =	vst.idx.add.f32.msk $0xffff, v60  }
0x143: {  	[tilespmem:v16+s17+$0x0] =	vst.idx.add.f32.msk $0xffff, v61  }
0x144: {  	v55 =	vmul.f32 v55, v47;
	v7 =	vld.idx.msk [tilespmem:v52+s13+$0x0], $0xffff  }
0x145: {  	v62 =	vand.u32 $0xFFFF0000, v10;
	v60 =	vld [tilespmem:$0x1FFD0]  }
0x146: {  	v11 =	vand.u32 $0xFFFF0000, v11;
	v0 =	vmul.f32 v62, v33;
	[tilespmem:v28+s18+$0x0] =	vst.idx.add.f32.msk $0xffff, v55  }
0x147: {  	v11 =	vmul.f32 v11, v50;
	[tilespmem:v24+s18+$0x0] =	vst.idx.add.f32.msk $0xffff, v31  }
0x148: {  	[tilespmem:v22+s18+$0x0] =	vst.idx.add.f32.msk $0xffff, v0  }
0x149: {  	[tilespmem:v16+s18+$0x0] =	vst.idx.add.f32.msk $0xffff, v11  }
0x14a: {  	v4 =	vld.idx.msk [tilespmem:v38+s13+$0x0], $0xffff  }
0x14b: {  	v53 =	vshll.u32 v1, $0x10;
	v55 =	vld [tilespmem:$0x1FFB0]  }
0x14c: {  	v8 =	vmul.f32 v53, v44;
	[tilespmem:v18+s19+$0x0] =	vst.idx.add.f32.msk $0xffff, v6  }
0x14d: {  	v10 =	vshll.u32 v57, $0x10;
	v1 =	vand.u32 $0xFFFF0000, v1;
	v29 =	vld.idx.msk [tilespmem:v29+s13+$0x0], $0xffff  }
0x14e: {  	v57 =	vand.u32 $0xFFFF0000, v57;
	v1 =	vmul.f32 v1, v44;
	v0 =	vand.u32 $0xFFFF0000, v34;
	[tilespmem:v14+s19+$0x0] =	vst.idx.add.f32.msk $0xffff, v8  }
0x14f: {  	v0 =	vmul.f32 v0, v45;
	v62 =	vmul.f32 v57, v54;
	v57 =	vld [tilespmem:$0x1FFC0]  }
0x150: {  	v9 =	vshll.u32 v58, $0x10;
	v10 =	vmul.f32 v10, v54;
	[tilespmem:v14+s20+$0x0] =	vst.idx.add.f32.msk $0xffff, v1  }
0x151: {  	v9 =	vmul.f32 v9, v59;
	[tilespmem:v18+s20+$0x0] =	vst.idx.add.f32.msk $0xffff, v0  }
0x152: {  	v58 =	vand.u32 $0xFFFF0000, v58;
	[tilespmem:v19+s17+$0x0] =	vst.idx.add.f32.msk $0xffff, v10  }
0x153: {  	v63 =	vmul.f32 v58, v59;
	[tilespmem:v20+s17+$0x0] =	vst.idx.add.f32.msk $0xffff, v9  }
0x154: {  	v58 =	vshll.u32 v3, $0x10;
	[tilespmem:v19+s18+$0x0] =	vst.idx.add.f32.msk $0xffff, v62  }
0x155: {  	v30 =	vmul.f32 v58, v42;
	[tilespmem:v20+s18+$0x0] =	vst.idx.add.f32.msk $0xffff, v63  }
0x156: {  	v62 =	vld [tilespmem:$0x1FFE0]  }
0x157: {  	v56 =	vshll.u32 v2, $0x10;
	[tilespmem:v12+s19+$0x0] =	vst.idx.add.f32.msk $0xffff, v30  }
0x158: {  	v2 =	vand.u32 $0xFFFF0000, v2;
	v3 =	vand.u32 $0xFFFF0000, v3;
	v10 =	vmul.f32 v56, v43;
	v27 =	vld.idx.msk [tilespmem:v27+s13+$0x0], $0xffff  }
0x159: {  	v2 =	vmul.f32 v2, v43;
	v3 =	vmul.f32 v3, v42;
	v43 =	vld.idx.msk [tilespmem:v51+s13+$0x0], $0xffff  }
0x15a: {  	[tilespmem:v13+s19+$0x0] =	vst.idx.add.f32.msk $0xffff, v10  }
0x15b: {  	v37 =	vshll.u32 v7, $0x10;
	[tilespmem:v12+s20+$0x0] =	vst.idx.add.f32.msk $0xffff, v3  }
0x15c: {  	v36 =	vmul.f32 v37, v39;
	v31 =	vld.idx.msk [tilespmem:v60+s13+$0x0], $0xffff  }
0x15d: {  	v61 =	vshll.u32 v4, $0x10;
	[tilespmem:v13+s20+$0x0] =	vst.idx.add.f32.msk $0xffff, v2  }
0x15e: {  	v63 =	vshll.u32 v5, $0x10;
	v52 =	vmul.f32 v61, v41;
	[tilespmem:v23+s19+$0x0] =	vst.idx.add.f32.msk $0xffff, v36  }
0x15f: {  	v7 =	vand.u32 $0xFFFF0000, v7;
	v5 =	vand.u32 $0xFFFF0000, v5;
	v58 =	vmul.f32 v63, v40;
	v9 =	vld.idx.msk [tilespmem:v55+s13+$0x0], $0xffff  }
0x160: {  	v61 =	vmul.f32 v5, v40;
	v40 =	vmul.f32 v7, v39;
	[tilespmem:v15+s19+$0x0] =	vst.idx.add.f32.msk $0xffff, v52  }
0x161: {  	v4 =	vand.u32 $0xFFFF0000, v4;
	[tilespmem:v21+s19+$0x0] =	vst.idx.add.f32.msk $0xffff, v58  }
0x162: {  	v55 =	vmul.f32 v4, v41;
	[tilespmem:v23+s20+$0x0] =	vst.idx.add.f32.msk $0xffff, v40  }
0x163: {  	v60 =	vshll.u32 v29, $0x10;
	v11 =	vld.idx.msk [tilespmem:v57+s13+$0x0], $0xffff  }
0x164: {  	[tilespmem:v15+s20+$0x0] =	vst.idx.add.f32.msk $0xffff, v55;
	v55 =	vmul.f32 v60, v50  }
0x165: {  	[tilespmem:v21+s20+$0x0] =	vst.idx.add.f32.msk $0xffff, v61;
	v37 =	vshll.u32 v27, $0x10  }
0x166: {  	v27 =	vand.u32 $0xFFFF0000, v27;
	v60 =	vmul.f32 v37, v54;
	[tilespmem:v16+s19+$0x0] =	vst.idx.add.f32.msk $0xffff, v55  }
0x167: {  	v61 =	vmul.f32 v27, v54;
	v35 =	vld.idx.msk [tilespmem:v62+s13+$0x0], $0xffff;
	v45 =	vshll.u32 v9, $0x10  }
0x168: {  	v9 =	vand.u32 $0xFFFF0000, v9;
	v45 =	vmul.f32 v45, v46;
	[tilespmem:v19+s19+$0x0] =	vst.idx.add.f32.msk $0xffff, v60  }
0x169: {  	v9 =	vmul.f32 v9, v46;
	v48 =	vshll.u32 v11, $0x10;
	[tilespmem:v19+s20+$0x0] =	vst.idx.add.f32.msk $0xffff, v61  }
0x16a: {  	v53 =	vshll.u32 v31, $0x10;
	v46 =	vmul.f32 v48, v47;
	[tilespmem:v25+s19+$0x0] =	vst.idx.add.f32.msk $0xffff, v45  }
0x16b: {  	v11 =	vand.u32 $0xFFFF0000, v11;
	v48 =	vmul.f32 v53, v32;
	[tilespmem:v25+s20+$0x0] =	vst.idx.add.f32.msk $0xffff, v9  }
0x16c: {  	v31 =	vand.u32 $0xFFFF0000, v31;
	v11 =	vmul.f32 v11, v47;
	[tilespmem:v28+s19+$0x0] =	vst.idx.add.f32.msk $0xffff, v46  }
0x16d: {  	v51 =	vmul.f32 v31, v32;
	v56 =	vshll.u32 v35, $0x10;
	[tilespmem:v24+s19+$0x0] =	vst.idx.add.f32.msk $0xffff, v48  }
0x16e: {  	v29 =	vand.u32 $0xFFFF0000, v29;
	v52 =	vmul.f32 v56, v33;
	[tilespmem:v28+s20+$0x0] =	vst.idx.add.f32.msk $0xffff, v11  }
0x16f: {  	v62 =	vshll.u32 v26, $0x10;
	v57 =	vand.u32 $0xFFFF0000, v35;
	v56 =	vmul.f32 v29, v50;
	[tilespmem:v24+s20+$0x0] =	vst.idx.add.f32.msk $0xffff, v51  }
0x170: {  	s25 =	sadd.s32 $0x10, s25;
	v41 =	vshll.u32 v43, $0x10;
	v53 =	vmul.f32 v57, v33;
	v57 =	vmul.f32 v62, v49;
	[tilespmem:v22+s19+$0x0] =	vst.idx.add.f32.msk $0xffff, v52  }
0x171: {  	p1 =	slt.u32 s25, $0xF0;
	v62 =	vmul.f32 v41, v59;
	[tilespmem:v16+s20+$0x0] =	vst.idx.add.f32.msk $0xffff, v56  }
.Ltmp1:
0x172: {  	v63 =	vand.u32 $0xFFFF0000, v26;
	[tilespmem:v17+s19+$0x0] =	vst.idx.add.f32.msk $0xffff, v57;
	(pc) =	sbr.rel @p1 .LBB2_7-.Ltmp1, $4  }
0x173: {  	v58 =	vmul.f32 v63, v49;
	v44 =	vand.u32 $0xFFFF0000, v43;
	[tilespmem:v20+s19+$0x0] =	vst.idx.add.f32.msk $0xffff, v62  }
0x174: {  	v63 =	vmul.f32 v44, v59;
	[tilespmem:v22+s20+$0x0] =	vst.idx.add.f32.msk $0xffff, v53  }
0x175: {  	[tilespmem:v17+s20+$0x0] =	vst.idx.add.f32.msk $0xffff, v58  }
0x176: {  	s26 =	sadd.s32 $0x100, s26;
	[tilespmem:v20+s20+$0x0] =	vst.idx.add.f32.msk $0xffff, v63  }
0x177: {  	p1 =	seq.s32 s23, $0x28  }
.Ltmp2:
0x178: {  	_ = 	snop;
	(pc) =	sbr.rel @!p1 .LBB2_6-.Ltmp2, $2  }
0x179: {  	_ =	sdelay $0x2  }
0x17a: {  	p0 =	por !p0, !p0  }
0x17b: {  	s23 =	sshll.u32 s22, $0x2  }
0x17c: {  	s23 =	sadd.s32 s6, s23  }
0x17d: {  	s23 =	sshrl.u32 s23, $0x3  }
0x17e: {  	s24 =	sshll.u32 s22, $0x9;
	s23 =	smul.u32 $0x14000, s23  }
0x17f: {  	s24 =	sand.u32 $0x200, s24  }
0x180: {  	s23 =	sor.u32 s24, s23  }
0x181: {  	s23 =	sshrl.u32 s23, $0x3  }
0x182: {  	s23 =	sadd.s32 s5, s23  }
0x183: {  	[hbm4b:s23+s10] =	stream.strided.scatter [tilespmem:s17], [sflag:$0x2], $0x2800, s11, s10, $0x38;
	[tilespmem:$0x13000] =	vst v63  }
0x184: {  	_ =	swait.ge [sflag:s12], $0x2800  }
0x185: {  	[sflag:s12] =	ssyncset.done $0x0  }
0x186: {  	s30 =	sadd.s32 $0x10, s23;
	[sflag:s12] =	ssyncadd.s32 $0xFFFFD800  }
0x187: {  	[hbm4b:s30+s10] =	stream.strided.scatter [tilespmem:s18], [sflag:$0x2], $0x2800, s11, s10, $0x38;
	[tilespmem:$0x13000] =	vst v63  }
0x188: {  	_ =	swait.ge [sflag:s12], $0x2800  }
0x189: {  	[sflag:s12] =	ssyncset.done $0x0  }
0x18a: {  	s31 =	sadd.s32 $0x20, s23;
	[sflag:s12] =	ssyncadd.s32 $0xFFFFD800  }
0x18b: {  	[hbm4b:s31+s10] =	stream.strided.scatter [tilespmem:s19], [sflag:$0x2], $0x2800, s11, s10, $0x38;
	[tilespmem:$0x13000] =	vst v63  }
0x18c: {  	s22 =	sadd.s32 $0x1, s22;
	_ =	swait.ge [sflag:s12], $0x2800  }
0x18d: {  	p0 =	sne.s32 s22, $0x10;
	[sflag:s12] =	ssyncset.done $0x0  }
.Ltmp3:
0x18e: {  	s23 =	sadd.s32 $0x30, s23;
	[sflag:s12] =	ssyncadd.s32 $0xFFFFD800;
	(pc) =	sbr.rel @p0 .LBB2_2-.Ltmp3, $4  }
0x18f: {  	[hbm4b:s23+s10] =	stream.strided.scatter [tilespmem:s20], [sflag:$0x2], $0x2800, s11, s10, $0x38;
	[tilespmem:$0x13000] =	vst v63  }
0x190: {  	_ =	swait.ge [sflag:s12], $0x2800  }
0x191: {  	[sflag:s12] =	ssyncset.done $0x0  }
0x192: {  	v0 =	vimm.f32 $0.0e+00;
	[sflag:s12] =	ssyncadd.s32 $0xFFFFD800  }
0x193: {  	s21 =	sadd.s32 $0x1, s21  }
0x194: {  	p0 =	sne.s32 s21, s9  }
.Ltmp4:
0x195: {  	_ = 	snop;
	(pc) =	sbr.rel @p0 .LBB2_1-.Ltmp4, $1  }
0x196: {  	_ =	sdelay $0x3  }
0x197: {  	_ =	sfence.sel $0x180000  }
0x198: {  	[bflag:$0x0] =	sbarrier.arrive $0xFFFF  }
0x199: {  	p0 =	sne.s32 s1, $0x0;
	_ =	strace $0x9000004A  }
0x19a: {  	s0 =	sadd.s32 @!p0 $0x100000, s0;
	[bflag:$0x2] =	sbarrier.arrive $0xFFFF  }
0x19b: {  	[sflag:s0] =	ssyncadd.tile.s32 @!p0 $0x1;
	_ =	shalt  }
.Lfunc_end2:
_tile_overlayer_lowered:
.L_overlay_start_2:
0x19c: {  	(tag) =	ssettag $0x2  }
0x19d: {  	s0 =	rddreg [dreg:$0x0];
	s2 =	stileid.u32  }
0x19e: {  	s1 =	rddreg [dreg:$0x1];
	p0 =	sne.s32 s2, $0x0  }
0x19f: {  	s3 =	rddreg [dreg:$0x2];
	[bflag:$0x3] =	sbarrier.arrive $0xFFFF;
	s2 =	simm.s32 @!p0 $0x1C02  }
0x1a0: {  	[timem:s3], [sflag:s2] =	dma.local @!p0 [hbm:s0], s1  }
0x1a1: {  	s0 =	simm.s32 @!p0 $0x2  }
0x1a2: {  	_ =	swait.ge @!p0 [sflag:s0], s1  }
0x1a3: {  	s1 =	ssub.s32 @!p0 $0x0, s1;
	[sflag:s0] =	ssyncset.done @!p0 $0x0  }
0x1a4: {  	[sflag:s0] =	ssyncadd.s32 @!p0 s1  }
0x1a5: {  	[bflag:$0x3] =	sbarrier.arrive $0xFFFF  }
0x1a6: {  	_ =	shalt  }

// kernel: kernel.15.cloned.1.call-start
scs
__scs_entry_jumppad:
0x0: {  	(pc) =	sbr.rel $0x88, $3  }
0x1: {  	(tag) =	ssettag $0x0;
	lr =	simm.s32 $0x1  }
0x2: {  	[smem:$0x3F97] =	sst lr;
	_ =	strace $0xD0000000  }
0x3: {  	_ = 	snop  }
0x4: {  	_ = 	snop  }
0x5: {  	_ = 	snop  }
0x6: {  	_ = 	snop  }
0x7: {  	_ = 	snop  }
__scs_overlays_trampoline_lowered:
0x8: {  	[smem:$0x3FA6] =	sst s0  }
0x9: {  	[smem:$0x3FA7] =	sst s1  }
0xa: {  	[smem:$0x3FA8] =	sst s2  }
0xb: {  	[smem:$0x3FA9] =	sst s3  }
0xc: {  	[smem:$0x3FAA] =	sst s4  }
0xd: {  	[smem:$0x3FAB] =	sst s5  }
0xe: {  	[smem:$0x3FAC] =	sst s6  }
0xf: {  	[smem:$0x3FAD] =	sst s7  }
0x10: {  	[smem:$0x3FAE] =	sst s8  }
0x11: {  	[smem:$0x3FAF] =	sst s9;
	s0 =	simm.s32 @!p0 $0x0  }
0x12: {  	s1 =	sld [smem:$0x3F95];
	s0 =	simm.s32 @p0 $0x1  }
0x13: {  	[smem:$0x3FB0] =	sst s0;
	s0 =	simm.s32 @!p1 $0x0  }
0x14: {  	s2 =	sld [smem:$0x3F94];
	s0 =	simm.s32 @p1 $0x1  }
0x15: {  	[smem:$0x3FB1] =	sst s0;
	s0 =	simm.s32 @!p2 $0x0  }
0x16: {  	s3 =	sld [smem:$0x3FDB];
	s0 =	simm.s32 @p2 $0x1  }
0x17: {  	s4 =	simm.s32 $0x1BF5;
	[smem:$0x3FB3] =	sst s0  }
0x18: {  	s0 =	sld [smem:$0x3F96];
	_ =	swait.ge [sflag:s4], $0x0  }
0x19: {  	s7 =	sld [smem:$0x3F97]  }
0x1a: {  	s8 =	sadd.s32 $0xFFFFE003, lr  }
0x1b: {  	s9 =	sadd.s32 $0xFFFFFEF7, lr;
	s5 =	simm.s32 $0xFFFFFFFF;
	p2 =	slt.u32 s8, $0xFFFFF086  }
0x1c: {  	p1 =	slt.u32 s9, $0xF7A;
	s5 =	simm.s32 @!p2 $0x0  }
0x1d: {  	s5 =	simm.s32 @p1 $0x1;
	p0 =	seq.s32 s7, s2  }
0x1e: {  	s7 =	smul.u32 @!p0 $0xF7A, s2;
	p2 =	seq.s32 @!p0 s5, $0x0  }
0x1f: {  	s9 =	smul.u32 $0xF7A, s1;
	s8 =	simm.s32 @!p0 $0x1BF5;
	p2 =	por !p2, p0  }
0x20: {  	[sflag:s8] =	ssyncset.s32 @!p0 $0xFFFFF086;
	s6 =	sadd.s32 @!p0 s3, s7;
	s7 =	simm.s32 @!p0 $0x108  }
0x21: {  	s3 =	sadd.s32 s3, s9;
	s6 =	sadd.s32 @!p0 $0x88, s6;
	s7 =	simm.s32 @p2 $0x1082  }
0x22: {  	[simem:s7], [sflag:s8] =	dma.local @!p0 [hbm:s6], $0xF7A  }
0x23: {  	s9 =	sor.u32 $0xD0000000, s2;
	s6 =	simm.s32 $0x108;
	_ =	swait.ge @!p0 [sflag:s8], $0x0  }
0x24: {  	s3 =	sadd.s32 $0x88, s3;
	s6 =	simm.s32 @!p1 $0x1082;
	[sflag:s4] =	ssyncset.s32 $0xFFFFF086  }
0x25: {  	[simem:s6], [sflag:s4] =	dma.local [hbm:s3], $0xF7A  }
0x26: {  	[smem:$0x3F97] =	sst s1;
	(tag) =	ssettag s2;
	_ =	strace s9  }
0x27: {  	s1 =	sld [smem:$0x3FA7]  }
0x28: {  	s2 =	sld [smem:$0x3FA8]  }
0x29: {  	s4 =	sld [smem:$0x3FAA]  }
0x2a: {  	p0 =	seq.s32 s5, $0x0;
	s5 =	sld [smem:$0x3FAB]  }
0x2b: {  	s6 =	sld [smem:$0x3FAC]  }
0x2c: {  	s7 =	sld [smem:$0x3FAD]  }
0x2d: {  	s3 =	simm.s32 $0x108;
	s8 =	sld [smem:$0x3FAE]  }
0x2e: {  	s3 =	simm.s32 @!p0 $0x1082;
	s9 =	sld [smem:$0x3FAF]  }
0x2f: {  	lr =	sadd.s32 s0, s3;
	s0 =	sld [smem:$0x3FA6]  }
0x30: {  	s3 =	sld [smem:$0x3FA9]  }
0x31: {  	[smem:$0x3FB2] =	sst s10  }
0x32: {  	s10 =	sld [smem:$0x3FB0];
	_ =	sdelay $0x3  }
0x33: {  	p0 =	seq.s32 s10, $0x1;
	s10 =	sld [smem:$0x3FB2];
	_ =	sdelay $0x3  }
0x34: {  	[smem:$0x3FB2] =	sst s10  }
0x35: {  	s10 =	sld [smem:$0x3FB1];
	_ =	sdelay $0x3  }
0x36: {  	p1 =	seq.s32 s10, $0x1;
	s10 =	sld [smem:$0x3FB2];
	_ =	sdelay $0x3  }
0x37: {  	[smem:$0x3FB2] =	sst s10  }
0x38: {  	s10 =	sld [smem:$0x3FB3]  }
0x39: {  	_ = 	snop;
	(pc) =	sbr.ind lr, $3  }
0x3a: {  	_ = 	snop  }
0x3b: {  	_ = 	snop  }
0x3c: {  	p2 =	seq.s32 s10, $0x1;
	s10 =	sld [smem:$0x3FB2]  }
0x3d: {  	_ =	shalt  }
0x3e: {  	_ =	shalt  }
0x3f: {  	_ =	shalt  }
0x40: {  	_ =	shalt  }
0x41: {  	_ =	shalt  }
0x42: {  	_ =	shalt  }
0x43: {  	_ =	shalt  }
0x44: {  	_ =	shalt  }
0x45: {  	_ =	shalt  }
0x46: {  	_ =	shalt  }
0x47: {  	_ =	shalt  }
0x48: {  	_ =	shalt  }
0x49: {  	_ =	shalt  }
0x4a: {  	_ =	shalt  }
0x4b: {  	_ =	shalt  }
0x4c: {  	_ =	shalt  }
0x4d: {  	_ =	shalt  }
0x4e: {  	_ =	shalt  }
0x4f: {  	_ =	shalt  }
0x50: {  	_ =	shalt  }
0x51: {  	_ =	shalt  }
0x52: {  	_ =	shalt  }
0x53: {  	_ =	shalt  }
0x54: {  	_ =	shalt  }
0x55: {  	_ =	shalt  }
0x56: {  	_ =	shalt  }
0x57: {  	_ =	shalt  }
0x58: {  	_ =	shalt  }
0x59: {  	_ =	shalt  }
0x5a: {  	_ =	shalt  }
0x5b: {  	_ =	shalt  }
0x5c: {  	_ =	shalt  }
0x5d: {  	_ =	shalt  }
0x5e: {  	_ =	shalt  }
0x5f: {  	_ =	shalt  }
0x60: {  	_ =	shalt  }
0x61: {  	_ =	shalt  }
0x62: {  	_ =	shalt  }
0x63: {  	_ =	shalt  }
0x64: {  	_ =	shalt  }
0x65: {  	_ =	shalt  }
0x66: {  	_ =	shalt  }
0x67: {  	_ =	shalt  }
0x68: {  	_ =	shalt  }
0x69: {  	_ =	shalt  }
0x6a: {  	_ =	shalt  }
0x6b: {  	_ =	shalt  }
0x6c: {  	_ =	shalt  }
0x6d: {  	_ =	shalt  }
0x6e: {  	_ =	shalt  }
0x6f: {  	_ =	shalt  }
0x70: {  	_ =	shalt  }
0x71: {  	_ =	shalt  }
0x72: {  	_ =	shalt  }
0x73: {  	_ =	shalt  }
0x74: {  	_ =	shalt  }
0x75: {  	_ =	shalt  }
0x76: {  	_ =	shalt  }
0x77: {  	_ =	shalt  }
0x78: {  	_ =	shalt  }
0x79: {  	_ =	shalt  }
0x7a: {  	_ =	shalt  }
0x7b: {  	_ =	shalt  }
0x7c: {  	_ =	shalt  }
0x7d: {  	_ =	shalt  }
0x7e: {  	_ =	shalt  }
0x7f: {  	_ =	shalt  }
0x80: {  	_ =	shalt  }
0x81: {  	_ =	shalt  }
0x82: {  	_ =	shalt  }
0x83: {  	_ =	shalt  }
0x84: {  	_ =	shalt  }
0x85: {  	_ =	shalt  }
0x86: {  	_ =	shalt  }
0x87: {  	_ =	shalt  }
.Lfunc_end0:
.L_simem_size_0:
called_computation.2_lowered:
.L_overlay_start_0:
0x88: {  	s2 =	sld [smem:$0x3FD9]  }
0x89: {  	s3 =	sld [smem:$0x3FFE];
	_ =	sdelay $0x1  }
0x8a: {  	s1 =	srdreg.scid  }
0x8b: {  	s0 =	sand.u32 $0x1, s1  }
0x8c: {  	s17 =	sshll.u32 s0, $0xA;
	s2 =	sadd.s32 s3, s2  }
0x8d: {  	s2 =	sadd.s32 s2, s17  }
0x8e: {  	[smem:$0x3FBE] =	sst s2  }
0x8f: {  	_ = 	snop  }
0x90: {  	s2 =	sld [smem:$0x3FD0];
	(tm) =	ssettm $0x1  }
0x91: {  	s18 =	sld [smem:$0x3FFB];
	_ =	sdelay $0x3  }
0x92: {  	_ =	strace s18  }
0x93: {  	s3 =	sld [smem:$0x3FFC];
	_ =	sdelay $0x3  }
0x94: {  	_ =	strace s3  }
0x95: {  	s3 =	sld [smem:$0x3FFD];
	_ =	sdelay $0x3  }
0x96: {  	_ =	strace s3  }
0x97: {  	_ =	strace $0x8FFFFFFF  }
0x98: {  	s19 =	sld [smem:$0x3FDB];
	_ =	sdelay $0x1  }
0x99: {  	s4 =	simm.s32 $_scs_section_size  }
0x9a: {  	s5 =	simm.s32 $_size__tile_overlayer_lowered;
	s6 =	simm.s32 $_tile_overlayer_lowered  }
0x9b: {  	s22 =	simm.s32 $0x1BFF;
	s21 =	sshll.u32 s6, $0x1;
	s3 =	sadd.s32 s4, s19  }
0x9c: {  	s7 =	simm.s32 $0x0;
	s20 =	sshll.u32 s5, $0x1;
	s5 =	sadd.s32 s21, s3  }
0x9d: {  	[timem:s7], [sflag:s22] =	dma.local [hbm:s5], s20  }
0x9e: {  	_ =	swait.ge [sflag:s22], s20  }
0x9f: {  	s4 =	ssub.s32 $0x0, s20;
	[sflag:s22] =	ssyncset.done $0x0  }
0xa0: {  	[sflag:s22] =	ssyncadd.s32 s4;
	_ =	sdelay $0x1  }
0xa1: {  	s23 =	simm.s32 $0x1B8B  }
0xa2: {  	_ =	swait.ge [sflag:s23], $0x1  }
0xa3: {  	[sflag:s23] =	ssyncset.done $0x0  }
0xa4: {  	s25 =	simm.s32 $0x1B8E;
	s24 =	sld [smem:$0x3FFE];
	[sflag:s23] =	ssyncadd.s32 $0xFFFFFFFF  }
0xa5: {  	s26 =	simm.s32 $execute0_lowered;
	[smem:$0x3FD2] =	sst s25  }
0xa6: {  	s5 =	sshll.u32 s26, $0x1;
	_ =	strace $0x8000004C;
	[dreg:$0x1] =	wrdreg $0xFFFFFFFF  }
0xa7: {  	s28 =	simm.s32 $_size_execute0_lowered;
	s3 =	sadd.s32 s3, s5;
	[dreg:$0x0] =	wrdreg $0x0  }
0xa8: {  	s5 =	sshll.u32 s28, $0x1;
	[dreg:$0x2] =	wrdreg s3  }
0xa9: {  	[dreg:$0x3] =	wrdreg s5  }
0xaa: {  	[dreg:$0x4] =	wrdreg $0xC0  }
0xab: {  	_ =	task [dreg:s7], $0x5FFFF  }
0xac: {  	[dreg:$0x1] =	wrdreg $0xFFFFFFFF  }
0xad: {  	[dreg:$0x0] =	wrdreg $0x60  }
0xae: {  	[dreg:$0x2] =	wrdreg s24  }
0xaf: {  	[dreg:$0x3] =	wrdreg s2  }
0xb0: {  	[dreg:$0x4] =	wrdreg $0x9  }
0xb1: {  	_ =	task.clear_ibuf [dreg:s7], $0x5FFFF;
	_ =	strace $0x9000004C  }
0xb2: {  	s29 =	simm.s32 $0x9;
	_ =	strace $0x8000004E  }
0xb3: {  	_ =	swait.ge [sflag:s29], $0x1  }
0xb4: {  	[sflag:s29] =	ssyncadd.s32 $0xFFFFFFFF  }
0xb5: {  	_ =	strace $0x9000004E  }
0xb6: {  	_ =	sfence  }
0xb7: {  	s30 =	sld [smem:$0x0];
	_ =	sdelay $0x2  }
0xb8: {  	s31 =	sshll.u32 s1, $0xD;
	s1 =	sshrl.u32 s1, $0x2  }
0xb9: {  	s3 =	sand.u32 $0x4000, s31;
	s1 =	sadd.s32 s1, s30  }
0xba: {  	s0 =	sor.u32 s3, s0;
	s1 =	sshll.u32 s1, $0x11  }
0xbb: {  	s0 =	sor.u32 s1, s0  }
0xbc: {  	s0 =	sadd.s32 $0x8F2B, s0  }
0xbd: {  	[sflag:s0] =	ssyncadd.remote.s32 $0x1  }
0xbe: {  	_ =	sfence.sel $0xFFFF  }
0xbf: {  	[dreg:$0x0] =	wrdreg $0xFFFFFFFF;
	(pc) =	sbr.abs _section_cstart, $3  }
0xc0: {  	[dreg:$0x1] =	wrdreg $0xFFFFFFFF  }
0xc1: {  	_ =	task.clear_ibuf [dreg:s7], $0x2FFFF;
	_ =	strace $0x9FFFFFFF  }
0xc2: {  	(tm) =	ssettm $0x7FFFFFFF  }
0xc3: {  	_ =	shalt  }
tec
execute0_lowered:
.L_overlay_start_1:
0x0: {  	(tag) =	ssettag $0x1  }
0x1: {  	s1 =	srdreg.scid;
	s0 =	stileid.u32  }
0x2: {  	s7 =	sand.u32 $0x1, s1;
	s4 =	sshll.u32 s0, $0x1  }
0x3: {  	s12 =	sor.u32 s7, s4  }
0x4: {  	p0 =	sgt.u32 s12, $0x18  }
.Ltmp0:
0x5: {  	_ = 	snop;
	(pc) =	sbr.rel @p0 .LBB2_9-.Ltmp0, $4  }
0x6: {  	s5 =	rddreg [dreg:$0x0]  }
0x7: {  	s2 =	rddreg [dreg:$0x1];
	s3 =	simm.s32 $0x0  }
0x8: {  	[smem:$0x7FF] =	sst s3  }
0x9: {  	s1 =	rddreg [dreg:$0x2];
	_ =	strace $0x8000004D  }
0xa: {  	s4 =	sshrl.u32 s0, $0x1;
	s8 =	sshll.u32 s12, $0x8;
	s9 =	sadd.s32 $0x8600, s5  }
0xb: {  	s10 =	sadd.s32 $0x17600, s5;
	s13 =	ssub.s32 $0x2, s7;
	p0 =	seq.s32 s12, $0x18  }
0xc: {  	s12 =	simm.s32 $0x80;
	s16 =	simm.s32 $0x11800;
	s6 =	smul.u32 $0x14000, s4  }
0xd: {  	s17 =	simm.s32 $0x0;
	s4 =	sadd.s32 $0x3600, s5;
	s8 =	sand.u32 $0x300, s8  }
0xe: {  	s5 =	sadd.s32 $0x26600, s5;
	s15 =	sshrl.u32 s13, $0x1;
	s8 =	sor.u32 s6, s8  }
0xf: {  	s31 =	ssub.s32 s13, s15;
	s13 =	simm.s32 $0x100;
	s11 =	sshrl.u32 s8, $0x3  }
0x10: {  	s15 =	simm.s32 $0x2800;
	s6 =	sadd.s32 $0x10, s2;
	s14 =	sor.u32 $0x10, s11  }
0x11: {  	s7 =	sadd.s32 s9, s11;
	s8 =	sadd.s32 s9, s14;
	s9 =	sadd.s32 s10, s11  }
0x12: {  	v0 =	vimm.f32 $0.0e+00;
	s10 =	sadd.s32 s10, s14;
	s11 =	smax.u32 s31, $0x1;
	s14 =	simm.s32 $0x1  }
.LBB2_2:
0x13: {  	[tilespmem:s3], [sflag:$0x1] =	stream.strided.gather [hbm4b:s2+s12], $0x2800, s13, s12, $0x38;
	[tilespmem:$0x12800] =	vst v63  }
0x14: {  	_ =	swait.ge [sflag:s14], $0x2800  }
0x15: {  	[sflag:s14] =	ssyncset.done $0x0  }
0x16: {  	[sflag:s14] =	ssyncadd.s32 $0xFFFFD800  }
0x17: {  	[tilespmem:s15], [sflag:$0x1] =	stream.strided.gather [hbm4b:s6+s12], $0x2800, s13, s12, $0x38;
	[tilespmem:$0x12800] =	vst v63  }
0x18: {  	_ =	swait.ge [sflag:s14], $0x2800  }
0x19: {  	s18 =	simm.s32 @!p0 $0x80;
	[sflag:s14] =	ssyncset.done $0x0  }
0x1a: {  	s19 =	simm.s32 @!p0 $0x400;
	s20 =	simm.s32 @!p0 $0x5000;
	[sflag:s14] =	ssyncadd.s32 $0xFFFFD800  }
0x1b: {  	[tilespmem:s20], [sflag:$0x1] =	stream.strided.gather @!p0 [hbm4b:s7+s18], $0x2800, s19, s18, $0x38;
	[tilespmem:$0x12800] =	vst v63  }
0x1c: {  	s20 =	simm.s32 @!p0 $0x1  }
0x1d: {  	_ =	swait.ge @!p0 [sflag:s20], $0x2800  }
0x1e: {  	[sflag:s20] =	ssyncset.done @!p0 $0x0  }
0x1f: {  	s21 =	simm.s32 @!p0 $0x7800;
	[sflag:s20] =	ssyncadd.s32 @!p0 $0xFFFFD800  }
0x20: {  	[tilespmem:s21], [sflag:$0x1] =	stream.strided.gather @!p0 [hbm4b:s8+s18], $0x2800, s19, s18, $0x38;
	[tilespmem:$0x12800] =	vst v63  }
0x21: {  	_ =	swait.ge @!p0 [sflag:s20], $0x2800  }
0x22: {  	[sflag:s20] =	ssyncset.done @!p0 $0x0  }
0x23: {  	s19 =	simm.s32 $0xA040;
	[sflag:s20] =	ssyncadd.s32 @!p0 $0xFFFFD800  }
0x24: {  	[tilespmem:s19+$0xFFFFFFD0] =	vst v0  }
0x25: {  	[tilespmem:s19+$0x0] =	vst v0  }
0x26: {  	[tilespmem:s19+$0xFFFFFFC0] =	vst v0  }
0x27: {  	[tilespmem:s19+$0x30] =	vst v0  }
0x28: {  	[tilespmem:s19+$0xFFFFFFF0] =	vst v0  }
0x29: {  	[tilespmem:s19+$0xFFFFFFE0] =	vst v0  }
0x2a: {  	[tilespmem:s19+$0x10] =	vst v0  }
0x2b: {  	s21 =	simm.s32 $0xC840;
	[tilespmem:s19+$0x20] =	vst v0  }
0x2c: {  	[tilespmem:s21+$0xFFFFFFC0] =	vst v0  }
0x2d: {  	[tilespmem:s21+$0x30] =	vst v0  }
0x2e: {  	[tilespmem:s21+$0x0] =	vst v0  }
0x2f: {  	[tilespmem:s21+$0x20] =	vst v0  }
0x30: {  	[tilespmem:s21+$0x10] =	vst v0  }
0x31: {  	[tilespmem:s21+$0xFFFFFFD0] =	vst v0  }
0x32: {  	[tilespmem:s21+$0xFFFFFFE0] =	vst v0  }
0x33: {  	s20 =	simm.s32 $0xF040;
	[tilespmem:s21+$0xFFFFFFF0] =	vst v0  }
0x34: {  	[tilespmem:s20+$0xFFFFFFC0] =	vst v0  }
0x35: {  	[tilespmem:s20+$0x30] =	vst v0  }
0x36: {  	[tilespmem:s20+$0x20] =	vst v0  }
0x37: {  	[tilespmem:s20+$0x10] =	vst v0  }
0x38: {  	s22 =	simm.s32 $0x0;
	s23 =	simm.s32 $0xF0C0;
	[tilespmem:s20+$0xFFFFFFD0] =	vst v0  }
.LBB2_3:
0x39: {  	s22 =	sadd.s32 $0x8, s22;
	[tilespmem:s20+$0xFFFFFFE0] =	vst v0;
	s19 =	sadd.s32 $0x80, s19;
	s21 =	sadd.s32 $0x80, s21  }
0x3a: {  	p1 =	slt.u32 s22, $0x278;
	[tilespmem:s20+$0x0] =	vst v0  }
0x3b: {  	[tilespmem:s20+$0xFFFFFFF0] =	vst v0;
	s20 =	smov.u32 s23  }
0x3c: {  	[tilespmem:s19+$0xFFFFFFD0] =	vst v0  }
0x3d: {  	[tilespmem:s19+$0x0] =	vst v0  }
0x3e: {  	[tilespmem:s19+$0xFFFFFFC0] =	vst v0  }
0x3f: {  	[tilespmem:s21+$0xFFFFFFC0] =	vst v0  }
0x40: {  	[tilespmem:s23+$0xFFFFFFC0] =	vst v0  }
0x41: {  	[tilespmem:s19+$0x30] =	vst v0  }
0x42: {  	[tilespmem:s21+$0x30] =	vst v0  }
0x43: {  	[tilespmem:s23+$0x30] =	vst v0  }
0x44: {  	[tilespmem:s21+$0x0] =	vst v0  }
0x45: {  	[tilespmem:s19+$0xFFFFFFF0] =	vst v0  }
0x46: {  	[tilespmem:s19+$0xFFFFFFE0] =	vst v0  }
0x47: {  	[tilespmem:s19+$0x10] =	vst v0  }
0x48: {  	[tilespmem:s19+$0x20] =	vst v0  }
0x49: {  	[tilespmem:s21+$0x20] =	vst v0  }
0x4a: {  	[tilespmem:s23+$0x20] =	vst v0  }
0x4b: {  	[tilespmem:s21+$0x10] =	vst v0  }
.Ltmp1:
0x4c: {  	[tilespmem:s23+$0x10] =	vst v0;
	(pc) =	sbr.rel @p1 .LBB2_3-.Ltmp1, $4  }
0x4d: {  	[tilespmem:s21+$0xFFFFFFD0] =	vst v0  }
0x4e: {  	[tilespmem:s21+$0xFFFFFFE0] =	vst v0  }
0x4f: {  	[tilespmem:s23+$0xFFFFFFD0] =	vst v0  }
0x50: {  	s18 =	simm.s32 $0x0;
	s23 =	sadd.s32 $0x80, s23;
	[tilespmem:s21+$0xFFFFFFF0] =	vst v0  }
0x51: {  	[tilespmem:s20+$0xFFFFFFE0] =	vst v0  }
0x52: {  	[tilespmem:s20+$0x0] =	vst v0  }
0x53: {  	[tilespmem:s20+$0xFFFFFFF0] =	vst v0  }
.LBB2_5:
0x54: {  	s19 =	sshll.u32 s18, $0x9  }
0x55: {  	s19 =	sadd.s32 s4, s19  }
0x56: {  	[tilespmem:s16], [sflag:$0x1] =	stream.linear.gather [hbm4b:s19+s3], $0x1000, $0x38;
	[tilespmem:$0x12800] =	vst v63  }
0x57: {  	_ =	swait.ge [sflag:s14], $0x1000  }
0x58: {  	[sflag:s14] =	ssyncset.done $0x0  }
0x59: {  	s31 =	simm.s32 $0x11840;
	[sflag:s14] =	ssyncadd.s32 $0xFFFFF000  }
0x5a: {  	v1 =	vld [tilespmem:s31+$0x30];
	_ =	sdelay $0x1  }
0x5b: {  	v2 =	vld [tilespmem:s31+$0xFFFFFFD0];
	_ =	sdelay $0x1  }
0x5c: {  	v3 =	vld [tilespmem:s31+$0xFFFFFFE0]  }
0x5d: {  	v5 =	vld [tilespmem:s31+$0xFFFFFFF0];
	v6 =	vand.u32 $0x3FFF, v1  }
0x5e: {  	v7 =	vld [tilespmem:s31+$0x0];
	v8 =	vshrl.u32 v1, $0xE  }
0x5f: {  	v9 =	vand.u32 $0x3FFF, v2;
	v1 =	vld [tilespmem:s31+$0xFFFFFFC0]  }
0x60: {  	v10 =	vld [tilespmem:s31+$0x10];
	v17 =	vshrl.u32 v2, $0xE  }
0x61: {  	v11 =	vld [tilespmem:s31+$0x20];
	v4 =	vand.u32 $0x3FFF, v3  }
0x62: {  	v16 =	vshrl.u32 v3, $0xE;
	v2 =	vld.idx.msk [tilespmem:v6+s3+$0x0], $0xffff  }
0x63: {  	v12 =	vand.u32 $0x3FFF, v5;
	v3 =	vld.idx.msk [tilespmem:v8+s15+$0x0], $0xffff  }
0x64: {  	v13 =	vand.u32 $0x3FFF, v1;
	v14 =	vld.idx.msk [tilespmem:v9+s3+$0x0], $0xffff  }
0x65: {  	v19 =	vshrl.u32 v1, $0xE;
	v20 =	vld.idx.msk [tilespmem:v17+s15+$0x0], $0xffff  }
0x66: {  	v18 =	vshrl.u32 v5, $0xE;
	v5 =	vld.idx.msk [tilespmem:v4+s3+$0x0], $0xffff  }
0x67: {  	v21 =	vand.u32 $0x3FFF, v7;
	v23 =	vld.idx.msk [tilespmem:v16+s15+$0x0], $0xffff  }
0x68: {  	v15 =	vshrl.u32 v7, $0xE;
	v7 =	vld.idx.msk [tilespmem:v12+s3+$0x0], $0xffff;
	v3 =	vadd.f32 v3, v2  }
0x69: {  	v22 =	vand.u32 $0x3FFF, v10;
	v25 =	vld.idx.msk [tilespmem:v13+s3+$0x0], $0xffff  }
0x6a: {  	v2 =	vshrl.u32 v10, $0xE;
	v10 =	vld.idx.msk [tilespmem:v19+s15+$0x0], $0xffff;
	v27 =	vmul.f32 $2.000000030e-01, v3  }
0x6b: {  	v24 =	vand.u32 $0x3FFF, v11;
	v26 =	vld.idx.msk [tilespmem:v18+s15+$0x0], $0xffff;
	v1 =	vshrl.u32 v11, $0xE;
	v11 =	vadd.f32 v20, v14  }
0x6c: {  	v14 =	vld.idx.msk [tilespmem:v21+s3+$0x0], $0xffff;
	v5 =	vadd.f32 v23, v5;
	v3 =	vmax.f32 v3, v27  }
0x6d: {  	v20 =	vld.idx.msk [tilespmem:v15+s15+$0x0], $0xffff;
	v23 =	vmul.f32 $2.000000030e-01, v11;
	v3 =	vmul.f32 $1.442695020e+00, v3  }
0x6e: {  	v28 =	vmul.f32 $2.000000030e-01, v5;
	v27 =	vld.idx.msk [tilespmem:v22+s3+$0x0], $0xffff  }
0x6f: {  	v11 =	vmax.f32 v11, v23;
	v29 =	vld.idx.msk [tilespmem:v2+s15+$0x0], $0xffff;
	v10 =	vadd.f32 v10, v25;
	(erf) = vpow2.f32 v3  }
0x70: {  	v5 =	vmax.f32 v5, v28;
	v3 =	vmul.f32 $1.442695020e+00, v11  }
0x71: {  	v5 =	vmul.f32 $1.442695020e+00, v5;
	v25 =	vmul.f32 $2.000000030e-01, v10  }
0x72: {  	v7 =	vadd.f32 v26, v7;
	v23 =	vld.idx.msk [tilespmem:v24+s3+$0x0], $0xffff;
	(erf) = vpow2.f32 v3  }
0x73: {  	v11 =	vld.idx.msk [tilespmem:v1+s15+$0x0], $0xffff;
	v3 =	vadd.f32 v20, v14;
	v10 =	vmax.f32 v10, v25;
	(erf) = vpow2.f32 v5  }
0x74: {  	v5 =	vmul.f32 $2.000000030e-01, v7;
	v14 =	vadd.f32 v29, v27;
	v10 =	vmul.f32 $1.442695020e+00, v10  }
0x75: {  	v20 =	vmul.f32 $2.000000030e-01, v3  }
0x76: {  	v5 =	vmax.f32 v7, v5;
	v7 =	vmul.f32 $2.000000030e-01, v14;
	(erf) = vpow2.f32 v10  }
0x77: {  	v5 =	vmul.f32 $1.442695020e+00, v5;
	v3 =	vmax.f32 v3, v20  }
0x78: {  	s19 =	simm.s32 @p0 $0xF000;
	v11 =	vadd.f32 v11, v23;
	v3 =	vmul.f32 $1.442695020e+00, v3;
	v7 =	vmax.f32 v14, v7;
	v14 =	vpop (erf)  }
0x79: {  	s20 =	simm.s32 @!p0 $0x5000;
	(erf) = vpow2.f32 v5;
	[tilespmem:v8+s19+$0x0] =	vst.idx.add.f32.msk @p0 $0xffff, v14  }
0x7a: {  	s24 =	simm.s32 $0x118C0;
	v10 =	vmul.f32 $2.000000030e-01, v11;
	(erf) = vpow2.f32 v3;
	v3 =	vld.idx.msk @!p0 [tilespmem:v6+s20+$0x0], $0xffff  }
0x7b: {  	v35 =	vld [tilespmem:s24+$0x20];
	v5 =	vmul.f32 $1.442695020e+00, v7;
	v26 =	vpop (erf)  }
0x7c: {  	v7 =	vmax.f32 v11, v10;
	[tilespmem:v17+s19+$0x0] =	vst.idx.add.f32.msk @p0 $0xffff, v26;
	v28 =	vpop (erf)  }
0x7d: {  	v7 =	vmul.f32 $1.442695020e+00, v7;
	(erf) = vpow2.f32 v5;
	[tilespmem:v16+s19+$0x0] =	vst.idx.add.f32.msk @p0 $0xffff, v28  }
0x7e: {  	v5 =	vld.idx.msk @!p0 [tilespmem:v9+s20+$0x0], $0xffff  }
0x7f: {  	(erf) = vpow2.f32 v7;
	v7 =	vld.idx.msk @!p0 [tilespmem:v4+s20+$0x0], $0xffff;
	v29 =	vpop (erf);
	v3 =	vmul.f32 @!p0 v3, v14  }
0x80: {  	s23 =	simm.s32 @!p0 $0xA000;
	[tilespmem:v19+s19+$0x0] =	vst.idx.add.f32.msk @p0 $0xffff, v29  }
0x81: {  	s22 =	simm.s32 @!p0 $0x7800;
	[tilespmem:v8+s23+$0x0] =	vst.idx.add.f32.msk @!p0 $0xffff, v3  }
0x82: {  	v30 =	vpop (erf);
	v3 =	vld.idx.msk @!p0 [tilespmem:v6+s22+$0x0], $0xffff  }
0x83: {  	[tilespmem:v18+s19+$0x0] =	vst.idx.add.f32.msk @p0 $0xffff, v30  }
0x84: {  	v25 =	vpop (erf);
	v6 =	vld.idx.msk @!p0 [tilespmem:v13+s20+$0x0], $0xffff  }
0x85: {  	[tilespmem:v15+s19+$0x0] =	vst.idx.add.f32.msk @p0 $0xffff, v25  }
0x86: {  	v20 =	vpop (erf);
	v10 =	vld.idx.msk @!p0 [tilespmem:v12+s20+$0x0], $0xffff  }
0x87: {  	v7 =	vmul.f32 @!p0 v7, v28;
	[tilespmem:v2+s19+$0x0] =	vst.idx.add.f32.msk @p0 $0xffff, v20  }
0x88: {  	v11 =	vld.idx.msk @!p0 [tilespmem:v21+s20+$0x0], $0xffff  }
0x89: {  	[tilespmem:v16+s23+$0x0] =	vst.idx.add.f32.msk @!p0 $0xffff, v7  }
0x8a: {  	v23 =	vpop (erf);
	v7 =	vld [tilespmem:s24+$0xFFFFFFF0];
	v3 =	vmul.f32 @!p0 v3, v14  }
0x8b: {  	s21 =	simm.s32 @!p0 $0xC800;
	[tilespmem:v1+s19+$0x0] =	vst.idx.add.f32.msk @p0 $0xffff, v23  }
0x8c: {  	[tilespmem:v8+s21+$0x0] =	vst.idx.add.f32.msk @!p0 $0xffff, v3  }
0x8d: {  	v6 =	vmul.f32 @!p0 v6, v29;
	v3 =	vmul.f32 @!p0 v5, v26;
	v5 =	vld.idx.msk @!p0 [tilespmem:v22+s20+$0x0], $0xffff  }
0x8e: {  	v37 =	vld.idx.msk @!p0 [tilespmem:v4+s22+$0x0], $0xffff  }
0x8f: {  	[tilespmem:v19+s23+$0x0] =	vst.idx.add.f32.msk @!p0 $0xffff, v6;
	v6 =	vmul.f32 @!p0 v11, v25  }
0x90: {  	[tilespmem:v17+s23+$0x0] =	vst.idx.add.f32.msk @!p0 $0xffff, v3;
	v3 =	vmul.f32 @!p0 v10, v30  }
0x91: {  	[tilespmem:v15+s23+$0x0] =	vst.idx.add.f32.msk @!p0 $0xffff, v6  }
0x92: {  	[tilespmem:v18+s23+$0x0] =	vst.idx.add.f32.msk @!p0 $0xffff, v3;
	v3 =	vmul.f32 @!p0 v5, v20  }
0x93: {  	v6 =	vld [tilespmem:s24+$0xFFFFFFE0]  }
0x94: {  	[tilespmem:v2+s23+$0x0] =	vst.idx.add.f32.msk @!p0 $0xffff, v3  }
0x95: {  	v3 =	vld [tilespmem:s24+$0x30]  }
0x96: {  	v31 =	vld.idx.msk @!p0 [tilespmem:v24+s20+$0x0], $0xffff  }
0x97: {  	v5 =	vld [tilespmem:s24+$0xFFFFFFD0]  }
0x98: {  	v14 =	vld [tilespmem:s24+$0x10]  }
0x99: {  	v11 =	vld [tilespmem:s24+$0x0];
	v8 =	vand.u32 $0x3FFF, v6  }
0x9a: {  	v32 =	vld.idx.msk @!p0 [tilespmem:v13+s22+$0x0], $0xffff;
	v34 =	vand.u32 $0x3FFF, v3  }
0x9b: {  	v10 =	vld [tilespmem:s24+$0xFFFFFFC0];
	v36 =	vshrl.u32 v3, $0xE  }
0x9c: {  	v33 =	vld.idx.msk @!p0 [tilespmem:v9+s22+$0x0], $0xffff;
	v27 =	vand.u32 $0x3FFF, v5  }
0x9d: {  	v38 =	vld.idx.msk @!p0 [tilespmem:v12+s22+$0x0], $0xffff;
	v3 =	vshrl.u32 v5, $0xE  }
0x9e: {  	v4 =	vshrl.u32 v6, $0xE;
	v43 =	vld.idx.msk [tilespmem:v8+s3+$0x0], $0xffff  }
0x9f: {  	v9 =	vand.u32 $0x3FFF, v7;
	v13 =	vld.idx.msk [tilespmem:v34+s3+$0x0], $0xffff  }
0xa0: {  	v40 =	vand.u32 $0x3FFF, v10;
	v39 =	vld.idx.msk [tilespmem:v36+s15+$0x0], $0xffff  }
0xa1: {  	v10 =	vshrl.u32 v10, $0xE;
	v41 =	vld.idx.msk [tilespmem:v27+s3+$0x0], $0xffff  }
0xa2: {  	v12 =	vand.u32 $0x3FFF, v11;
	v42 =	vld.idx.msk [tilespmem:v3+s15+$0x0], $0xffff  }
0xa3: {  	v6 =	vshrl.u32 v7, $0xE;
	v44 =	vld.idx.msk [tilespmem:v4+s15+$0x0], $0xffff  }
0xa4: {  	v7 =	vshrl.u32 v14, $0xE;
	v45 =	vld.idx.msk [tilespmem:v9+s3+$0x0], $0xffff  }
0xa5: {  	v5 =	vshrl.u32 v11, $0xE;
	v46 =	vld.idx.msk [tilespmem:v40+s3+$0x0], $0xffff;
	v39 =	vadd.f32 v39, v13  }
0xa6: {  	v47 =	vld.idx.msk [tilespmem:v10+s15+$0x0], $0xffff;
	v11 =	vshrl.u32 v35, $0xE  }
0xa7: {  	v54 =	vld.idx.msk [tilespmem:v12+s3+$0x0], $0xffff;
	v13 =	vand.u32 $0x3FFF, v14;
	v41 =	vadd.f32 v42, v41;
	v48 =	vmul.f32 $2.000000030e-01, v39  }
0xa8: {  	v53 =	vld.idx.msk [tilespmem:v6+s15+$0x0], $0xffff;
	v43 =	vadd.f32 v44, v43;
	v14 =	vand.u32 $0x3FFF, v35  }
0xa9: {  	v31 =	vmul.f32 @!p0 v31, v23;
	v58 =	vld.idx.msk [tilespmem:v7+s15+$0x0], $0xffff;
	v55 =	vmul.f32 $2.000000030e-01, v41;
	v39 =	vmax.f32 v39, v48  }
0xaa: {  	v56 =	vld.idx.msk [tilespmem:v5+s15+$0x0], $0xffff;
	v50 =	vmul.f32 $2.000000030e-01, v43;
	v39 =	vmul.f32 $1.442695020e+00, v39  }
0xab: {  	v29 =	vmul.f32 @!p0 v32, v29;
	v57 =	vadd.f32 v47, v46;
	v60 =	vld.idx.msk [tilespmem:v11+s15+$0x0], $0xffff;
	v41 =	vmax.f32 v41, v55  }
0xac: {  	v43 =	vmax.f32 v43, v50;
	v49 =	vld.idx.msk [tilespmem:v13+s3+$0x0], $0xffff;
	v41 =	vmul.f32 $1.442695020e+00, v41;
	(erf) = vpow2.f32 v39  }
0xad: {  	v26 =	vmul.f32 @!p0 v33, v26;
	v43 =	vmul.f32 $1.442695020e+00, v43;
	v59 =	vld.idx.msk [tilespmem:v14+s3+$0x0], $0xffff  }
0xae: {  	[tilespmem:v1+s23+$0x0] =	vst.idx.add.f32.msk @!p0 $0xffff, v31;
	v61 =	vadd.f32 v53, v45;
	v31 =	vmul.f32 $2.000000030e-01, v57;
	(erf) = vpow2.f32 v41  }
0xaf: {  	v41 =	vld.idx.msk @!p0 [tilespmem:v21+s22+$0x0], $0xffff;
	v21 =	vmul.f32 @!p0 v37, v28;
	v28 =	vadd.f32 v56, v54;
	(erf) = vpow2.f32 v43  }
0xb0: {  	v30 =	vmul.f32 @!p0 v38, v30;
	v35 =	vld.idx.msk @!p0 [tilespmem:v22+s22+$0x0], $0xffff;
	v22 =	vmax.f32 v57, v31;
	v31 =	vmul.f32 $2.000000030e-01, v61  }
0xb1: {  	[tilespmem:v19+s21+$0x0] =	vst.idx.add.f32.msk @!p0 $0xffff, v29;
	v22 =	vmul.f32 $1.442695020e+00, v22;
	v63 =	vmul.f32 $2.000000030e-01, v28  }
0xb2: {  	v24 =	vld.idx.msk @!p0 [tilespmem:v24+s22+$0x0], $0xffff;
	v29 =	vmax.f32 v61, v31;
	v62 =	vadd.f32 v58, v49;
	v19 =	vadd.f32 v60, v59  }
0xb3: {  	[tilespmem:v17+s21+$0x0] =	vst.idx.add.f32.msk @!p0 $0xffff, v26;
	(erf) = vpow2.f32 v22;
	v22 =	vmul.f32 $1.442695020e+00, v29;
	v26 =	vmax.f32 v28, v63  }
0xb4: {  	[tilespmem:v16+s21+$0x0] =	vst.idx.add.f32.msk @!p0 $0xffff, v21;
	v17 =	vmul.f32 $2.000000030e-01, v62;
	v21 =	vmul.f32 $1.442695020e+00, v26  }
0xb5: {  	[tilespmem:v18+s21+$0x0] =	vst.idx.add.f32.msk @!p0 $0xffff, v30;
	v16 =	vmul.f32 $2.000000030e-01, v19;
	(erf) = vpow2.f32 v22;
	v29 =	vpop (erf)  }
0xb6: {  	v17 =	vmax.f32 v62, v17;
	[tilespmem:v36+s19+$0x0] =	vst.idx.add.f32.msk @p0 $0xffff, v29  }
0xb7: {  	v16 =	vmax.f32 v19, v16;
	v17 =	vmul.f32 $1.442695020e+00, v17;
	v26 =	vpop (erf);
	v18 =	vld.idx.msk @!p0 [tilespmem:v34+s20+$0x0], $0xffff  }
0xb8: {  	v16 =	vmul.f32 $1.442695020e+00, v16;
	(erf) = vpow2.f32 v21;
	[tilespmem:v3+s19+$0x0] =	vst.idx.add.f32.msk @p0 $0xffff, v26;
	v21 =	vpop (erf)  }
0xb9: {  	(erf) = vpow2.f32 v17;
	[tilespmem:v4+s19+$0x0] =	vst.idx.add.f32.msk @p0 $0xffff, v21  }
0xba: {  	(erf) = vpow2.f32 v16;
	v16 =	vmul.f32 @!p0 v41, v25;
	v17 =	vld.idx.msk @!p0 [tilespmem:v27+s20+$0x0], $0xffff  }
0xbb: {  	v19 =	vld.idx.msk @!p0 [tilespmem:v8+s20+$0x0], $0xffff  }
0xbc: {  	v28 =	vpop (erf);
	[tilespmem:v15+s21+$0x0] =	vst.idx.add.f32.msk @!p0 $0xffff, v16  }
0xbd: {  	[tilespmem:v10+s19+$0x0] =	vst.idx.add.f32.msk @p0 $0xffff, v28  }
0xbe: {  	v25 =	vpop (erf);
	v30 =	vld.idx.msk @!p0 [tilespmem:v40+s20+$0x0], $0xffff;
	v18 =	vmul.f32 @!p0 v18, v29  }
0xbf: {  	[tilespmem:v6+s19+$0x0] =	vst.idx.add.f32.msk @p0 $0xffff, v25  }
0xc0: {  	[tilespmem:v36+s23+$0x0] =	vst.idx.add.f32.msk @!p0 $0xffff, v18  }
0xc1: {  	v22 =	vld.idx.msk @!p0 [tilespmem:v34+s22+$0x0], $0xffff  }
0xc2: {  	v31 =	vld.idx.msk @!p0 [tilespmem:v9+s20+$0x0], $0xffff;
	v17 =	vmul.f32 @!p0 v17, v26;
	v15 =	vpop (erf)  }
0xc3: {  	[tilespmem:v5+s19+$0x0] =	vst.idx.add.f32.msk @p0 $0xffff, v15  }
0xc4: {  	[tilespmem:v3+s23+$0x0] =	vst.idx.add.f32.msk @!p0 $0xffff, v17;
	v18 =	vpop (erf)  }
0xc5: {  	[tilespmem:v7+s19+$0x0] =	vst.idx.add.f32.msk @p0 $0xffff, v18;
	v16 =	vpop (erf)  }
0xc6: {  	[tilespmem:v11+s19+$0x0] =	vst.idx.add.f32.msk @p0 $0xffff, v16;
	v22 =	vmul.f32 @!p0 v22, v29  }
0xc7: {  	v29 =	vld.idx.msk @!p0 [tilespmem:v12+s20+$0x0], $0xffff  }
0xc8: {  	[tilespmem:v36+s21+$0x0] =	vst.idx.add.f32.msk @!p0 $0xffff, v22  }
0xc9: {  	v19 =	vmul.f32 @!p0 v19, v21;
	v22 =	vld.idx.msk @!p0 [tilespmem:v13+s20+$0x0], $0xffff  }
0xca: {  	v30 =	vmul.f32 @!p0 v30, v28;
	v32 =	vld.idx.msk @!p0 [tilespmem:v14+s20+$0x0], $0xffff  }
0xcb: {  	[tilespmem:v4+s23+$0x0] =	vst.idx.add.f32.msk @!p0 $0xffff, v19;
	v17 =	vmul.f32 @!p0 v31, v25  }
0xcc: {  	[tilespmem:v10+s23+$0x0] =	vst.idx.add.f32.msk @!p0 $0xffff, v30;
	v19 =	vmul.f32 @!p0 v29, v15  }
0xcd: {  	[tilespmem:v6+s23+$0x0] =	vst.idx.add.f32.msk @!p0 $0xffff, v17  }
0xce: {  	[tilespmem:v5+s23+$0x0] =	vst.idx.add.f32.msk @!p0 $0xffff, v19;
	v17 =	vmul.f32 @!p0 v22, v18  }
0xcf: {  	v22 =	vld.idx.msk @!p0 [tilespmem:v40+s22+$0x0], $0xffff;
	v19 =	vmul.f32 @!p0 v32, v16  }
0xd0: {  	[tilespmem:v7+s23+$0x0] =	vst.idx.add.f32.msk @!p0 $0xffff, v17  }
0xd1: {  	[tilespmem:v11+s23+$0x0] =	vst.idx.add.f32.msk @!p0 $0xffff, v19  }
0xd2: {  	s25 =	simm.s32 $0x8;
	s26 =	simm.s32 $0x11940;
	s24 =	simm.s32 @!p0 $0xC800;
	v19 =	vmul.f32 @!p0 v35, v20;
	v17 =	vmul.f32 @!p0 v24, v23;
	v20 =	vld.idx.msk @!p0 [tilespmem:v27+s22+$0x0], $0xffff  }
.LBB2_6:
0xd3: {  	v23 =	vld [tilespmem:s26+$0x30]  }
0xd4: {  	s25 =	sadd.s32 $0x8, s25;
	v27 =	vld [tilespmem:s26+$0xFFFFFFD0]  }
0xd5: {  	p1 =	slt.u32 s25, $0xF8;
	v28 =	vmul.f32 @!p0 v22, v28;
	v29 =	vld [tilespmem:s26+$0xFFFFFFE0]  }
0xd6: {  	v30 =	vld [tilespmem:s26+$0xFFFFFFF0]  }
0xd7: {  	v31 =	vld [tilespmem:s26+$0x0]  }
0xd8: {  	v26 =	vmul.f32 @!p0 v20, v26;
	v32 =	vld [tilespmem:s26+$0x10];
	v24 =	vand.u32 $0x3FFF, v23  }
0xd9: {  	v22 =	vshrl.u32 v23, $0xE;
	v33 =	vshrl.u32 v27, $0xE;
	v20 =	vand.u32 $0x3FFF, v27;
	v34 =	vld [tilespmem:s26+$0x20]  }
0xda: {  	v23 =	vld [tilespmem:s26+$0xFFFFFFC0];
	v35 =	vshrl.u32 v29, $0xE;
	v27 =	vand.u32 $0x3FFF, v29  }
0xdb: {  	v29 =	vshrl.u32 v30, $0xE;
	v30 =	vand.u32 $0x3FFF, v30;
	v36 =	vld.idx.msk @!p0 [tilespmem:v8+s22+$0x0], $0xffff;
	v8 =	vmov v27  }
0xdc: {  	v27 =	vshrl.u32 v31, $0xE;
	v31 =	vand.u32 $0x3FFF, v31;
	v37 =	vld.idx.msk @!p0 [tilespmem:v9+s22+$0x0], $0xffff;
	v9 =	vmov v30  }
0xdd: {  	v30 =	vshrl.u32 v32, $0xE;
	v32 =	vand.u32 $0x3FFF, v32;
	v38 =	vld.idx.msk [tilespmem:v24+s3+$0x0], $0xffff  }
0xde: {  	v39 =	vshrl.u32 v34, $0xE;
	v34 =	vand.u32 $0x3FFF, v34;
	v40 =	vld.idx.msk [tilespmem:v22+s15+$0x0], $0xffff  }
0xdf: {  	v41 =	vshrl.u32 v23, $0xE;
	v23 =	vand.u32 $0x3FFF, v23;
	v42 =	vld.idx.msk [tilespmem:v20+s3+$0x0], $0xffff  }
0xe0: {  	v43 =	vld.idx.msk [tilespmem:v33+s15+$0x0], $0xffff  }
0xe1: {  	v21 =	vmul.f32 @!p0 v36, v21;
	v44 =	vld.idx.msk [tilespmem:v8+s3+$0x0], $0xffff  }
0xe2: {  	v25 =	vmul.f32 @!p0 v37, v25;
	v36 =	vld.idx.msk [tilespmem:v35+s15+$0x0], $0xffff  }
0xe3: {  	v37 =	vld.idx.msk [tilespmem:v9+s3+$0x0], $0xffff  }
0xe4: {  	v38 =	vadd.f32 v40, v38;
	v45 =	vld.idx.msk [tilespmem:v23+s3+$0x0], $0xffff  }
0xe5: {  	v40 =	vld.idx.msk [tilespmem:v41+s15+$0x0], $0xffff  }
0xe6: {  	v42 =	vadd.f32 v43, v42;
	v46 =	vmul.f32 $2.000000030e-01, v38;
	v43 =	vld.idx.msk [tilespmem:v29+s15+$0x0], $0xffff  }
0xe7: {  	v47 =	vld.idx.msk [tilespmem:v31+s3+$0x0], $0xffff  }
0xe8: {  	v48 =	vmul.f32 $2.000000030e-01, v42;
	v36 =	vadd.f32 v36, v44;
	v38 =	vmax.f32 v38, v46;
	v44 =	vld.idx.msk [tilespmem:v27+s15+$0x0], $0xffff  }
0xe9: {  	v38 =	vmul.f32 $1.442695020e+00, v38;
	v46 =	vld.idx.msk [tilespmem:v32+s3+$0x0], $0xffff  }
0xea: {  	v42 =	vmax.f32 v42, v48;
	v48 =	vmul.f32 $2.000000030e-01, v36;
	v49 =	vld.idx.msk [tilespmem:v30+s15+$0x0], $0xffff  }
0xeb: {  	v40 =	vadd.f32 v40, v45;
	v42 =	vmul.f32 $1.442695020e+00, v42;
	v45 =	vld.idx.msk [tilespmem:v34+s3+$0x0], $0xffff;
	(erf) = vpow2.f32 v38  }
0xec: {  	v36 =	vmax.f32 v36, v48;
	v37 =	vadd.f32 v43, v37;
	v38 =	vld.idx.msk [tilespmem:v39+s15+$0x0], $0xffff  }
0xed: {  	v43 =	vmul.f32 $2.000000030e-01, v40;
	v36 =	vmul.f32 $1.442695020e+00, v36;
	v48 =	vld.idx.msk @!p0 [tilespmem:v12+s22+$0x0], $0xffff;
	v12 =	vmov v31  }
0xee: {  	v31 =	vmul.f32 $2.000000030e-01, v37;
	v44 =	vadd.f32 v44, v47;
	(erf) = vpow2.f32 v42;
	v42 =	vld.idx.msk @!p0 [tilespmem:v13+s22+$0x0], $0xffff;
	v13 =	vmovc v32  }
0xef: {  	v32 =	vmax.f32 v40, v43;
	(erf) = vpow2.f32 v36;
	v36 =	vld.idx.msk @!p0 [tilespmem:v14+s22+$0x0], $0xffff;
	v14 =	vmov v34  }
0xf0: {  	v31 =	vmax.f32 v37, v31;
	v34 =	vmul.f32 $2.000000030e-01, v44;
	v37 =	vadd.f32 v49, v46;
	[tilespmem:v10+s21+$0x0] =	vst.idx.add.f32.msk @!p0 $0xffff, v28  }
0xf1: {  	v28 =	vmul.f32 $1.442695020e+00, v32;
	v31 =	vmul.f32 $1.442695020e+00, v31;
	v10 =	vmovc v41;
	[tilespmem:v3+s21+$0x0] =	vst.idx.add.f32.msk @!p0 $0xffff, v26;
	v3 =	vmov v33  }
0xf2: {  	v26 =	vmax.f32 v44, v34;
	v32 =	vmul.f32 $2.000000030e-01, v37;
	v33 =	vadd.f32 v38, v45;
	[tilespmem:v4+s21+$0x0] =	vst.idx.add.f32.msk @!p0 $0xffff, v21  }
0xf3: {  	v21 =	vmul.f32 $1.442695020e+00, v26;
	v4 =	vmovc v35;
	(erf) = vpow2.f32 v28;
	[tilespmem:v6+s21+$0x0] =	vst.idx.add.f32.msk @!p0 $0xffff, v25;
	v6 =	vmov v29  }
0xf4: {  	v25 =	vmax.f32 v37, v32;
	v32 =	vmul.f32 $2.000000030e-01, v33;
	(erf) = vpow2.f32 v31;
	v29 =	vpop (erf);
	[tilespmem:v2+s24+$0x0] =	vst.idx.add.f32.msk @!p0 $0xffff, v19  }
0xf5: {  	v25 =	vmul.f32 $1.442695020e+00, v25;
	v2 =	vmovc v7;
	v7 =	vmov v30;
	[tilespmem:v22+s19+$0x0] =	vst.idx.add.f32.msk @p0 $0xffff, v29;
	(erf) = vpow2.f32 v21  }
0xf6: {  	v15 =	vmul.f32 @!p0 v48, v15;
	v19 =	vmul.f32 @!p0 v42, v18;
	v30 =	vmax.f32 v33, v32;
	v28 =	vld.idx.msk @!p0 [tilespmem:v24+s20+$0x0], $0xffff  }
0xf7: {  	v18 =	vmul.f32 $1.442695020e+00, v30;
	v26 =	vpop (erf);
	(erf) = vpow2.f32 v25;
	[tilespmem:v1+s24+$0x0] =	vst.idx.add.f32.msk @!p0 $0xffff, v17;
	v1 =	vmov v11;
	s24 =	smov.u32 s21  }
0xf8: {  	v17 =	vmul.f32 @!p0 v36, v16;
	v11 =	vmov v39;
	[tilespmem:v3+s19+$0x0] =	vst.idx.add.f32.msk @p0 $0xffff, v26;
	v21 =	vpop (erf)  }
0xf9: {  	[tilespmem:v35+s19+$0x0] =	vst.idx.add.f32.msk @p0 $0xffff, v21;
	(erf) = vpow2.f32 v18  }
0xfa: {  	v16 =	vld.idx.msk @!p0 [tilespmem:v20+s20+$0x0], $0xffff  }
0xfb: {  	v30 =	vld.idx.msk @!p0 [tilespmem:v8+s20+$0x0], $0xffff  }
0xfc: {  	v18 =	vmul.f32 @!p0 v28, v29;
	v28 =	vpop (erf);
	[tilespmem:v5+s24+$0x0] =	vst.idx.add.f32.msk @!p0 $0xffff, v15;
	v5 =	vmov v27  }
0xfd: {  	[tilespmem:v10+s19+$0x0] =	vst.idx.add.f32.msk @p0 $0xffff, v28;
	v25 =	vpop (erf)  }
0xfe: {  	[tilespmem:v22+s23+$0x0] =	vst.idx.add.f32.msk @!p0 $0xffff, v18;
	v15 =	vpop (erf)  }
0xff: {  	v24 =	vld.idx.msk @!p0 [tilespmem:v24+s22+$0x0], $0xffff  }
0x100: {  	v27 =	vmul.f32 @!p0 v16, v26;
	[tilespmem:v6+s19+$0x0] =	vst.idx.add.f32.msk @p0 $0xffff, v25;
	v18 =	vpop (erf)  }
0x101: {  	v30 =	vmul.f32 @!p0 v30, v21;
	[tilespmem:v5+s19+$0x0] =	vst.idx.add.f32.msk @p0 $0xffff, v15  }
0x102: {  	[tilespmem:v7+s19+$0x0] =	vst.idx.add.f32.msk @p0 $0xffff, v18;
	v16 =	vpop (erf)  }
0x103: {  	[tilespmem:v39+s19+$0x0] =	vst.idx.add.f32.msk @p0 $0xffff, v16  }
0x104: {  	v31 =	vld.idx.msk @!p0 [tilespmem:v23+s20+$0x0], $0xffff  }
0x105: {  	v24 =	vmul.f32 @!p0 v24, v29;
	v32 =	vld.idx.msk @!p0 [tilespmem:v9+s20+$0x0], $0xffff  }
0x106: {  	v29 =	vld.idx.msk @!p0 [tilespmem:v12+s20+$0x0], $0xffff  }
0x107: {  	[tilespmem:v22+s21+$0x0] =	vst.idx.add.f32.msk @!p0 $0xffff, v24  }
0x108: {  	v22 =	vld.idx.msk @!p0 [tilespmem:v13+s20+$0x0], $0xffff  }
0x109: {  	v24 =	vld.idx.msk @!p0 [tilespmem:v14+s20+$0x0], $0xffff  }
0x10a: {  	v31 =	vmul.f32 @!p0 v31, v28;
	[tilespmem:v3+s23+$0x0] =	vst.idx.add.f32.msk @!p0 $0xffff, v27  }
0x10b: {  	v27 =	vmul.f32 @!p0 v32, v25;
	[tilespmem:v4+s23+$0x0] =	vst.idx.add.f32.msk @!p0 $0xffff, v30  }
0x10c: {  	v29 =	vmul.f32 @!p0 v29, v15;
	[tilespmem:v10+s23+$0x0] =	vst.idx.add.f32.msk @!p0 $0xffff, v31  }
0x10d: {  	[tilespmem:v6+s23+$0x0] =	vst.idx.add.f32.msk @!p0 $0xffff, v27  }
.Ltmp2:
0x10e: {  	v27 =	vmul.f32 @!p0 v22, v18;
	[tilespmem:v5+s23+$0x0] =	vst.idx.add.f32.msk @!p0 $0xffff, v29;
	(pc) =	sbr.rel @p1 .LBB2_6-.Ltmp2, $4  }
0x10f: {  	v22 =	vld.idx.msk @!p0 [tilespmem:v23+s22+$0x0], $0xffff;
	v23 =	vmul.f32 @!p0 v24, v16  }
0x110: {  	[tilespmem:v7+s23+$0x0] =	vst.idx.add.f32.msk @!p0 $0xffff, v27  }
0x111: {  	[tilespmem:v11+s23+$0x0] =	vst.idx.add.f32.msk @!p0 $0xffff, v23  }
0x112: {  	s26 =	sadd.s32 $0x80, s26;
	v20 =	vld.idx.msk @!p0 [tilespmem:v20+s22+$0x0], $0xffff  }
0x113: {  	_ =	sdelay $0x3  }
0x114: {  	v8 =	vld.idx.msk @!p0 [tilespmem:v8+s22+$0x0], $0xffff  }
0x115: {  	v9 =	vld.idx.msk @!p0 [tilespmem:v9+s22+$0x0], $0xffff  }
0x116: {  	v12 =	vld.idx.msk @!p0 [tilespmem:v12+s22+$0x0], $0xffff  }
0x117: {  	v13 =	vld.idx.msk @!p0 [tilespmem:v13+s22+$0x0], $0xffff  }
0x118: {  	v14 =	vld.idx.msk @!p0 [tilespmem:v14+s22+$0x0], $0xffff  }
0x119: {  	[tilespmem:v2+s24+$0x0] =	vst.idx.add.f32.msk @!p0 $0xffff, v19;
	v22 =	vmul.f32 @!p0 v22, v28  }
0x11a: {  	[tilespmem:v1+s24+$0x0] =	vst.idx.add.f32.msk @!p0 $0xffff, v17;
	v20 =	vmul.f32 @!p0 v20, v26  }
0x11b: {  	s18 =	sadd.s32 $0x1, s18;
	[tilespmem:v10+s21+$0x0] =	vst.idx.add.f32.msk @!p0 $0xffff, v22;
	v8 =	vmul.f32 @!p0 v8, v21  }
0x11c: {  	p1 =	sne.s32 s18, $0x28;
	v9 =	vmul.f32 @!p0 v9, v25;
	[tilespmem:v3+s21+$0x0] =	vst.idx.add.f32.msk @!p0 $0xffff, v20  }
.Ltmp3:
0x11d: {  	v2 =	vmul.f32 @!p0 v12, v15;
	[tilespmem:v4+s21+$0x0] =	vst.idx.add.f32.msk @!p0 $0xffff, v8;
	(pc) =	sbr.rel @p1 .LBB2_5-.Ltmp3, $4  }
0x11e: {  	v1 =	vmul.f32 @!p0 v14, v16;
	[tilespmem:v6+s21+$0x0] =	vst.idx.add.f32.msk @!p0 $0xffff, v9  }
0x11f: {  	v3 =	vmul.f32 @!p0 v13, v18;
	[tilespmem:v5+s21+$0x0] =	vst.idx.add.f32.msk @!p0 $0xffff, v2  }
0x120: {  	[tilespmem:v11+s21+$0x0] =	vst.idx.add.f32.msk @!p0 $0xffff, v1  }
0x121: {  	[tilespmem:v7+s21+$0x0] =	vst.idx.add.f32.msk @!p0 $0xffff, v3  }
0x122: {  	s18 =	simm.s32 @p0 $0x0;
	s19 =	simm.s32 @p0 $0xF000  }
0x123: {  	[hbm4b:s5+s18] =	stream.linear.scatter @p0 [tilespmem:s19], [sflag:$0x1], $0x2800, $0x38;
	[tilespmem:$0x12800] =	vst v63  }
0x124: {  	s20 =	simm.s32 @!p0 $0xA000;
	s18 =	simm.s32 @!p0 $0x80;
	s19 =	simm.s32 @!p0 $0x400  }
0x125: {  	[hbm4b:s9+s18] =	stream.strided.scatter @!p0 [tilespmem:s20], [sflag:$0x1], $0x2800, s19, s18, $0x38;
	[tilespmem:$0x12800] =	vst v63  }
0x126: {  	s20 =	simm.s32 @!p0 $0x1  }
0x127: {  	s17 =	sadd.s32 $0x1, s17;
	_ =	swait.ge @!p0 [sflag:s20], $0x2800  }
0x128: {  	p1 =	sne.s32 s17, s11;
	[sflag:s20] =	ssyncset.done @!p0 $0x0  }
.Ltmp4:
0x129: {  	[sflag:s20] =	ssyncadd.s32 @!p0 $0xFFFFD800;
	s20 =	simm.s32 @!p0 $0xC800;
	(pc) =	sbr.rel @p1 .LBB2_2-.Ltmp4, $4  }
0x12a: {  	[hbm4b:s10+s18] =	stream.strided.scatter @!p0 [tilespmem:s20], [sflag:$0x1], $0x2800, s19, s18, $0x38;
	[tilespmem:$0x12800] =	vst v63  }
0x12b: {  	_ =	swait.ge [sflag:s14], $0x2800  }
0x12c: {  	[sflag:s14] =	ssyncset.done $0x0  }
0x12d: {  	[sflag:s14] =	ssyncadd.s32 $0xFFFFD800  }
.LBB2_9:
0x12e: {  	_ =	sfence.sel $0x180000  }
0x12f: {  	[bflag:$0x0] =	sbarrier.arrive $0xFFFF  }
0x130: {  	p0 =	sne.s32 s0, $0x0;
	_ =	strace $0x9000004D  }
0x131: {  	s0 =	sadd.s32 @!p0 $0x100000, s1;
	[bflag:$0x2] =	sbarrier.arrive $0xFFFF  }
0x132: {  	[sflag:s0] =	ssyncadd.tile.s32 @!p0 $0x1;
	_ =	shalt  }
.Lfunc_end2:
_tile_overlayer_lowered:
.L_overlay_start_2:
0x133: {  	(tag) =	ssettag $0x2  }
0x134: {  	s0 =	rddreg [dreg:$0x0];
	s2 =	stileid.u32  }
0x135: {  	s1 =	rddreg [dreg:$0x1];
	p0 =	sne.s32 s2, $0x0  }
0x136: {  	s3 =	rddreg [dreg:$0x2];
	[bflag:$0x3] =	sbarrier.arrive $0xFFFF;
	s2 =	simm.s32 @!p0 $0x1C01  }
0x137: {  	[timem:s3], [sflag:s2] =	dma.local @!p0 [hbm:s0], s1  }
0x138: {  	s0 =	simm.s32 @!p0 $0x1  }
0x139: {  	_ =	swait.ge @!p0 [sflag:s0], s1  }
0x13a: {  	s1 =	ssub.s32 @!p0 $0x0, s1;
	[sflag:s0] =	ssyncset.done @!p0 $0x0  }
0x13b: {  	[sflag:s0] =	ssyncadd.s32 @!p0 s1  }
0x13c: {  	[bflag:$0x3] =	sbarrier.arrive $0xFFFF  }
0x13d: {  	_ =	shalt  }

// kernel: kernel.9.cloned.1.call-start
scs
__scs_entry_jumppad:
0x0: {  	(pc) =	sbr.rel $0x88, $3  }
0x1: {  	(tag) =	ssettag $0x0;
	lr =	simm.s32 $0x1  }
0x2: {  	[smem:$0x3F97] =	sst lr;
	_ =	strace $0xD0000000  }
0x3: {  	_ = 	snop  }
0x4: {  	_ = 	snop  }
0x5: {  	_ = 	snop  }
0x6: {  	_ = 	snop  }
0x7: {  	_ = 	snop  }
__scs_overlays_trampoline_lowered:
0x8: {  	[smem:$0x3FA6] =	sst s0  }
0x9: {  	[smem:$0x3FA7] =	sst s1  }
0xa: {  	[smem:$0x3FA8] =	sst s2  }
0xb: {  	[smem:$0x3FA9] =	sst s3  }
0xc: {  	[smem:$0x3FAA] =	sst s4  }
0xd: {  	[smem:$0x3FAB] =	sst s5  }
0xe: {  	[smem:$0x3FAC] =	sst s6  }
0xf: {  	[smem:$0x3FAD] =	sst s7  }
0x10: {  	[smem:$0x3FAE] =	sst s8  }
0x11: {  	[smem:$0x3FAF] =	sst s9;
	s0 =	simm.s32 @!p0 $0x0  }
0x12: {  	s1 =	sld [smem:$0x3F95];
	s0 =	simm.s32 @p0 $0x1  }
0x13: {  	[smem:$0x3FB0] =	sst s0;
	s0 =	simm.s32 @!p1 $0x0  }
0x14: {  	s2 =	sld [smem:$0x3F94];
	s0 =	simm.s32 @p1 $0x1  }
0x15: {  	[smem:$0x3FB1] =	sst s0;
	s0 =	simm.s32 @!p2 $0x0  }
0x16: {  	s3 =	sld [smem:$0x3FDB];
	s0 =	simm.s32 @p2 $0x1  }
0x17: {  	s4 =	simm.s32 $0x1BF5;
	[smem:$0x3FB3] =	sst s0  }
0x18: {  	s0 =	sld [smem:$0x3F96];
	_ =	swait.ge [sflag:s4], $0x0  }
0x19: {  	s7 =	sld [smem:$0x3F97]  }
0x1a: {  	s8 =	sadd.s32 $0xFFFFE003, lr  }
0x1b: {  	s9 =	sadd.s32 $0xFFFFFEF7, lr;
	s5 =	simm.s32 $0xFFFFFFFF;
	p2 =	slt.u32 s8, $0xFFFFF086  }
0x1c: {  	p1 =	slt.u32 s9, $0xF7A;
	s5 =	simm.s32 @!p2 $0x0  }
0x1d: {  	s5 =	simm.s32 @p1 $0x1;
	p0 =	seq.s32 s7, s2  }
0x1e: {  	s7 =	smul.u32 @!p0 $0xF7A, s2;
	p2 =	seq.s32 @!p0 s5, $0x0  }
0x1f: {  	s9 =	smul.u32 $0xF7A, s1;
	s8 =	simm.s32 @!p0 $0x1BF5;
	p2 =	por !p2, p0  }
0x20: {  	[sflag:s8] =	ssyncset.s32 @!p0 $0xFFFFF086;
	s6 =	sadd.s32 @!p0 s3, s7;
	s7 =	simm.s32 @!p0 $0x108  }
0x21: {  	s3 =	sadd.s32 s3, s9;
	s6 =	sadd.s32 @!p0 $0x88, s6;
	s7 =	simm.s32 @p2 $0x1082  }
0x22: {  	[simem:s7], [sflag:s8] =	dma.local @!p0 [hbm:s6], $0xF7A  }
0x23: {  	s9 =	sor.u32 $0xD0000000, s2;
	s6 =	simm.s32 $0x108;
	_ =	swait.ge @!p0 [sflag:s8], $0x0  }
0x24: {  	s3 =	sadd.s32 $0x88, s3;
	s6 =	simm.s32 @!p1 $0x1082;
	[sflag:s4] =	ssyncset.s32 $0xFFFFF086  }
0x25: {  	[simem:s6], [sflag:s4] =	dma.local [hbm:s3], $0xF7A  }
0x26: {  	[smem:$0x3F97] =	sst s1;
	(tag) =	ssettag s2;
	_ =	strace s9  }
0x27: {  	s1 =	sld [smem:$0x3FA7]  }
0x28: {  	s2 =	sld [smem:$0x3FA8]  }
0x29: {  	s4 =	sld [smem:$0x3FAA]  }
0x2a: {  	p0 =	seq.s32 s5, $0x0;
	s5 =	sld [smem:$0x3FAB]  }
0x2b: {  	s6 =	sld [smem:$0x3FAC]  }
0x2c: {  	s7 =	sld [smem:$0x3FAD]  }
0x2d: {  	s3 =	simm.s32 $0x108;
	s8 =	sld [smem:$0x3FAE]  }
0x2e: {  	s3 =	simm.s32 @!p0 $0x1082;
	s9 =	sld [smem:$0x3FAF]  }
0x2f: {  	lr =	sadd.s32 s0, s3;
	s0 =	sld [smem:$0x3FA6]  }
0x30: {  	s3 =	sld [smem:$0x3FA9]  }
0x31: {  	[smem:$0x3FB2] =	sst s10  }
0x32: {  	s10 =	sld [smem:$0x3FB0];
	_ =	sdelay $0x3  }
0x33: {  	p0 =	seq.s32 s10, $0x1;
	s10 =	sld [smem:$0x3FB2];
	_ =	sdelay $0x3  }
0x34: {  	[smem:$0x3FB2] =	sst s10  }
0x35: {  	s10 =	sld [smem:$0x3FB1];
	_ =	sdelay $0x3  }
0x36: {  	p1 =	seq.s32 s10, $0x1;
	s10 =	sld [smem:$0x3FB2];
	_ =	sdelay $0x3  }
0x37: {  	[smem:$0x3FB2] =	sst s10  }
0x38: {  	s10 =	sld [smem:$0x3FB3]  }
0x39: {  	_ = 	snop;
	(pc) =	sbr.ind lr, $3  }
0x3a: {  	_ = 	snop  }
0x3b: {  	_ = 	snop  }
0x3c: {  	p2 =	seq.s32 s10, $0x1;
	s10 =	sld [smem:$0x3FB2]  }
0x3d: {  	_ =	shalt  }
0x3e: {  	_ =	shalt  }
0x3f: {  	_ =	shalt  }
0x40: {  	_ =	shalt  }
0x41: {  	_ =	shalt  }
0x42: {  	_ =	shalt  }
0x43: {  	_ =	shalt  }
0x44: {  	_ =	shalt  }
0x45: {  	_ =	shalt  }
0x46: {  	_ =	shalt  }
0x47: {  	_ =	shalt  }
0x48: {  	_ =	shalt  }
0x49: {  	_ =	shalt  }
0x4a: {  	_ =	shalt  }
0x4b: {  	_ =	shalt  }
0x4c: {  	_ =	shalt  }
0x4d: {  	_ =	shalt  }
0x4e: {  	_ =	shalt  }
0x4f: {  	_ =	shalt  }
0x50: {  	_ =	shalt  }
0x51: {  	_ =	shalt  }
0x52: {  	_ =	shalt  }
0x53: {  	_ =	shalt  }
0x54: {  	_ =	shalt  }
0x55: {  	_ =	shalt  }
0x56: {  	_ =	shalt  }
0x57: {  	_ =	shalt  }
0x58: {  	_ =	shalt  }
0x59: {  	_ =	shalt  }
0x5a: {  	_ =	shalt  }
0x5b: {  	_ =	shalt  }
0x5c: {  	_ =	shalt  }
0x5d: {  	_ =	shalt  }
0x5e: {  	_ =	shalt  }
0x5f: {  	_ =	shalt  }
0x60: {  	_ =	shalt  }
0x61: {  	_ =	shalt  }
0x62: {  	_ =	shalt  }
0x63: {  	_ =	shalt  }
0x64: {  	_ =	shalt  }
0x65: {  	_ =	shalt  }
0x66: {  	_ =	shalt  }
0x67: {  	_ =	shalt  }
0x68: {  	_ =	shalt  }
0x69: {  	_ =	shalt  }
0x6a: {  	_ =	shalt  }
0x6b: {  	_ =	shalt  }
0x6c: {  	_ =	shalt  }
0x6d: {  	_ =	shalt  }
0x6e: {  	_ =	shalt  }
0x6f: {  	_ =	shalt  }
0x70: {  	_ =	shalt  }
0x71: {  	_ =	shalt  }
0x72: {  	_ =	shalt  }
0x73: {  	_ =	shalt  }
0x74: {  	_ =	shalt  }
0x75: {  	_ =	shalt  }
0x76: {  	_ =	shalt  }
0x77: {  	_ =	shalt  }
0x78: {  	_ =	shalt  }
0x79: {  	_ =	shalt  }
0x7a: {  	_ =	shalt  }
0x7b: {  	_ =	shalt  }
0x7c: {  	_ =	shalt  }
0x7d: {  	_ =	shalt  }
0x7e: {  	_ =	shalt  }
0x7f: {  	_ =	shalt  }
0x80: {  	_ =	shalt  }
0x81: {  	_ =	shalt  }
0x82: {  	_ =	shalt  }
0x83: {  	_ =	shalt  }
0x84: {  	_ =	shalt  }
0x85: {  	_ =	shalt  }
0x86: {  	_ =	shalt  }
0x87: {  	_ =	shalt  }
.Lfunc_end0:
.L_simem_size_0:
called_computation_lowered:
.L_overlay_start_0:
0x88: {  	s2 =	sld [smem:$0x3FD9]  }
0x89: {  	s3 =	sld [smem:$0x3FFE];
	_ =	sdelay $0x1  }
0x8a: {  	s1 =	srdreg.scid  }
0x8b: {  	s0 =	sand.u32 $0x1, s1  }
0x8c: {  	s17 =	sshll.u32 s0, $0xA;
	s2 =	sadd.s32 s3, s2  }
0x8d: {  	s2 =	sadd.s32 s2, s17  }
0x8e: {  	[smem:$0x3FBE] =	sst s2  }
0x8f: {  	_ = 	snop  }
0x90: {  	s2 =	sld [smem:$0x3FD0];
	(tm) =	ssettm $0x1  }
0x91: {  	s18 =	sld [smem:$0x3FFB];
	_ =	sdelay $0x3  }
0x92: {  	_ =	strace s18  }
0x93: {  	s3 =	sld [smem:$0x3FFC];
	_ =	sdelay $0x3  }
0x94: {  	_ =	strace s3  }
0x95: {  	s3 =	sld [smem:$0x3FFD];
	_ =	sdelay $0x3  }
0x96: {  	_ =	strace s3  }
0x97: {  	_ =	strace $0x8FFFFFFF  }
0x98: {  	s19 =	sld [smem:$0x3FDB];
	_ =	sdelay $0x1  }
0x99: {  	s4 =	simm.s32 $_scs_section_size  }
0x9a: {  	s5 =	simm.s32 $_size__tile_overlayer_lowered;
	s6 =	simm.s32 $_tile_overlayer_lowered  }
0x9b: {  	s22 =	simm.s32 $0x1BFF;
	s21 =	sshll.u32 s6, $0x1;
	s3 =	sadd.s32 s4, s19  }
0x9c: {  	s7 =	simm.s32 $0x0;
	s20 =	sshll.u32 s5, $0x1;
	s5 =	sadd.s32 s21, s3  }
0x9d: {  	[timem:s7], [sflag:s22] =	dma.local [hbm:s5], s20  }
0x9e: {  	_ =	swait.ge [sflag:s22], s20  }
0x9f: {  	s4 =	ssub.s32 $0x0, s20;
	[sflag:s22] =	ssyncset.done $0x0  }
0xa0: {  	[sflag:s22] =	ssyncadd.s32 s4;
	_ =	sdelay $0x1  }
0xa1: {  	s23 =	simm.s32 $0x1B8B  }
0xa2: {  	_ =	swait.ge [sflag:s23], $0x1  }
0xa3: {  	[sflag:s23] =	ssyncset.done $0x0  }
0xa4: {  	s25 =	simm.s32 $0x1B8E;
	s24 =	sld [smem:$0x3FFE];
	[sflag:s23] =	ssyncadd.s32 $0xFFFFFFFF  }
0xa5: {  	s26 =	simm.s32 $execute0_lowered;
	[smem:$0x3FD2] =	sst s25  }
0xa6: {  	s5 =	sshll.u32 s26, $0x1;
	_ =	strace $0x80000046;
	[dreg:$0x1] =	wrdreg $0xFFFFFFFF  }
0xa7: {  	s28 =	simm.s32 $_size_execute0_lowered;
	s3 =	sadd.s32 s3, s5;
	[dreg:$0x0] =	wrdreg $0x0  }
0xa8: {  	s5 =	sshll.u32 s28, $0x1;
	[dreg:$0x2] =	wrdreg s3  }
0xa9: {  	[dreg:$0x3] =	wrdreg s5  }
0xaa: {  	[dreg:$0x4] =	wrdreg $0xC0  }
0xab: {  	_ =	task [dreg:s7], $0x5FFFF  }
0xac: {  	[dreg:$0x1] =	wrdreg $0xFFFFFFFF  }
0xad: {  	[dreg:$0x0] =	wrdreg $0x60  }
0xae: {  	[dreg:$0x2] =	wrdreg s24  }
0xaf: {  	[dreg:$0x3] =	wrdreg s2  }
0xb0: {  	[dreg:$0x4] =	wrdreg $0x9  }
0xb1: {  	_ =	task.clear_ibuf [dreg:s7], $0x5FFFF;
	_ =	strace $0x90000046  }
0xb2: {  	s29 =	simm.s32 $0x9;
	_ =	strace $0x80000048  }
0xb3: {  	_ =	swait.ge [sflag:s29], $0x1  }
0xb4: {  	[sflag:s29] =	ssyncadd.s32 $0xFFFFFFFF  }
0xb5: {  	_ =	strace $0x90000048  }
0xb6: {  	_ =	sfence  }
0xb7: {  	s30 =	sld [smem:$0x0];
	_ =	sdelay $0x2  }
0xb8: {  	s31 =	sshll.u32 s1, $0xD;
	s1 =	sshrl.u32 s1, $0x2  }
0xb9: {  	s3 =	sand.u32 $0x4000, s31;
	s1 =	sadd.s32 s1, s30  }
0xba: {  	s0 =	sor.u32 s3, s0;
	s1 =	sshll.u32 s1, $0x11  }
0xbb: {  	s0 =	sor.u32 s1, s0  }
0xbc: {  	s0 =	sadd.s32 $0x8F2B, s0  }
0xbd: {  	[sflag:s0] =	ssyncadd.remote.s32 $0x1  }
0xbe: {  	_ =	sfence.sel $0xFFFF  }
0xbf: {  	[dreg:$0x0] =	wrdreg $0xFFFFFFFF;
	(pc) =	sbr.abs _section_cstart, $3  }
0xc0: {  	[dreg:$0x1] =	wrdreg $0xFFFFFFFF  }
0xc1: {  	_ =	task.clear_ibuf [dreg:s7], $0x2FFFF;
	_ =	strace $0x9FFFFFFF  }
0xc2: {  	(tm) =	ssettm $0x7FFFFFFF  }
0xc3: {  	_ =	shalt  }
tec
execute0_lowered:
.L_overlay_start_1:
0x0: {  	(tag) =	ssettag $0x1  }
0x1: {  	s4 =	rddreg [dreg:$0x0]  }
0x2: {  	s8 =	rddreg [dreg:$0x1]  }
0x3: {  	s0 =	rddreg [dreg:$0x2]  }
0x4: {  	s2 =	simm.s32 $0x0;
	s1 =	stileid.u32;
	s5 =	srdreg.scid  }
0x5: {  	s12 =	simm.s32 $0x1;
	s13 =	simm.s32 $0x2800;
	s14 =	simm.s32 $0x7800  }
0x6: {  	s15 =	simm.s32 $0x5000;
	s16 =	simm.s32 $0x8800;
	s17 =	simm.s32 $0x0  }
0x7: {  	[smem:$0x7FF] =	sst s2;
	s3 =	sadd.s32 $0x3600, s4;
	s6 =	sshll.u32 s1, $0x3  }
0x8: {  	s5 =	sand.u32 $0x1, s5;
	s7 =	sshll.u32 s1, $0x1;
	s9 =	sshrl.u32 s1, $0x2  }
0x9: {  	_ =	strace $0x80000047;
	s6 =	sand.u32 $0x70, s6;
	s7 =	sor.u32 s5, s7  }
0xa: {  	s5 =	ssub.s32 $0x2, s5;
	s9 =	smul.u32 $0x14000, s9;
	s10 =	sshll.u32 s7, $0x7  }
0xb: {  	s11 =	sadd.s32 s6, s4;
	s29 =	sshrl.u32 s5, $0x1;
	s7 =	sand.u32 $0x3, s7  }
0xc: {  	s30 =	sand.u32 $0x380, s10;
	s31 =	ssub.s32 s5, s29;
	s4 =	sadd.s32 $0x3C8600, s11  }
0xd: {  	s5 =	sadd.s32 $0x3CAE00, s11;
	s10 =	simm.s32 $0x80;
	s6 =	sor.u32 s9, s30  }
0xe: {  	s9 =	sshrl.u32 s6, $0x3;
	s6 =	smul.u32 $0xA000, s7;
	s7 =	sadd.s32 $0x3CD600, s11  }
0xf: {  	v0 =	vimm.f32 $0.0e+00;
	s11 =	simm.s32 $0x400;
	s8 =	sadd.s32 s8, s9;
	s9 =	smax.u32 s31, $0x1  }
.LBB2_1:
0x10: {  	[tilespmem:s2], [sflag:$0x1] =	stream.strided.gather [hbm4b:s4+s10], $0x2800, s11, s10, $0x38;
	[tilespmem:$0x9800] =	vst v63  }
0x11: {  	_ =	swait.ge [sflag:s12], $0x2800  }
0x12: {  	[sflag:s12] =	ssyncset.done $0x0  }
0x13: {  	[sflag:s12] =	ssyncadd.s32 $0xFFFFD800  }
0x14: {  	[tilespmem:s13], [sflag:$0x1] =	stream.strided.gather [hbm4b:s5+s10], $0x2800, s11, s10, $0x38;
	[tilespmem:$0x9800] =	vst v63  }
0x15: {  	_ =	swait.ge [sflag:s12], $0x2800  }
0x16: {  	[sflag:s12] =	ssyncset.done $0x0  }
0x17: {  	s18 =	simm.s32 $0x5040;
	[sflag:s12] =	ssyncadd.s32 $0xFFFFD800  }
0x18: {  	[tilespmem:s18+$0xFFFFFFC0] =	vst v0  }
0x19: {  	[tilespmem:s18+$0x30] =	vst v0  }
0x1a: {  	[tilespmem:s18+$0x20] =	vst v0  }
0x1b: {  	[tilespmem:s18+$0x10] =	vst v0  }
0x1c: {  	[tilespmem:s18+$0x0] =	vst v0  }
0x1d: {  	[tilespmem:s18+$0xFFFFFFF0] =	vst v0  }
0x1e: {  	s19 =	simm.s32 $0x0;
	[tilespmem:s18+$0xFFFFFFE0] =	vst v0  }
.LBB2_2:
0x1f: {  	s19 =	sadd.s32 $0x8, s19;
	[tilespmem:s18+$0xFFFFFFD0] =	vst v0;
	s18 =	sadd.s32 $0x80, s18  }
0x20: {  	[tilespmem:s18+$0xFFFFFFC0] =	vst v0;
	p0 =	slt.u32 s19, $0x278  }
0x21: {  	[tilespmem:s18+$0x30] =	vst v0  }
.Ltmp0:
0x22: {  	[tilespmem:s18+$0x20] =	vst v0;
	(pc) =	sbr.rel @p0 .LBB2_2-.Ltmp0, $4  }
0x23: {  	[tilespmem:s18+$0x10] =	vst v0  }
0x24: {  	[tilespmem:s18+$0x0] =	vst v0  }
0x25: {  	[tilespmem:s18+$0xFFFFFFF0] =	vst v0  }
0x26: {  	[tilespmem:s18+$0xFFFFFFE0] =	vst v0  }
0x27: {  	[tilespmem:s18+$0xFFFFFFD0] =	vst v0;
	s18 =	simm.s32 $0x0  }
.LBB2_4:
0x28: {  	s19 =	sshll.u32 s18, $0xC  }
0x29: {  	s19 =	sadd.s32 s6, s19  }
0x2a: {  	s20 =	sshrl.u32 s19, $0x3  }
0x2b: {  	s20 =	sadd.s32 s3, s20  }
0x2c: {  	[tilespmem:s14], [sflag:$0x1] =	stream.linear.gather [hbm4b:s20+s2], $0x1000, $0x38;
	[tilespmem:$0x9800] =	vst v63  }
0x2d: {  	_ =	swait.ge [sflag:s12], $0x1000  }
0x2e: {  	[sflag:s12] =	ssyncset.done $0x0  }
0x2f: {  	s31 =	simm.s32 $0x7840;
	[sflag:s12] =	ssyncadd.s32 $0xFFFFF000  }
0x30: {  	v1 =	vld [tilespmem:s31+$0x30];
	_ =	sdelay $0x1  }
0x31: {  	v3 =	vld [tilespmem:s31+$0xFFFFFFD0];
	_ =	sdelay $0x2  }
0x32: {  	v2 =	vand.u32 $0x3FFF, v1  }
0x33: {  	v4 =	vld [tilespmem:s31+$0xFFFFFFE0];
	v1 =	vshrl.u32 v1, $0xE  }
0x34: {  	v5 =	vld [tilespmem:s31+$0xFFFFFFF0];
	v6 =	vand.u32 $0x3FFF, v3  }
0x35: {  	v8 =	vld [tilespmem:s31+$0xFFFFFFC0];
	v3 =	vshrl.u32 v3, $0xE  }
0x36: {  	v11 =	vld [tilespmem:s31+$0x0]  }
0x37: {  	v2 =	vld.idx.msk [tilespmem:v2+s2+$0x0], $0xffff  }
0x38: {  	v7 =	vld.idx.msk [tilespmem:v1+s13+$0x0], $0xffff  }
0x39: {  	v12 =	vand.u32 $0x3FFF, v4;
	v6 =	vld.idx.msk [tilespmem:v6+s2+$0x0], $0xffff  }
0x3a: {  	v9 =	vshrl.u32 v4, $0xE;
	v4 =	vand.u32 $0x3FFF, v5;
	v10 =	vshrl.u32 v5, $0xE;
	v5 =	vld.idx.msk [tilespmem:v3+s13+$0x0], $0xffff  }
0x3b: {  	s21 =	simm.s32 $0x78C0;
	v13 =	vld [tilespmem:s31+$0x10]  }
0x3c: {  	v39 =	vld [tilespmem:s21+$0x30]  }
0x3d: {  	v21 =	vld [tilespmem:s21+$0xFFFFFFD0];
	v2 =	vadd.f32 v7, v2  }
0x3e: {  	v23 =	vld [tilespmem:s21+$0x10]  }
0x3f: {  	v15 =	vand.u32 $0x3FFF, v8;
	v7 =	vld [tilespmem:s31+$0x20];
	v5 =	vadd.f32 v5, v6;
	v16 =	vmul.f32 $2.000000030e-01, v2  }
0x40: {  	v14 =	vshrl.u32 v8, $0xE;
	v8 =	vld.idx.msk [tilespmem:v12+s2+$0x0], $0xffff  }
0x41: {  	v18 =	vld.idx.msk [tilespmem:v9+s13+$0x0], $0xffff;
	v12 =	vshrl.u32 v13, $0xE;
	v20 =	vmul.f32 $2.000000030e-01, v5;
	v2 =	vmax.f32 v2, v16  }
0x42: {  	v17 =	vand.u32 $0x3FFF, v11;
	v4 =	vld.idx.msk [tilespmem:v4+s2+$0x0], $0xffff;
	v2 =	vmul.f32 $1.442695020e+00, v2  }
0x43: {  	v11 =	vshrl.u32 v11, $0xE;
	v19 =	vld.idx.msk [tilespmem:v10+s13+$0x0], $0xffff;
	v16 =	vand.u32 $0x3FFF, v13;
	v5 =	vmax.f32 v5, v20  }
0x44: {  	v6 =	vld.idx.msk [tilespmem:v15+s2+$0x0], $0xffff;
	v13 =	vshrl.u32 v7, $0xE;
	v5 =	vmul.f32 $1.442695020e+00, v5;
	(erf) = vpow2.f32 v2  }
0x45: {  	v15 =	vld.idx.msk [tilespmem:v14+s13+$0x0], $0xffff;
	v2 =	vand.u32 $0x3FFF, v7  }
0x46: {  	v38 =	vld.idx.msk [tilespmem:v12+s13+$0x0], $0xffff;
	(erf) = vpow2.f32 v5  }
0x47: {  	v8 =	vadd.f32 v18, v8;
	v7 =	vld.idx.msk [tilespmem:v17+s2+$0x0], $0xffff  }
0x48: {  	v17 =	vld.idx.msk [tilespmem:v11+s13+$0x0], $0xffff  }
0x49: {  	v4 =	vadd.f32 v19, v4;
	v18 =	vmul.f32 $2.000000030e-01, v8;
	v5 =	vld.idx.msk [tilespmem:v13+s13+$0x0], $0xffff  }
0x4a: {  	v2 =	vld.idx.msk [tilespmem:v2+s2+$0x0], $0xffff  }
0x4b: {  	v8 =	vmax.f32 v8, v18;
	v6 =	vadd.f32 v15, v6;
	v15 =	vmul.f32 $2.000000030e-01, v4;
	v16 =	vld.idx.msk [tilespmem:v16+s2+$0x0], $0xffff  }
0x4c: {  	v40 =	vld [tilespmem:s21+$0xFFFFFFE0];
	v8 =	vmul.f32 $1.442695020e+00, v8  }
0x4d: {  	s20 =	simm.s32 $0x8840;
	v41 =	vand.u32 $0x3FFF, v39;
	v4 =	vmax.f32 v4, v15;
	v15 =	vld [tilespmem:s21+$0xFFFFFFF0];
	v22 =	vpop (erf)  }
0x4e: {  	v26 =	vand.u32 $0x3FFF, v23;
	v7 =	vadd.f32 v17, v7;
	(erf) = vpow2.f32 v8;
	v8 =	vld [tilespmem:s21+$0x0];
	[tilespmem:s20+$0x30] =	vst v22  }
0x4f: {  	v17 =	vmul.f32 $1.442695020e+00, v4;
	v43 =	vpop (erf);
	v5 =	vadd.f32 v5, v2;
	[tilespmem:v1+s15+$0x0] =	vst.idx.add.f32.msk $0xffff, v22;
	v1 =	vmul.f32 $2.000000030e-01, v6  }
0x50: {  	v25 =	vld [tilespmem:s21+$0x20];
	v24 =	vand.u32 $0x3FFF, v21;
	v4 =	vshrl.u32 v39, $0xE;
	v16 =	vadd.f32 v38, v16;
	[tilespmem:s20+$0xFFFFFFD0] =	vst v43  }
0x51: {  	(erf) = vpow2.f32 v17;
	[tilespmem:v3+s15+$0x0] =	vst.idx.add.f32.msk $0xffff, v43;
	v3 =	vmul.f32 $2.000000030e-01, v5;
	v1 =	vmax.f32 v6, v1  }
0x52: {  	v17 =	vld [tilespmem:s21+$0xFFFFFFC0];
	v6 =	vmul.f32 $2.000000030e-01, v7;
	v42 =	vmul.f32 $1.442695020e+00, v1;
	v1 =	vshrl.u32 v21, $0xE  }
0x53: {  	v45 =	vld.idx.msk [tilespmem:v41+s2+$0x0], $0xffff;
	v5 =	vmax.f32 v5, v3;
	v3 =	vshrl.u32 v15, $0xE  }
0x54: {  	v26 =	vld.idx.msk [tilespmem:v26+s2+$0x0], $0xffff;
	v50 =	vand.u32 $0x3FFF, v8;
	v2 =	vmax.f32 v7, v6;
	v6 =	vmul.f32 $2.000000030e-01, v16  }
0x55: {  	v46 =	vld.idx.msk [tilespmem:v4+s13+$0x0], $0xffff;
	v7 =	vand.u32 $0x3FFF, v40;
	v44 =	vmul.f32 $1.442695020e+00, v2  }
0x56: {  	v2 =	vshrl.u32 v40, $0xE;
	v6 =	vmax.f32 v16, v6;
	v16 =	vand.u32 $0x3FFF, v15;
	v15 =	vld.idx.msk [tilespmem:v24+s2+$0x0], $0xffff  }
0x57: {  	v48 =	vand.u32 $0x3FFF, v17;
	v49 =	vld.idx.msk [tilespmem:v1+s13+$0x0], $0xffff  }
0x58: {  	v27 =	vld.idx.msk [tilespmem:v3+s13+$0x0], $0xffff  }
0x59: {  	v47 =	vmul.f32 $1.442695020e+00, v5;
	v5 =	vshrl.u32 v17, $0xE;
	(erf) = vpow2.f32 v42;
	v20 =	vld.idx.msk [tilespmem:v50+s2+$0x0], $0xffff  }
0x5a: {  	v54 =	vand.u32 $0x3FFF, v25;
	v6 =	vmul.f32 $1.442695020e+00, v6;
	v17 =	vld.idx.msk [tilespmem:v7+s2+$0x0], $0xffff  }
0x5b: {  	v18 =	vadd.f32 v46, v45;
	(erf) = vpow2.f32 v44;
	v51 =	vld.idx.msk [tilespmem:v2+s13+$0x0], $0xffff  }
0x5c: {  	(erf) = vpow2.f32 v6;
	v6 =	vshrl.u32 v8, $0xE;
	v52 =	vld.idx.msk [tilespmem:v48+s2+$0x0], $0xffff  }
0x5d: {  	v55 =	vmul.f32 $2.000000030e-01, v18;
	v16 =	vld.idx.msk [tilespmem:v16+s2+$0x0], $0xffff  }
0x5e: {  	v53 =	vpop (erf);
	v7 =	vshrl.u32 v23, $0xE;
	v28 =	vld.idx.msk [tilespmem:v5+s13+$0x0], $0xffff;
	(erf) = vpow2.f32 v47;
	v15 =	vadd.f32 v49, v15  }
0x5f: {  	[tilespmem:s20+$0xFFFFFFE0] =	vst v53;
	v18 =	vmax.f32 v18, v55;
	v23 =	vld.idx.msk [tilespmem:v54+s2+$0x0], $0xffff  }
0x60: {  	v29 =	vpop (erf);
	v8 =	vshrl.u32 v25, $0xE;
	[tilespmem:v9+s15+$0x0] =	vst.idx.add.f32.msk $0xffff, v53;
	v30 =	vmul.f32 $2.000000030e-01, v15;
	v17 =	vadd.f32 v51, v17  }
0x61: {  	[tilespmem:s20+$0xFFFFFFF0] =	vst v29;
	v18 =	vmul.f32 $1.442695020e+00, v18;
	v57 =	vld.idx.msk [tilespmem:v6+s13+$0x0], $0xffff  }
0x62: {  	[tilespmem:v10+s15+$0x0] =	vst.idx.add.f32.msk $0xffff, v29;
	v56 =	vpop (erf);
	v16 =	vadd.f32 v27, v16;
	v15 =	vmax.f32 v15, v30;
	v59 =	vmul.f32 $2.000000030e-01, v17  }
0x63: {  	(erf) = vpow2.f32 v18;
	v60 =	vld.idx.msk [tilespmem:v7+s13+$0x0], $0xffff;
	[tilespmem:s20+$0xFFFFFFC0] =	vst v56;
	v15 =	vmul.f32 $1.442695020e+00, v15  }
0x64: {  	v61 =	vadd.f32 v28, v52;
	v58 =	vpop (erf);
	[tilespmem:v14+s15+$0x0] =	vst.idx.add.f32.msk $0xffff, v56;
	v62 =	vmul.f32 $2.000000030e-01, v16;
	v17 =	vmax.f32 v17, v59  }
0x65: {  	v63 =	vld.idx.msk [tilespmem:v8+s13+$0x0], $0xffff;
	[tilespmem:s20+$0x0] =	vst v58;
	v17 =	vmul.f32 $1.442695020e+00, v17;
	(erf) = vpow2.f32 v15  }
0x66: {  	v14 =	vmul.f32 $2.000000030e-01, v61;
	v31 =	vpop (erf);
	[tilespmem:v11+s15+$0x0] =	vst.idx.add.f32.msk $0xffff, v58;
	v15 =	vmax.f32 v16, v62;
	v16 =	vadd.f32 v57, v20  }
0x67: {  	[tilespmem:s20+$0x10] =	vst v31;
	v32 =	vpop (erf);
	v9 =	vmul.f32 $1.442695020e+00, v15;
	(erf) = vpow2.f32 v17  }
0x68: {  	v14 =	vmax.f32 v61, v14;
	v10 =	vadd.f32 v60, v26;
	[tilespmem:s20+$0x20] =	vst v32;
	v15 =	vmul.f32 $2.000000030e-01, v16  }
0x69: {  	v14 =	vmul.f32 $1.442695020e+00, v14;
	[tilespmem:v12+s15+$0x0] =	vst.idx.add.f32.msk $0xffff, v31;
	(erf) = vpow2.f32 v9  }
0x6a: {  	s22 =	simm.s32 $0x7940;
	s21 =	simm.s32 $0x8;
	v11 =	vadd.f32 v63, v23;
	v12 =	vmul.f32 $2.000000030e-01, v10;
	[tilespmem:v13+s15+$0x0] =	vst.idx.add.f32.msk $0xffff, v32;
	v15 =	vmax.f32 v16, v15  }
.LBB2_5:
0x6b: {  	v13 =	vld [tilespmem:s22+$0x30];
	v15 =	vmul.f32 $1.442695020e+00, v15;
	(erf) = vpow2.f32 v14;
	v9 =	vmov v8  }
0x6c: {  	s20 =	sadd.s32 $0x80, s20;
	v8 =	vld [tilespmem:s22+$0xFFFFFFD0];
	v10 =	vmax.f32 v10, v12;
	v17 =	vmul.f32 $2.000000030e-01, v11;
	v14 =	vpop (erf)  }
0x6d: {  	s21 =	sadd.s32 $0x8, s21;
	v16 =	vld [tilespmem:s22+$0xFFFFFFE0];
	v10 =	vmul.f32 $1.442695020e+00, v10;
	[tilespmem:s20+$0x30] =	vst v14;
	(erf) = vpow2.f32 v15  }
0x6e: {  	p0 =	slt.u32 s21, $0xF8;
	v11 =	vmax.f32 v11, v17;
	[tilespmem:v4+s15+$0x0] =	vst.idx.add.f32.msk $0xffff, v14;
	v12 =	vpop (erf)  }
0x6f: {  	v14 =	vld [tilespmem:s22+$0xFFFFFFF0];
	[tilespmem:s20+$0xFFFFFFD0] =	vst v12;
	v11 =	vmul.f32 $1.442695020e+00, v11;
	(erf) = vpow2.f32 v10  }
0x70: {  	v10 =	vld [tilespmem:s22+$0x0];
	v15 =	vand.u32 $0x3FFF, v13;
	v17 =	vpop (erf)  }
0x71: {  	v4 =	vshrl.u32 v13, $0xE;
	v18 =	vshrl.u32 v8, $0xE;
	v8 =	vand.u32 $0x3FFF, v8;
	v19 =	vld [tilespmem:s22+$0x10];
	[tilespmem:s20+$0xFFFFFFE0] =	vst v17  }
0x72: {  	v13 =	vshrl.u32 v16, $0xE;
	v16 =	vand.u32 $0x3FFF, v16;
	v20 =	vld [tilespmem:s22+$0x20];
	v21 =	vpop (erf);
	(erf) = vpow2.f32 v11  }
0x73: {  	v11 =	vld [tilespmem:s22+$0xFFFFFFC0];
	[tilespmem:s20+$0xFFFFFFF0] =	vst v21  }
0x74: {  	v22 =	vshrl.u32 v14, $0xE;
	v14 =	vand.u32 $0x3FFF, v14;
	[tilespmem:v1+s15+$0x0] =	vst.idx.add.f32.msk $0xffff, v12;
	v12 =	vpop (erf);
	v1 =	vmov v18  }
0x75: {  	v23 =	vshrl.u32 v10, $0xE;
	v10 =	vand.u32 $0x3FFF, v10;
	v15 =	vld.idx.msk [tilespmem:v15+s2+$0x0], $0xffff;
	[tilespmem:s20+$0xFFFFFFC0] =	vst v12  }
0x76: {  	v24 =	vshrl.u32 v19, $0xE;
	v19 =	vand.u32 $0x3FFF, v19;
	v25 =	vld.idx.msk [tilespmem:v4+s13+$0x0], $0xffff;
	v26 =	vpop (erf)  }
0x77: {  	v27 =	vld.idx.msk [tilespmem:v8+s2+$0x0], $0xffff;
	v8 =	vshrl.u32 v20, $0xE;
	v20 =	vand.u32 $0x3FFF, v20;
	[tilespmem:s20+$0x0] =	vst v26  }
0x78: {  	v28 =	vshrl.u32 v11, $0xE;
	v11 =	vand.u32 $0x3FFF, v11;
	v18 =	vld.idx.msk [tilespmem:v18+s13+$0x0], $0xffff;
	v29 =	vpop (erf)  }
0x79: {  	v16 =	vld.idx.msk [tilespmem:v16+s2+$0x0], $0xffff;
	[tilespmem:s20+$0x10] =	vst v29  }
0x7a: {  	v30 =	vld.idx.msk [tilespmem:v13+s13+$0x0], $0xffff  }
0x7b: {  	v14 =	vld.idx.msk [tilespmem:v14+s2+$0x0], $0xffff;
	v31 =	vpop (erf)  }
0x7c: {  	v15 =	vadd.f32 v25, v15;
	v32 =	vld.idx.msk [tilespmem:v22+s13+$0x0], $0xffff;
	[tilespmem:s20+$0x20] =	vst v31  }
0x7d: {  	v11 =	vld.idx.msk [tilespmem:v11+s2+$0x0], $0xffff  }
0x7e: {  	v18 =	vadd.f32 v18, v27;
	v27 =	vmul.f32 $2.000000030e-01, v15;
	v25 =	vld.idx.msk [tilespmem:v28+s13+$0x0], $0xffff  }
0x7f: {  	v10 =	vld.idx.msk [tilespmem:v10+s2+$0x0], $0xffff  }
0x80: {  	v33 =	vmul.f32 $2.000000030e-01, v18;
	v16 =	vadd.f32 v30, v16;
	v15 =	vmax.f32 v15, v27;
	v30 =	vld.idx.msk [tilespmem:v23+s13+$0x0], $0xffff  }
0x81: {  	v15 =	vmul.f32 $1.442695020e+00, v15;
	v19 =	vld.idx.msk [tilespmem:v19+s2+$0x0], $0xffff  }
0x82: {  	v18 =	vmax.f32 v18, v33;
	v27 =	vmul.f32 $2.000000030e-01, v16;
	v14 =	vadd.f32 v32, v14;
	v32 =	vld.idx.msk [tilespmem:v24+s13+$0x0], $0xffff  }
0x83: {  	v18 =	vmul.f32 $1.442695020e+00, v18;
	v20 =	vld.idx.msk [tilespmem:v20+s2+$0x0], $0xffff;
	(erf) = vpow2.f32 v15  }
0x84: {  	v11 =	vadd.f32 v25, v11;
	v15 =	vmax.f32 v16, v27;
	v16 =	vmul.f32 $2.000000030e-01, v14;
	v25 =	vld.idx.msk [tilespmem:v8+s13+$0x0], $0xffff  }
0x85: {  	v15 =	vmul.f32 $1.442695020e+00, v15;
	(erf) = vpow2.f32 v18;
	[tilespmem:v5+s15+$0x0] =	vst.idx.add.f32.msk $0xffff, v12;
	v5 =	vmov v28  }
.Ltmp1:
0x86: {  	v12 =	vmul.f32 $2.000000030e-01, v11;
	v14 =	vmax.f32 v14, v16;
	v16 =	vadd.f32 v30, v10;
	[tilespmem:v2+s15+$0x0] =	vst.idx.add.f32.msk $0xffff, v17;
	(pc) =	sbr.rel @p0 .LBB2_5-.Ltmp1, $4  }
0x87: {  	v17 =	vmul.f32 $1.442695020e+00, v14;
	v2 =	vmovc v13;
	(erf) = vpow2.f32 v15;
	[tilespmem:v3+s15+$0x0] =	vst.idx.add.f32.msk $0xffff, v21;
	v3 =	vmov v22  }
0x88: {  	v11 =	vmax.f32 v11, v12;
	v12 =	vmul.f32 $2.000000030e-01, v16;
	v10 =	vadd.f32 v32, v19;
	[tilespmem:v6+s15+$0x0] =	vst.idx.add.f32.msk $0xffff, v26  }
0x89: {  	v14 =	vmul.f32 $1.442695020e+00, v11;
	v6 =	vmovc v23;
	(erf) = vpow2.f32 v17;
	[tilespmem:v7+s15+$0x0] =	vst.idx.add.f32.msk $0xffff, v29;
	v7 =	vmov v24  }
0x8a: {  	s22 =	sadd.s32 $0x80, s22;
	v15 =	vmax.f32 v16, v12;
	v12 =	vmul.f32 $2.000000030e-01, v10;
	v11 =	vadd.f32 v25, v20;
	[tilespmem:v9+s15+$0x0] =	vst.idx.add.f32.msk $0xffff, v31  }
0x8b: {  	_ = 	snop  }
0x8c: {  	v56 =	vmul.f32 $1.442695020e+00, v15;
	(erf) = vpow2.f32 v14  }
0x8d: {  	s20 =	sadd.s32 $0x80, s20;
	v9 =	vmul.f32 $2.000000030e-01, v11;
	v10 =	vmax.f32 v10, v12;
	v57 =	vpop (erf)  }
0x8e: {  	v10 =	vmul.f32 $1.442695020e+00, v10;
	(erf) = vpow2.f32 v56;
	[tilespmem:s20+$0x30] =	vst v57  }
0x8f: {  	v9 =	vmax.f32 v11, v9;
	v58 =	vpop (erf);
	[tilespmem:v4+s15+$0x0] =	vst.idx.add.f32.msk $0xffff, v57  }
0x90: {  	v9 =	vmul.f32 $1.442695020e+00, v9;
	(erf) = vpow2.f32 v10;
	[tilespmem:s20+$0xFFFFFFD0] =	vst v58  }
0x91: {  	v59 =	vpop (erf);
	[tilespmem:v1+s15+$0x0] =	vst.idx.add.f32.msk $0xffff, v58  }
0x92: {  	(erf) = vpow2.f32 v9;
	[tilespmem:s20+$0xFFFFFFE0] =	vst v59  }
0x93: {  	v60 =	vpop (erf);
	[tilespmem:v2+s15+$0x0] =	vst.idx.add.f32.msk $0xffff, v59  }
0x94: {  	[tilespmem:s20+$0xFFFFFFF0] =	vst v60  }
0x95: {  	v1 =	vpop (erf);
	[tilespmem:v3+s15+$0x0] =	vst.idx.add.f32.msk $0xffff, v60  }
0x96: {  	[tilespmem:s20+$0xFFFFFFC0] =	vst v1  }
0x97: {  	v61 =	vpop (erf);
	[tilespmem:v5+s15+$0x0] =	vst.idx.add.f32.msk $0xffff, v1  }
0x98: {  	[tilespmem:s20+$0x0] =	vst v61  }
0x99: {  	v62 =	vpop (erf);
	[tilespmem:v6+s15+$0x0] =	vst.idx.add.f32.msk $0xffff, v61  }
0x9a: {  	[tilespmem:s20+$0x10] =	vst v62  }
0x9b: {  	s18 =	sadd.s32 $0x1, s18;
	v63 =	vpop (erf);
	[tilespmem:v7+s15+$0x0] =	vst.idx.add.f32.msk $0xffff, v62  }
0x9c: {  	p0 =	sne.s32 s18, $0xA;
	[tilespmem:s20+$0x20] =	vst v63  }
.Ltmp2:
0x9d: {  	s19 =	sadd.s32 s19, s7;
	[tilespmem:v8+s15+$0x0] =	vst.idx.add.f32.msk $0xffff, v63;
	(pc) =	sbr.rel @p0 .LBB2_4-.Ltmp2, $4  }
0x9e: {  	[hbm4b:s19+s10] =	stream.strided.scatter [tilespmem:s16], [sflag:$0x1], $0x1000, s11, s10, $0x38;
	[tilespmem:$0x9800] =	vst v63  }
0x9f: {  	_ =	swait.ge [sflag:s12], $0x1000  }
0xa0: {  	[sflag:s12] =	ssyncset.done $0x0  }
0xa1: {  	[sflag:s12] =	ssyncadd.s32 $0xFFFFF000  }
0xa2: {  	s17 =	sadd.s32 $0x1, s17  }
0xa3: {  	p0 =	sne.s32 s17, s9  }
.Ltmp3:
0xa4: {  	_ = 	snop;
	(pc) =	sbr.rel @p0 .LBB2_1-.Ltmp3, $4  }
0xa5: {  	[hbm4b:s8+s10] =	stream.strided.scatter [tilespmem:s15], [sflag:$0x1], $0x2800, s11, s10, $0x38;
	[tilespmem:$0x9800] =	vst v63  }
0xa6: {  	_ =	swait.ge [sflag:s12], $0x2800  }
0xa7: {  	[sflag:s12] =	ssyncset.done $0x0  }
0xa8: {  	[sflag:s12] =	ssyncadd.s32 $0xFFFFD800  }
0xa9: {  	_ =	sfence.sel $0x180000  }
0xaa: {  	[bflag:$0x0] =	sbarrier.arrive $0xFFFF  }
0xab: {  	p0 =	sne.s32 s1, $0x0;
	_ =	strace $0x90000047  }
0xac: {  	s0 =	sadd.s32 @!p0 $0x100000, s0;
	[bflag:$0x2] =	sbarrier.arrive $0xFFFF  }
0xad: {  	[sflag:s0] =	ssyncadd.tile.s32 @!p0 $0x1;
	_ =	shalt  }
.Lfunc_end2:
_tile_overlayer_lowered:
.L_overlay_start_2:
0xae: {  	(tag) =	ssettag $0x2  }
0xaf: {  	s0 =	rddreg [dreg:$0x0];
	s2 =	stileid.u32  }
0xb0: {  	s1 =	rddreg [dreg:$0x1];
	p0 =	sne.s32 s2, $0x0  }
0xb1: {  	s3 =	rddreg [dreg:$0x2];
	[bflag:$0x3] =	sbarrier.arrive $0xFFFF;
	s2 =	simm.s32 @!p0 $0x1C01  }
0xb2: {  	[timem:s3], [sflag:s2] =	dma.local @!p0 [hbm:s0], s1  }
0xb3: {  	s0 =	simm.s32 @!p0 $0x1  }
0xb4: {  	_ =	swait.ge @!p0 [sflag:s0], s1  }
0xb5: {  	s1 =	ssub.s32 @!p0 $0x0, s1;
	[sflag:s0] =	ssyncset.done @!p0 $0x0  }
0xb6: {  	[sflag:s0] =	ssyncadd.s32 @!p0 s1  }
0xb7: {  	[bflag:$0x3] =	sbarrier.arrive $0xFFFF  }
0xb8: {  	_ =	shalt  }

</sc_bundles>
